<compile_context>
chip_gen: v7x
topology: tpu7x:2x2x1
jax: 0.10.2.dev20260603
libtpu: 0.0.44.dev20260713+nightly
codegen_flags: <defaults>
</compile_context>

<pallas_src>
import jax
import jax.numpy as jnp
from jax import lax
from jax.experimental import pallas as pl
from jax.experimental.pallas import tpu as pltpu
from jax.experimental.pallas import tpu_sc as plsc

N = 10000
E = 320000
IN = 128
HID = 256
OUT = 128

NC, NS = 2, 16
NW = NC * NS
CK = 128
CPW = 80
NCH = NW * CPW
E_PAD = NCH * CK
RPT = 640
NP = NS * RPT
RPT_A = 632
N_ACC = NS * RPT_A
NTRASH = 64

NCHUNK_H = E // CK
BASE_H = NCHUNK_H // NW
EXTRA_H = NCHUNK_H - BASE_H * NW

ROW_BLK = 512

T_AGG = jnp.bfloat16
VW_AGG = 32


def _mesh():
    return plsc.VectorSubcoreMesh(
        core_axis_name="c", subcore_axis_name="s",
        num_cores=NC, num_subcores=NS)


def _sc_histogram(ei3):
    def body(ei_hbm, out_hbm, ib0, ib1, ones_v, stage_v, acc_sh,
             sem_i0, sem_i1):
        c = lax.axis_index("c")
        s = lax.axis_index("s")
        wid = c * NS + s
        base = wid * CPW
        for j in range(CK // 16):
            ones_v[pl.ds(j * 16, 16)] = jnp.ones((16,), jnp.float32)
        for j in range(RPT // 16):
            stage_v[pl.ds(j * 16, 16)] = jnp.zeros((16,), jnp.float32)

        pltpu.sync_copy(stage_v, acc_sh.at[pl.ds(s * RPT, RPT)])
        plsc.subcore_barrier()

        pltpu.async_copy(ei_hbm.at[base, 1], ib0, sem_i0)

        @pl.loop(0, CPW, step=2)
        def _(k):
            cc = base + k
            pltpu.make_async_copy(ei_hbm.at[cc, 1], ib0, sem_i0).wait()
            pltpu.async_copy(ei_hbm.at[cc + 1, 1], ib1, sem_i1)
            pltpu.sync_copy(ones_v, acc_sh.at[ib0], add=True)
            pltpu.make_async_copy(ei_hbm.at[cc + 1, 1], ib1, sem_i1).wait()

            @pl.when(k + 2 < CPW)
            def _():
                pltpu.async_copy(ei_hbm.at[cc + 2, 1], ib0, sem_i0)

            pltpu.sync_copy(ones_v, acc_sh.at[ib1], add=True)

        plsc.subcore_barrier()
        pltpu.sync_copy(acc_sh.at[pl.ds(s * RPT, RPT)], stage_v)
        pltpu.sync_copy(stage_v, out_hbm.at[c, pl.ds(s * RPT, RPT)])

    return pl.kernel(
        body,
        out_type=jax.ShapeDtypeStruct((NC, NP), jnp.float32),
        mesh=_mesh(),
        scratch_types=[
            pltpu.VMEM((CK,), jnp.int32),
            pltpu.VMEM((CK,), jnp.int32),
            pltpu.VMEM((CK,), jnp.float32),
            pltpu.VMEM((RPT,), jnp.float32),
            pltpu.VMEM_SHARED((NP,), jnp.float32),
            pltpu.SemaphoreType.DMA,
            pltpu.SemaphoreType.DMA,
        ],
    )(ei3)


def _sc_edge_aggregate(ei3, table, dtype, vw):
    def body(ei_hbm, tbl_hbm, out_hbm,
             ib0, ib1, rows0, rows1, acc_sh,
             sem_i0, sem_i1, sem_g0, sem_g1, sem_s0, sem_s1, sem_w0, sem_w1):
        c = lax.axis_index("c")
        s = lax.axis_index("s")
        wid = c * NS + s
        base = wid * CPW

        @pl.loop(0, CK)
        def _(r):
            for j in range(IN // vw):
                rows0[r, pl.ds(j * vw, vw)] = jnp.zeros((vw,), dtype)

        for j in range(4):
            pltpu.sync_copy(rows0,
                            acc_sh.at[pl.ds(s * RPT_A + j * CK, CK), :])
        pltpu.sync_copy(rows0.at[pl.ds(0, RPT_A - 4 * CK), :],
                        acc_sh.at[pl.ds(s * RPT_A + 4 * CK, RPT_A - 4 * CK), :])
        plsc.subcore_barrier()

        pltpu.async_copy(ei_hbm.at[base], ib0, sem_i0)
        pltpu.make_async_copy(ei_hbm.at[base], ib0, sem_i0).wait()
        pltpu.async_copy(tbl_hbm.at[ib0.at[0]], rows0, sem_g0)
        pltpu.async_copy(ei_hbm.at[base + 1], ib1, sem_i1)

        @pl.loop(0, CPW, step=2)
        def _(k):
            cc = base + k
            pltpu.make_async_copy(ei_hbm.at[cc + 1], ib1, sem_i1).wait()
            pltpu.make_async_copy(tbl_hbm.at[ib0.at[0]], rows0, sem_g0).wait()
            pltpu.async_copy(tbl_hbm.at[ib1.at[0]], rows1, sem_g1)
            pltpu.async_copy(rows0, acc_sh.at[ib0.at[1]], sem_s0, add=True)
            pltpu.make_async_copy(rows0, acc_sh.at[ib0.at[1]], sem_s0).wait()

            @pl.when(k + 2 < CPW)
            def _():
                pltpu.async_copy(ei_hbm.at[cc + 2], ib0, sem_i0)

            pltpu.make_async_copy(tbl_hbm.at[ib1.at[0]], rows1, sem_g1).wait()
            pltpu.async_copy(rows1, acc_sh.at[ib1.at[1]], sem_s1, add=True)

            @pl.when(k + 2 < CPW)
            def _():
                pltpu.make_async_copy(ei_hbm.at[cc + 2], ib0, sem_i0).wait()
                pltpu.async_copy(tbl_hbm.at[ib0.at[0]], rows0, sem_g0)

            pltpu.make_async_copy(rows1, acc_sh.at[ib1.at[1]], sem_s1).wait()

            @pl.when(k + 2 < CPW)
            def _():
                pltpu.async_copy(ei_hbm.at[cc + 3], ib1, sem_i1)

        plsc.subcore_barrier()

        for j in range(5):
            nrows = CK if j < 4 else RPT_A - 4 * CK
            buf = rows0 if j % 2 == 0 else rows1
            sem = sem_w0 if j % 2 == 0 else sem_w1
            if j >= 2:
                pj = j - 2
                pnr = CK if pj < 4 else RPT_A - 4 * CK
                pbuf = rows0 if pj % 2 == 0 else rows1
                pltpu.make_async_copy(
                    pbuf.at[pl.ds(0, pnr), :],
                    out_hbm.at[c, pl.ds(s * RPT_A + pj * CK, pnr), :],
                    sem).wait()
            pltpu.sync_copy(acc_sh.at[pl.ds(s * RPT_A + j * CK, nrows), :],
                            buf.at[pl.ds(0, nrows), :])
            pltpu.async_copy(buf.at[pl.ds(0, nrows), :],
                             out_hbm.at[c, pl.ds(s * RPT_A + j * CK, nrows), :],
                             sem)
        for j in range(3, 5):
            nrows = CK if j < 4 else RPT_A - 4 * CK
            buf = rows0 if j % 2 == 0 else rows1
            sem = sem_w0 if j % 2 == 0 else sem_w1
            pltpu.make_async_copy(
                buf.at[pl.ds(0, nrows), :],
                out_hbm.at[c, pl.ds(s * RPT_A + j * CK, nrows), :],
                sem).wait()

    return pl.kernel(
        body,
        out_type=jax.ShapeDtypeStruct((NC, NP, IN), dtype),
        mesh=_mesh(),
        compiler_params=pltpu.CompilerParams(use_tc_tiling_on_sc=False),
        scratch_types=[
            pltpu.VMEM((2, CK), jnp.int32),
            pltpu.VMEM((2, CK), jnp.int32),
            pltpu.VMEM((CK, IN), dtype),
            pltpu.VMEM((CK, IN), dtype),
            pltpu.VMEM_SHARED((N_ACC, IN), dtype),
            pltpu.SemaphoreType.DMA,
            pltpu.SemaphoreType.DMA,
            pltpu.SemaphoreType.DMA,
            pltpu.SemaphoreType.DMA,
            pltpu.SemaphoreType.DMA,
            pltpu.SemaphoreType.DMA,
            pltpu.SemaphoreType.DMA,
            pltpu.SemaphoreType.DMA,
        ],
    )(ei3, table)


def _tc_prep(degp_t, xp):
    def body(dp_ref, x_ref, y_ref, dis_ref, dis2_ref):
        deg = dp_ref[:, 0:1] + dp_ref[:, 1:2]
        dis = jnp.where(deg > 0, lax.rsqrt(deg), 0.0)
        dis2 = lax.rsqrt(deg + 1.0)
        y_ref[...] = (dis * x_ref[...]).astype(T_AGG)
        dis_ref[...] = dis
        dis2_ref[...] = dis2

    grid = (NP // ROW_BLK,)
    return pl.pallas_call(
        body,
        grid=grid,
        in_specs=[
            pl.BlockSpec((ROW_BLK, NC), lambda i: (i, 0)),
            pl.BlockSpec((ROW_BLK, IN), lambda i: (i, 0)),
        ],
        out_specs=[
            pl.BlockSpec((ROW_BLK, IN), lambda i: (i, 0)),
            pl.BlockSpec((ROW_BLK, 1), lambda i: (i, 0)),
            pl.BlockSpec((ROW_BLK, 1), lambda i: (i, 0)),
        ],
        out_shape=[
            jax.ShapeDtypeStruct((NP, IN), T_AGG),
            jax.ShapeDtypeStruct((NP, 1), jnp.float32),
            jax.ShapeDtypeStruct((NP, 1), jnp.float32),
        ],
    )(degp_t, xp)


def _tc_dense(zp, dis, dis2, W1, b1r, W2):
    def body(zp_ref, dis_ref, dis2_ref, w1_ref, b1_ref, w2_ref, u_ref, ub_ref):
        zb = (zp_ref[0].astype(jnp.float32) + zp_ref[1].astype(jnp.float32))
        a = dis_ref[...] * zb
        h = lax.dot_general(a, w1_ref[...], (((1,), (1,)), ((), ())),
                            preferred_element_type=jnp.float32) + b1_ref[...]
        xw = lax.dot_general(h, w2_ref[...], (((1,), (1,)), ((), ())),
                             preferred_element_type=jnp.float32)
        u = dis2_ref[...] * xw
        u_ref[...] = u
        ub_ref[...] = u.astype(T_AGG)

    grid = (NP // ROW_BLK,)
    return pl.pallas_call(
        body,
        grid=grid,
        in_specs=[
            pl.BlockSpec((NC, ROW_BLK, IN), lambda i: (0, i, 0)),
            pl.BlockSpec((ROW_BLK, 1), lambda i: (i, 0)),
            pl.BlockSpec((ROW_BLK, 1), lambda i: (i, 0)),
            pl.BlockSpec((HID, IN), lambda i: (0, 0)),
            pl.BlockSpec((1, HID), lambda i: (0, 0)),
            pl.BlockSpec((OUT, HID), lambda i: (0, 0)),
        ],
        out_specs=[
            pl.BlockSpec((ROW_BLK, OUT), lambda i: (i, 0)),
            pl.BlockSpec((ROW_BLK, OUT), lambda i: (i, 0)),
        ],
        out_shape=[
            jax.ShapeDtypeStruct((NP, OUT), jnp.float32),
            jax.ShapeDtypeStruct((NP, OUT), T_AGG),
        ],
    )(zp, dis, dis2, W1, b1r, W2)


def _tc_final(vp, u, dis2, b2r):
    def body(vp_ref, u_ref, dis2_ref, b2_ref, out_ref):
        vb = (vp_ref[0].astype(jnp.float32) + vp_ref[1].astype(jnp.float32)
              + u_ref[...])
        out_ref[...] = dis2_ref[...] * vb + b2_ref[...]

    grid = (NP // ROW_BLK,)
    return pl.pallas_call(
        body,
        grid=grid,
        in_specs=[
            pl.BlockSpec((NC, ROW_BLK, OUT), lambda i: (0, i, 0)),
            pl.BlockSpec((ROW_BLK, OUT), lambda i: (i, 0)),
            pl.BlockSpec((ROW_BLK, 1), lambda i: (i, 0)),
            pl.BlockSpec((1, OUT), lambda i: (0, 0)),
        ],
        out_specs=pl.BlockSpec((ROW_BLK, OUT), lambda i: (i, 0)),
        out_shape=jax.ShapeDtypeStruct((N, OUT), jnp.float32),
    )(vp, u, dis2, b2r)


def _edge_chunks(gidx, sidx):
    pad = E_PAD - E
    lanes = jnp.arange(pad, dtype=jnp.int32) % NTRASH
    g_all = jnp.concatenate([gidx, lanes])
    s_all = jnp.concatenate([sidx, N_ACC - NTRASH + lanes])
    return jnp.stack([g_all.reshape(NCH, CK), s_all.reshape(NCH, CK)], axis=1)


def kernel(x, edge_index, W1, b1, W2, b2):
    row = edge_index[0]
    col = edge_index[1]
    xp = jnp.pad(x, ((0, NP - N), (0, 0)))
    ei_z = _edge_chunks(col, row)
    ei_v = _edge_chunks(row, col)

    degp = _sc_histogram(ei_v)
    y, dis, dis2 = _tc_prep(jnp.transpose(degp), xp)
    zp = _sc_edge_aggregate(ei_z, y, T_AGG, VW_AGG)
    u, ub = _tc_dense(zp, dis, dis2, W1, b1.reshape(1, HID), W2)
    vp = _sc_edge_aggregate(ei_v, ub, T_AGG, VW_AGG)
    return _tc_final(vp, u, dis2, b2.reshape(1, OUT))

# --- scband reference (transcript-rebuilt; emitter-appended) ---
"""Pipeline reference for scband-pa-gnn-43671227466236 (READ-ONLY COPY).

The authoritative reference and input builder live on the scoring server;
editing this copy changes nothing except your own understanding.
"""

import jax, jax.numpy as jnp
import numpy as np

N = 10000
E = 320000
IN = 128
HID = 256
OUT = 128


def setup_inputs(seed: int = 0) -> dict:
    key = jax.random.key(seed)
    k1, k2, k3, k4, k5, k6 = jax.random.split(key, 6)
    x = jax.random.normal(k1, (N, IN), dtype=jnp.float32)
    edge_index = jax.random.randint(k2, (2, E), 0, N, dtype=jnp.int32)
    W1 = jax.random.normal(k3, (HID, IN), dtype=jnp.float32) * (1.0 / np.sqrt(IN))
    b1 = jnp.zeros((HID,), dtype=jnp.float32)
    W2 = jax.random.normal(k4, (OUT, HID), dtype=jnp.float32) * (1.0 / np.sqrt(HID))
    b2 = jnp.zeros((OUT,), dtype=jnp.float32)
    return {"x": x, "edge_index": edge_index, "W1": W1, "b1": b1, "W2": W2, "b2": b2}


def _pagnn_conv(x, edge_index, W, b):
    # mask is None -> ones(N, IN)
    row = edge_index[0]
    col = edge_index[1]
    edge_weight = jnp.ones((edge_index.shape[1],), dtype=jnp.float32)
    deg = jax.ops.segment_sum(edge_weight, col, num_segments=N)
    deg_inv_sqrt = jnp.where(deg > 0, deg ** -0.5, 0.0)
    norm_w = deg_inv_sqrt[row] * edge_weight * deg_inv_sqrt[col]
    # X_obs = mask * x = x (mask of ones)
    # numerator = A_hat @ X_obs
    numerator = jax.ops.segment_sum(norm_w[:, None] * x[col], row, num_segments=N)
    # denominator = A_hat @ mask ; mask is all-ones so each column is row-sum of A_hat
    row_sum = jax.ops.segment_sum(norm_w, row, num_segments=N)
    denominator = jnp.broadcast_to(row_sum[:, None], numerator.shape)
    partial = numerator / (denominator + 1e-10)
    D_hat = row_sum[:, None]
    partial = D_hat * partial
    return partial @ W.T + b


def _gcn_conv(x, edge_index, W, b):
    # torch_geometric GCNConv with add_self_loops=True, normalize=True
    loop = jnp.arange(N, dtype=edge_index.dtype)
    row = jnp.concatenate([edge_index[0], loop])
    col = jnp.concatenate([edge_index[1], loop])
    ew = jnp.ones((row.shape[0],), dtype=jnp.float32)
    deg = jax.ops.segment_sum(ew, col, num_segments=N)
    deg_inv_sqrt = jnp.where(deg > 0, deg ** -0.5, 0.0)
    norm = deg_inv_sqrt[row] * ew * deg_inv_sqrt[col]
    xw = x @ W.T
    out = jax.ops.segment_sum(norm[:, None] * xw[row], col, num_segments=N)
    return out + b


def reference(x, edge_index, W1, b1, W2, b2):
    # num_layers=2 -> gc_layers is empty; eval mode so dropout is a no-op anyway
    h = _pagnn_conv(x, edge_index, W1, b1)
    out = _gcn_conv(h, edge_index, W2, b2)
    return out

if __name__ == "__main__":
    import jax
    _d = setup_inputs()
    print(jax.jit(kernel)(*tuple(_d.values())))

</pallas_src>

<mosaic_0001>
#map = affine_map<(d0, d1) -> (0, 0, 0)>
#map1 = affine_map<(d0, d1) -> (0, 0)>
module attributes {stable_mosaic.version = 14 : i64} {
  func.func @body(%arg0: i32, %arg1: i32, %arg2: memref<2560x2x128xi32, #tpu.memory_space<hbm>>, %arg3: memref<2x10240xf32, #tpu.memory_space<hbm>>, %arg4: memref<128xi32, #tpu.memory_space<vmem>>, %arg5: memref<128xi32, #tpu.memory_space<vmem>>, %arg6: memref<128xf32, #tpu.memory_space<vmem>>, %arg7: memref<640xf32, #tpu.memory_space<vmem>>, %arg8: memref<10240xf32, #tpu.memory_space<vmem_shared>>, %arg9: memref<!tpu.dma_semaphore, #tpu.memory_space<semaphore_mem>>, %arg10: memref<!tpu.dma_semaphore, #tpu.memory_space<semaphore_mem>>) attributes {dimension_semantics = [#tpu.dimension_semantics<core_parallel>, #tpu.dimension_semantics<subcore_parallel>], iteration_bounds = array<i64: 2, 16>, scalar_prefetch = 0 : i64, scratch_operands = 7 : i64, tpu.core_type = #tpu.core_type<sc_vector_subcore>, window_params = [{transform_indices = #map}, {transform_indices = #map1}]} {
    %mul3A = arith.constant 16 : i32
    %mul3A_0 = arith.muli %arg0, %mul3A : i32
    %add3A = arith.addi %mul3A_0, %arg1 : i32
    %mul3A_1 = arith.constant 80 : i32
    %mul3A_2 = arith.muli %add3A, %mul3A_1 : i32
    %broadcast_in_dim3A = arith.constant 1.000000e+00 : f32
    %broadcast_in_dim3A_3 = vector.broadcast %broadcast_in_dim3A : f32 to vector<16xf32>
    %swap3A = arith.constant 0 : index
    %swap3A_4 = tpu.vector_load %arg6[%swap3A] {strides = array<i32>} : memref<128xf32, #tpu.memory_space<vmem>>, vector<16xf32>,
    %swap3A_5 = vector.shape_cast %swap3A_4 : vector<16xf32> to vector<16xf32>
    %swap3A_6 = vector.shape_cast %broadcast_in_dim3A_3 : vector<16xf32> to vector<16xf32>
    tpu.vector_store %arg6[%swap3A], %swap3A_6 {strides = array<i32>} : memref<128xf32, #tpu.memory_space<vmem>>, vector<16xf32>,
    %broadcast_in_dim3A_7 = arith.constant 1.000000e+00 : f32
    %broadcast_in_dim3A_8 = vector.broadcast %broadcast_in_dim3A_7 : f32 to vector<16xf32>
    %swap3A_9 = arith.constant 16 : index
    %swap3A_10 = tpu.vector_load %arg6[%swap3A_9] {strides = array<i32>} : memref<128xf32, #tpu.memory_space<vmem>>, vector<16xf32>,
    %swap3A_11 = vector.shape_cast %swap3A_10 : vector<16xf32> to vector<16xf32>
    %swap3A_12 = vector.shape_cast %broadcast_in_dim3A_8 : vector<16xf32> to vector<16xf32>
    tpu.vector_store %arg6[%swap3A_9], %swap3A_12 {strides = array<i32>} : memref<128xf32, #tpu.memory_space<vmem>>, vector<16xf32>,
    %broadcast_in_dim3A_13 = arith.constant 1.000000e+00 : f32
    %broadcast_in_dim3A_14 = vector.broadcast %broadcast_in_dim3A_13 : f32 to vector<16xf32>
    %swap3A_15 = arith.constant 32 : index
    %swap3A_16 = tpu.vector_load %arg6[%swap3A_15] {strides = array<i32>} : memref<128xf32, #tpu.memory_space<vmem>>, vector<16xf32>,
    %swap3A_17 = vector.shape_cast %swap3A_16 : vector<16xf32> to vector<16xf32>
    %swap3A_18 = vector.shape_cast %broadcast_in_dim3A_14 : vector<16xf32> to vector<16xf32>
    tpu.vector_store %arg6[%swap3A_15], %swap3A_18 {strides = array<i32>} : memref<128xf32, #tpu.memory_space<vmem>>, vector<16xf32>,
    %broadcast_in_dim3A_19 = arith.constant 1.000000e+00 : f32
    %broadcast_in_dim3A_20 = vector.broadcast %broadcast_in_dim3A_19 : f32 to vector<16xf32>
    %swap3A_21 = arith.constant 48 : index
    %swap3A_22 = tpu.vector_load %arg6[%swap3A_21] {strides = array<i32>} : memref<128xf32, #tpu.memory_space<vmem>>, vector<16xf32>,
    %swap3A_23 = vector.shape_cast %swap3A_22 : vector<16xf32> to vector<16xf32>
    %swap3A_24 = vector.shape_cast %broadcast_in_dim3A_20 : vector<16xf32> to vector<16xf32>
    tpu.vector_store %arg6[%swap3A_21], %swap3A_24 {strides = array<i32>} : memref<128xf32, #tpu.memory_space<vmem>>, vector<16xf32>,
    %broadcast_in_dim3A_25 = arith.constant 1.000000e+00 : f32
    %broadcast_in_dim3A_26 = vector.broadcast %broadcast_in_dim3A_25 : f32 to vector<16xf32>
    %swap3A_27 = arith.constant 64 : index
    %swap3A_28 = tpu.vector_load %arg6[%swap3A_27] {strides = array<i32>} : memref<128xf32, #tpu.memory_space<vmem>>, vector<16xf32>,
    %swap3A_29 = vector.shape_cast %swap3A_28 : vector<16xf32> to vector<16xf32>
    %swap3A_30 = vector.shape_cast %broadcast_in_dim3A_26 : vector<16xf32> to vector<16xf32>
    tpu.vector_store %arg6[%swap3A_27], %swap3A_30 {strides = array<i32>} : memref<128xf32, #tpu.memory_space<vmem>>, vector<16xf32>,
    %broadcast_in_dim3A_31 = arith.constant 1.000000e+00 : f32
    %broadcast_in_dim3A_32 = vector.broadcast %broadcast_in_dim3A_31 : f32 to vector<16xf32>
    %swap3A_33 = arith.constant 80 : index
    %swap3A_34 = tpu.vector_load %arg6[%swap3A_33] {strides = array<i32>} : memref<128xf32, #tpu.memory_space<vmem>>, vector<16xf32>,
    %swap3A_35 = vector.shape_cast %swap3A_34 : vector<16xf32> to vector<16xf32>
    %swap3A_36 = vector.shape_cast %broadcast_in_dim3A_32 : vector<16xf32> to vector<16xf32>
    tpu.vector_store %arg6[%swap3A_33], %swap3A_36 {strides = array<i32>} : memref<128xf32, #tpu.memory_space<vmem>>, vector<16xf32>,
    %broadcast_in_dim3A_37 = arith.constant 1.000000e+00 : f32
    %broadcast_in_dim3A_38 = vector.broadcast %broadcast_in_dim3A_37 : f32 to vector<16xf32>
    %swap3A_39 = arith.constant 96 : index
    %swap3A_40 = tpu.vector_load %arg6[%swap3A_39] {strides = array<i32>} : memref<128xf32, #tpu.memory_space<vmem>>, vector<16xf32>,
    %swap3A_41 = vector.shape_cast %swap3A_40 : vector<16xf32> to vector<16xf32>
    %swap3A_42 = vector.shape_cast %broadcast_in_dim3A_38 : vector<16xf32> to vector<16xf32>
    tpu.vector_store %arg6[%swap3A_39], %swap3A_42 {strides = array<i32>} : memref<128xf32, #tpu.memory_space<vmem>>, vector<16xf32>,
    %broadcast_in_dim3A_43 = arith.constant 1.000000e+00 : f32
    %broadcast_in_dim3A_44 = vector.broadcast %broadcast_in_dim3A_43 : f32 to vector<16xf32>
    %swap3A_45 = arith.constant 112 : index
    %swap3A_46 = tpu.vector_load %arg6[%swap3A_45] {strides = array<i32>} : memref<128xf32, #tpu.memory_space<vmem>>, vector<16xf32>,
    %swap3A_47 = vector.shape_cast %swap3A_46 : vector<16xf32> to vector<16xf32>
    %swap3A_48 = vector.shape_cast %broadcast_in_dim3A_44 : vector<16xf32> to vector<16xf32>
    tpu.vector_store %arg6[%swap3A_45], %swap3A_48 {strides = array<i32>} : memref<128xf32, #tpu.memory_space<vmem>>, vector<16xf32>,
    %broadcast_in_dim3A_49 = arith.constant 0.000000e+00 : f32
    %broadcast_in_dim3A_50 = vector.broadcast %broadcast_in_dim3A_49 : f32 to vector<16xf32>
    %swap3A_51 = arith.constant 0 : index
    %swap3A_52 = tpu.vector_load %arg7[%swap3A_51] {strides = array<i32>} : memref<640xf32, #tpu.memory_space<vmem>>, vector<16xf32>,
    %swap3A_53 = vector.shape_cast %swap3A_52 : vector<16xf32> to vector<16xf32>
    %swap3A_54 = vector.shape_cast %broadcast_in_dim3A_50 : vector<16xf32> to vector<16xf32>
    tpu.vector_store %arg7[%swap3A_51], %swap3A_54 {strides = array<i32>} : memref<640xf32, #tpu.memory_space<vmem>>, vector<16xf32>,
    %broadcast_in_dim3A_55 = arith.constant 0.000000e+00 : f32
    %broadcast_in_dim3A_56 = vector.broadcast %broadcast_in_dim3A_55 : f32 to vector<16xf32>
    %swap3A_57 = arith.constant 16 : index
    %swap3A_58 = tpu.vector_load %arg7[%swap3A_57] {strides = array<i32>} : memref<640xf32, #tpu.memory_space<vmem>>, vector<16xf32>,
    %swap3A_59 = vector.shape_cast %swap3A_58 : vector<16xf32> to vector<16xf32>
    %swap3A_60 = vector.shape_cast %broadcast_in_dim3A_56 : vector<16xf32> to vector<16xf32>
    tpu.vector_store %arg7[%swap3A_57], %swap3A_60 {strides = array<i32>} : memref<640xf32, #tpu.memory_space<vmem>>, vector<16xf32>,
    %broadcast_in_dim3A_61 = arith.constant 0.000000e+00 : f32
    %broadcast_in_dim3A_62 = vector.broadcast %broadcast_in_dim3A_61 : f32 to vector<16xf32>
    %swap3A_63 = arith.constant 32 : index
    %swap3A_64 = tpu.vector_load %arg7[%swap3A_63] {strides = array<i32>} : memref<640xf32, #tpu.memory_space<vmem>>, vector<16xf32>,
    %swap3A_65 = vector.shape_cast %swap3A_64 : vector<16xf32> to vector<16xf32>
    %swap3A_66 = vector.shape_cast %broadcast_in_dim3A_62 : vector<16xf32> to vector<16xf32>
    tpu.vector_store %arg7[%swap3A_63], %swap3A_66 {strides = array<i32>} : memref<640xf32, #tpu.memory_space<vmem>>, vector<16xf32>,
    %broadcast_in_dim3A_67 = arith.constant 0.000000e+00 : f32
    %broadcast_in_dim3A_68 = vector.broadcast %broadcast_in_dim3A_67 : f32 to vector<16xf32>
    %swap3A_69 = arith.constant 48 : index
    %swap3A_70 = tpu.vector_load %arg7[%swap3A_69] {strides = array<i32>} : memref<640xf32, #tpu.memory_space<vmem>>, vector<16xf32>,
    %swap3A_71 = vector.shape_cast %swap3A_70 : vector<16xf32> to vector<16xf32>
    %swap3A_72 = vector.shape_cast %broadcast_in_dim3A_68 : vector<16xf32> to vector<16xf32>
    tpu.vector_store %arg7[%swap3A_69], %swap3A_72 {strides = array<i32>} : memref<640xf32, #tpu.memory_space<vmem>>, vector<16xf32>,
    %broadcast_in_dim3A_73 = arith.constant 0.000000e+00 : f32
    %broadcast_in_dim3A_74 = vector.broadcast %broadcast_in_dim3A_73 : f32 to vector<16xf32>
    %swap3A_75 = arith.constant 64 : index
    %swap3A_76 = tpu.vector_load %arg7[%swap3A_75] {strides = array<i32>} : memref<640xf32, #tpu.memory_space<vmem>>, vector<16xf32>,
    %swap3A_77 = vector.shape_cast %swap3A_76 : vector<16xf32> to vector<16xf32>
    %swap3A_78 = vector.shape_cast %broadcast_in_dim3A_74 : vector<16xf32> to vector<16xf32>
    tpu.vector_store %arg7[%swap3A_75], %swap3A_78 {strides = array<i32>} : memref<640xf32, #tpu.memory_space<vmem>>, vector<16xf32>,
    %broadcast_in_dim3A_79 = arith.constant 0.000000e+00 : f32
    %broadcast_in_dim3A_80 = vector.broadcast %broadcast_in_dim3A_79 : f32 to vector<16xf32>
    %swap3A_81 = arith.constant 80 : index
    %swap3A_82 = tpu.vector_load %arg7[%swap3A_81] {strides = array<i32>} : memref<640xf32, #tpu.memory_space<vmem>>, vector<16xf32>,
    %swap3A_83 = vector.shape_cast %swap3A_82 : vector<16xf32> to vector<16xf32>
    %swap3A_84 = vector.shape_cast %broadcast_in_dim3A_80 : vector<16xf32> to vector<16xf32>
    tpu.vector_store %arg7[%swap3A_81], %swap3A_84 {strides = array<i32>} : memref<640xf32, #tpu.memory_space<vmem>>, vector<16xf32>,
    %broadcast_in_dim3A_85 = arith.constant 0.000000e+00 : f32
    %broadcast_in_dim3A_86 = vector.broadcast %broadcast_in_dim3A_85 : f32 to vector<16xf32>
    %swap3A_87 = arith.constant 96 : index
    %swap3A_88 = tpu.vector_load %arg7[%swap3A_87] {strides = array<i32>} : memref<640xf32, #tpu.memory_space<vmem>>, vector<16xf32>,
    %swap3A_89 = vector.shape_cast %swap3A_88 : vector<16xf32> to vector<16xf32>
    %swap3A_90 = vector.shape_cast %broadcast_in_dim3A_86 : vector<16xf32> to vector<16xf32>
    tpu.vector_store %arg7[%swap3A_87], %swap3A_90 {strides = array<i32>} : memref<640xf32, #tpu.memory_space<vmem>>, vector<16xf32>,
    %broadcast_in_dim3A_91 = arith.constant 0.000000e+00 : f32
    %broadcast_in_dim3A_92 = vector.broadcast %broadcast_in_dim3A_91 : f32 to vector<16xf32>
    %swap3A_93 = arith.constant 112 : index
    %swap3A_94 = tpu.vector_load %arg7[%swap3A_93] {strides = array<i32>} : memref<640xf32, #tpu.memory_space<vmem>>, vector<16xf32>,
    %swap3A_95 = vector.shape_cast %swap3A_94 : vector<16xf32> to vector<16xf32>
    %swap3A_96 = vector.shape_cast %broadcast_in_dim3A_92 : vector<16xf32> to vector<16xf32>
    tpu.vector_store %arg7[%swap3A_93], %swap3A_96 {strides = array<i32>} : memref<640xf32, #tpu.memory_space<vmem>>, vector<16xf32>,
    %broadcast_in_dim3A_97 = arith.constant 0.000000e+00 : f32
    %broadcast_in_dim3A_98 = vector.broadcast %broadcast_in_dim3A_97 : f32 to vector<16xf32>
    %swap3A_99 = arith.constant 128 : index
    %swap3A_100 = tpu.vector_load %arg7[%swap3A_99] {strides = array<i32>} : memref<640xf32, #tpu.memory_space<vmem>>, vector<16xf32>,
    %swap3A_101 = vector.shape_cast %swap3A_100 : vector<16xf32> to vector<16xf32>
    %swap3A_102 = vector.shape_cast %broadcast_in_dim3A_98 : vector<16xf32> to vector<16xf32>
    tpu.vector_store %arg7[%swap3A_99], %swap3A_102 {strides = array<i32>} : memref<640xf32, #tpu.memory_space<vmem>>, vector<16xf32>,
    %broadcast_in_dim3A_103 = arith.constant 0.000000e+00 : f32
    %broadcast_in_dim3A_104 = vector.broadcast %broadcast_in_dim3A_103 : f32 to vector<16xf32>
    %swap3A_105 = arith.constant 144 : index
    %swap3A_106 = tpu.vector_load %arg7[%swap3A_105] {strides = array<i32>} : memref<640xf32, #tpu.memory_space<vmem>>, vector<16xf32>,
    %swap3A_107 = vector.shape_cast %swap3A_106 : vector<16xf32> to vector<16xf32>
    %swap3A_108 = vector.shape_cast %broadcast_in_dim3A_104 : vector<16xf32> to vector<16xf32>
    tpu.vector_store %arg7[%swap3A_105], %swap3A_108 {strides = array<i32>} : memref<640xf32, #tpu.memory_space<vmem>>, vector<16xf32>,
    %broadcast_in_dim3A_109 = arith.constant 0.000000e+00 : f32
    %broadcast_in_dim3A_110 = vector.broadcast %broadcast_in_dim3A_109 : f32 to vector<16xf32>
    %swap3A_111 = arith.constant 160 : index
    %swap3A_112 = tpu.vector_load %arg7[%swap3A_111] {strides = array<i32>} : memref<640xf32, #tpu.memory_space<vmem>>, vector<16xf32>,
    %swap3A_113 = vector.shape_cast %swap3A_112 : vector<16xf32> to vector<16xf32>
    %swap3A_114 = vector.shape_cast %broadcast_in_dim3A_110 : vector<16xf32> to vector<16xf32>
    tpu.vector_store %arg7[%swap3A_111], %swap3A_114 {strides = array<i32>} : memref<640xf32, #tpu.memory_space<vmem>>, vector<16xf32>,
    %broadcast_in_dim3A_115 = arith.constant 0.000000e+00 : f32
    %broadcast_in_dim3A_116 = vector.broadcast %broadcast_in_dim3A_115 : f32 to vector<16xf32>
    %swap3A_117 = arith.constant 176 : index
    %swap3A_118 = tpu.vector_load %arg7[%swap3A_117] {strides = array<i32>} : memref<640xf32, #tpu.memory_space<vmem>>, vector<16xf32>,
    %swap3A_119 = vector.shape_cast %swap3A_118 : vector<16xf32> to vector<16xf32>
    %swap3A_120 = vector.shape_cast %broadcast_in_dim3A_116 : vector<16xf32> to vector<16xf32>
    tpu.vector_store %arg7[%swap3A_117], %swap3A_120 {strides = array<i32>} : memref<640xf32, #tpu.memory_space<vmem>>, vector<16xf32>,
    %broadcast_in_dim3A_121 = arith.constant 0.000000e+00 : f32
    %broadcast_in_dim3A_122 = vector.broadcast %broadcast_in_dim3A_121 : f32 to vector<16xf32>
    %swap3A_123 = arith.constant 192 : index
    %swap3A_124 = tpu.vector_load %arg7[%swap3A_123] {strides = array<i32>} : memref<640xf32, #tpu.memory_space<vmem>>, vector<16xf32>,
    %swap3A_125 = vector.shape_cast %swap3A_124 : vector<16xf32> to vector<16xf32>
    %swap3A_126 = vector.shape_cast %broadcast_in_dim3A_122 : vector<16xf32> to vector<16xf32>
    tpu.vector_store %arg7[%swap3A_123], %swap3A_126 {strides = array<i32>} : memref<640xf32, #tpu.memory_space<vmem>>, vector<16xf32>,
    %broadcast_in_dim3A_127 = arith.constant 0.000000e+00 : f32
    %broadcast_in_dim3A_128 = vector.broadcast %broadcast_in_dim3A_127 : f32 to vector<16xf32>
    %swap3A_129 = arith.constant 208 : index
    %swap3A_130 = tpu.vector_load %arg7[%swap3A_129] {strides = array<i32>} : memref<640xf32, #tpu.memory_space<vmem>>, vector<16xf32>,
    %swap3A_131 = vector.shape_cast %swap3A_130 : vector<16xf32> to vector<16xf32>
    %swap3A_132 = vector.shape_cast %broadcast_in_dim3A_128 : vector<16xf32> to vector<16xf32>
    tpu.vector_store %arg7[%swap3A_129], %swap3A_132 {strides = array<i32>} : memref<640xf32, #tpu.memory_space<vmem>>, vector<16xf32>,
    %broadcast_in_dim3A_133 = arith.constant 0.000000e+00 : f32
    %broadcast_in_dim3A_134 = vector.broadcast %broadcast_in_dim3A_133 : f32 to vector<16xf32>
    %swap3A_135 = arith.constant 224 : index
    %swap3A_136 = tpu.vector_load %arg7[%swap3A_135] {strides = array<i32>} : memref<640xf32, #tpu.memory_space<vmem>>, vector<16xf32>,
    %swap3A_137 = vector.shape_cast %swap3A_136 : vector<16xf32> to vector<16xf32>
    %swap3A_138 = vector.shape_cast %broadcast_in_dim3A_134 : vector<16xf32> to vector<16xf32>
    tpu.vector_store %arg7[%swap3A_135], %swap3A_138 {strides = array<i32>} : memref<640xf32, #tpu.memory_space<vmem>>, vector<16xf32>,
    %broadcast_in_dim3A_139 = arith.constant 0.000000e+00 : f32
    %broadcast_in_dim3A_140 = vector.broadcast %broadcast_in_dim3A_139 : f32 to vector<16xf32>
    %swap3A_141 = arith.constant 240 : index
    %swap3A_142 = tpu.vector_load %arg7[%swap3A_141] {strides = array<i32>} : memref<640xf32, #tpu.memory_space<vmem>>, vector<16xf32>,
    %swap3A_143 = vector.shape_cast %swap3A_142 : vector<16xf32> to vector<16xf32>
    %swap3A_144 = vector.shape_cast %broadcast_in_dim3A_140 : vector<16xf32> to vector<16xf32>
    tpu.vector_store %arg7[%swap3A_141], %swap3A_144 {strides = array<i32>} : memref<640xf32, #tpu.memory_space<vmem>>, vector<16xf32>,
    %broadcast_in_dim3A_145 = arith.constant 0.000000e+00 : f32
    %broadcast_in_dim3A_146 = vector.broadcast %broadcast_in_dim3A_145 : f32 to vector<16xf32>
    %swap3A_147 = arith.constant 256 : index
    %swap3A_148 = tpu.vector_load %arg7[%swap3A_147] {strides = array<i32>} : memref<640xf32, #tpu.memory_space<vmem>>, vector<16xf32>,
    %swap3A_149 = vector.shape_cast %swap3A_148 : vector<16xf32> to vector<16xf32>
    %swap3A_150 = vector.shape_cast %broadcast_in_dim3A_146 : vector<16xf32> to vector<16xf32>
    tpu.vector_store %arg7[%swap3A_147], %swap3A_150 {strides = array<i32>} : memref<640xf32, #tpu.memory_space<vmem>>, vector<16xf32>,
    %broadcast_in_dim3A_151 = arith.constant 0.000000e+00 : f32
    %broadcast_in_dim3A_152 = vector.broadcast %broadcast_in_dim3A_151 : f32 to vector<16xf32>
    %swap3A_153 = arith.constant 272 : index
    %swap3A_154 = tpu.vector_load %arg7[%swap3A_153] {strides = array<i32>} : memref<640xf32, #tpu.memory_space<vmem>>, vector<16xf32>,
    %swap3A_155 = vector.shape_cast %swap3A_154 : vector<16xf32> to vector<16xf32>
    %swap3A_156 = vector.shape_cast %broadcast_in_dim3A_152 : vector<16xf32> to vector<16xf32>
    tpu.vector_store %arg7[%swap3A_153], %swap3A_156 {strides = array<i32>} : memref<640xf32, #tpu.memory_space<vmem>>, vector<16xf32>,
    %broadcast_in_dim3A_157 = arith.constant 0.000000e+00 : f32
    %broadcast_in_dim3A_158 = vector.broadcast %broadcast_in_dim3A_157 : f32 to vector<16xf32>
    %swap3A_159 = arith.constant 288 : index
    %swap3A_160 = tpu.vector_load %arg7[%swap3A_159] {strides = array<i32>} : memref<640xf32, #tpu.memory_space<vmem>>, vector<16xf32>,
    %swap3A_161 = vector.shape_cast %swap3A_160 : vector<16xf32> to vector<16xf32>
    %swap3A_162 = vector.shape_cast %broadcast_in_dim3A_158 : vector<16xf32> to vector<16xf32>
    tpu.vector_store %arg7[%swap3A_159], %swap3A_162 {strides = array<i32>} : memref<640xf32, #tpu.memory_space<vmem>>, vector<16xf32>,
    %broadcast_in_dim3A_163 = arith.constant 0.000000e+00 : f32
    %broadcast_in_dim3A_164 = vector.broadcast %broadcast_in_dim3A_163 : f32 to vector<16xf32>
    %swap3A_165 = arith.constant 304 : index
    %swap3A_166 = tpu.vector_load %arg7[%swap3A_165] {strides = array<i32>} : memref<640xf32, #tpu.memory_space<vmem>>, vector<16xf32>,
    %swap3A_167 = vector.shape_cast %swap3A_166 : vector<16xf32> to vector<16xf32>
    %swap3A_168 = vector.shape_cast %broadcast_in_dim3A_164 : vector<16xf32> to vector<16xf32>
    tpu.vector_store %arg7[%swap3A_165], %swap3A_168 {strides = array<i32>} : memref<640xf32, #tpu.memory_space<vmem>>, vector<16xf32>,
    %broadcast_in_dim3A_169 = arith.constant 0.000000e+00 : f32
    %broadcast_in_dim3A_170 = vector.broadcast %broadcast_in_dim3A_169 : f32 to vector<16xf32>
    %swap3A_171 = arith.constant 320 : index
    %swap3A_172 = tpu.vector_load %arg7[%swap3A_171] {strides = array<i32>} : memref<640xf32, #tpu.memory_space<vmem>>, vector<16xf32>,
    %swap3A_173 = vector.shape_cast %swap3A_172 : vector<16xf32> to vector<16xf32>
    %swap3A_174 = vector.shape_cast %broadcast_in_dim3A_170 : vector<16xf32> to vector<16xf32>
    tpu.vector_store %arg7[%swap3A_171], %swap3A_174 {strides = array<i32>} : memref<640xf32, #tpu.memory_space<vmem>>, vector<16xf32>,
    %broadcast_in_dim3A_175 = arith.constant 0.000000e+00 : f32
    %broadcast_in_dim3A_176 = vector.broadcast %broadcast_in_dim3A_175 : f32 to vector<16xf32>
    %swap3A_177 = arith.constant 336 : index
    %swap3A_178 = tpu.vector_load %arg7[%swap3A_177] {strides = array<i32>} : memref<640xf32, #tpu.memory_space<vmem>>, vector<16xf32>,
    %swap3A_179 = vector.shape_cast %swap3A_178 : vector<16xf32> to vector<16xf32>
    %swap3A_180 = vector.shape_cast %broadcast_in_dim3A_176 : vector<16xf32> to vector<16xf32>
    tpu.vector_store %arg7[%swap3A_177], %swap3A_180 {strides = array<i32>} : memref<640xf32, #tpu.memory_space<vmem>>, vector<16xf32>,
    %broadcast_in_dim3A_181 = arith.constant 0.000000e+00 : f32
    %broadcast_in_dim3A_182 = vector.broadcast %broadcast_in_dim3A_181 : f32 to vector<16xf32>
    %swap3A_183 = arith.constant 352 : index
    %swap3A_184 = tpu.vector_load %arg7[%swap3A_183] {strides = array<i32>} : memref<640xf32, #tpu.memory_space<vmem>>, vector<16xf32>,
    %swap3A_185 = vector.shape_cast %swap3A_184 : vector<16xf32> to vector<16xf32>
    %swap3A_186 = vector.shape_cast %broadcast_in_dim3A_182 : vector<16xf32> to vector<16xf32>
    tpu.vector_store %arg7[%swap3A_183], %swap3A_186 {strides = array<i32>} : memref<640xf32, #tpu.memory_space<vmem>>, vector<16xf32>,
    %broadcast_in_dim3A_187 = arith.constant 0.000000e+00 : f32
    %broadcast_in_dim3A_188 = vector.broadcast %broadcast_in_dim3A_187 : f32 to vector<16xf32>
    %swap3A_189 = arith.constant 368 : index
    %swap3A_190 = tpu.vector_load %arg7[%swap3A_189] {strides = array<i32>} : memref<640xf32, #tpu.memory_space<vmem>>, vector<16xf32>,
    %swap3A_191 = vector.shape_cast %swap3A_190 : vector<16xf32> to vector<16xf32>
    %swap3A_192 = vector.shape_cast %broadcast_in_dim3A_188 : vector<16xf32> to vector<16xf32>
    tpu.vector_store %arg7[%swap3A_189], %swap3A_192 {strides = array<i32>} : memref<640xf32, #tpu.memory_space<vmem>>, vector<16xf32>,
    %broadcast_in_dim3A_193 = arith.constant 0.000000e+00 : f32
    %broadcast_in_dim3A_194 = vector.broadcast %broadcast_in_dim3A_193 : f32 to vector<16xf32>
    %swap3A_195 = arith.constant 384 : index
    %swap3A_196 = tpu.vector_load %arg7[%swap3A_195] {strides = array<i32>} : memref<640xf32, #tpu.memory_space<vmem>>, vector<16xf32>,
    %swap3A_197 = vector.shape_cast %swap3A_196 : vector<16xf32> to vector<16xf32>
    %swap3A_198 = vector.shape_cast %broadcast_in_dim3A_194 : vector<16xf32> to vector<16xf32>
    tpu.vector_store %arg7[%swap3A_195], %swap3A_198 {strides = array<i32>} : memref<640xf32, #tpu.memory_space<vmem>>, vector<16xf32>,
    %broadcast_in_dim3A_199 = arith.constant 0.000000e+00 : f32
    %broadcast_in_dim3A_200 = vector.broadcast %broadcast_in_dim3A_199 : f32 to vector<16xf32>
    %swap3A_201 = arith.constant 400 : index
    %swap3A_202 = tpu.vector_load %arg7[%swap3A_201] {strides = array<i32>} : memref<640xf32, #tpu.memory_space<vmem>>, vector<16xf32>,
    %swap3A_203 = vector.shape_cast %swap3A_202 : vector<16xf32> to vector<16xf32>
    %swap3A_204 = vector.shape_cast %broadcast_in_dim3A_200 : vector<16xf32> to vector<16xf32>
    tpu.vector_store %arg7[%swap3A_201], %swap3A_204 {strides = array<i32>} : memref<640xf32, #tpu.memory_space<vmem>>, vector<16xf32>,
    %broadcast_in_dim3A_205 = arith.constant 0.000000e+00 : f32
    %broadcast_in_dim3A_206 = vector.broadcast %broadcast_in_dim3A_205 : f32 to vector<16xf32>
    %swap3A_207 = arith.constant 416 : index
    %swap3A_208 = tpu.vector_load %arg7[%swap3A_207] {strides = array<i32>} : memref<640xf32, #tpu.memory_space<vmem>>, vector<16xf32>,
    %swap3A_209 = vector.shape_cast %swap3A_208 : vector<16xf32> to vector<16xf32>
    %swap3A_210 = vector.shape_cast %broadcast_in_dim3A_206 : vector<16xf32> to vector<16xf32>
    tpu.vector_store %arg7[%swap3A_207], %swap3A_210 {strides = array<i32>} : memref<640xf32, #tpu.memory_space<vmem>>, vector<16xf32>,
    %broadcast_in_dim3A_211 = arith.constant 0.000000e+00 : f32
    %broadcast_in_dim3A_212 = vector.broadcast %broadcast_in_dim3A_211 : f32 to vector<16xf32>
    %swap3A_213 = arith.constant 432 : index
    %swap3A_214 = tpu.vector_load %arg7[%swap3A_213] {strides = array<i32>} : memref<640xf32, #tpu.memory_space<vmem>>, vector<16xf32>,
    %swap3A_215 = vector.shape_cast %swap3A_214 : vector<16xf32> to vector<16xf32>
    %swap3A_216 = vector.shape_cast %broadcast_in_dim3A_212 : vector<16xf32> to vector<16xf32>
    tpu.vector_store %arg7[%swap3A_213], %swap3A_216 {strides = array<i32>} : memref<640xf32, #tpu.memory_space<vmem>>, vector<16xf32>,
    %broadcast_in_dim3A_217 = arith.constant 0.000000e+00 : f32
    %broadcast_in_dim3A_218 = vector.broadcast %broadcast_in_dim3A_217 : f32 to vector<16xf32>
    %swap3A_219 = arith.constant 448 : index
    %swap3A_220 = tpu.vector_load %arg7[%swap3A_219] {strides = array<i32>} : memref<640xf32, #tpu.memory_space<vmem>>, vector<16xf32>,
    %swap3A_221 = vector.shape_cast %swap3A_220 : vector<16xf32> to vector<16xf32>
    %swap3A_222 = vector.shape_cast %broadcast_in_dim3A_218 : vector<16xf32> to vector<16xf32>
    tpu.vector_store %arg7[%swap3A_219], %swap3A_222 {strides = array<i32>} : memref<640xf32, #tpu.memory_space<vmem>>, vector<16xf32>,
    %broadcast_in_dim3A_223 = arith.constant 0.000000e+00 : f32
    %broadcast_in_dim3A_224 = vector.broadcast %broadcast_in_dim3A_223 : f32 to vector<16xf32>
    %swap3A_225 = arith.constant 464 : index
    %swap3A_226 = tpu.vector_load %arg7[%swap3A_225] {strides = array<i32>} : memref<640xf32, #tpu.memory_space<vmem>>, vector<16xf32>,
    %swap3A_227 = vector.shape_cast %swap3A_226 : vector<16xf32> to vector<16xf32>
    %swap3A_228 = vector.shape_cast %broadcast_in_dim3A_224 : vector<16xf32> to vector<16xf32>
    tpu.vector_store %arg7[%swap3A_225], %swap3A_228 {strides = array<i32>} : memref<640xf32, #tpu.memory_space<vmem>>, vector<16xf32>,
    %broadcast_in_dim3A_229 = arith.constant 0.000000e+00 : f32
    %broadcast_in_dim3A_230 = vector.broadcast %broadcast_in_dim3A_229 : f32 to vector<16xf32>
    %swap3A_231 = arith.constant 480 : index
    %swap3A_232 = tpu.vector_load %arg7[%swap3A_231] {strides = array<i32>} : memref<640xf32, #tpu.memory_space<vmem>>, vector<16xf32>,
    %swap3A_233 = vector.shape_cast %swap3A_232 : vector<16xf32> to vector<16xf32>
    %swap3A_234 = vector.shape_cast %broadcast_in_dim3A_230 : vector<16xf32> to vector<16xf32>
    tpu.vector_store %arg7[%swap3A_231], %swap3A_234 {strides = array<i32>} : memref<640xf32, #tpu.memory_space<vmem>>, vector<16xf32>,
    %broadcast_in_dim3A_235 = arith.constant 0.000000e+00 : f32
    %broadcast_in_dim3A_236 = vector.broadcast %broadcast_in_dim3A_235 : f32 to vector<16xf32>
    %swap3A_237 = arith.constant 496 : index
    %swap3A_238 = tpu.vector_load %arg7[%swap3A_237] {strides = array<i32>} : memref<640xf32, #tpu.memory_space<vmem>>, vector<16xf32>,
    %swap3A_239 = vector.shape_cast %swap3A_238 : vector<16xf32> to vector<16xf32>
    %swap3A_240 = vector.shape_cast %broadcast_in_dim3A_236 : vector<16xf32> to vector<16xf32>
    tpu.vector_store %arg7[%swap3A_237], %swap3A_240 {strides = array<i32>} : memref<640xf32, #tpu.memory_space<vmem>>, vector<16xf32>,
    %broadcast_in_dim3A_241 = arith.constant 0.000000e+00 : f32
    %broadcast_in_dim3A_242 = vector.broadcast %broadcast_in_dim3A_241 : f32 to vector<16xf32>
    %swap3A_243 = arith.constant 512 : index
    %swap3A_244 = tpu.vector_load %arg7[%swap3A_243] {strides = array<i32>} : memref<640xf32, #tpu.memory_space<vmem>>, vector<16xf32>,
    %swap3A_245 = vector.shape_cast %swap3A_244 : vector<16xf32> to vector<16xf32>
    %swap3A_246 = vector.shape_cast %broadcast_in_dim3A_242 : vector<16xf32> to vector<16xf32>
    tpu.vector_store %arg7[%swap3A_243], %swap3A_246 {strides = array<i32>} : memref<640xf32, #tpu.memory_space<vmem>>, vector<16xf32>,
    %broadcast_in_dim3A_247 = arith.constant 0.000000e+00 : f32
    %broadcast_in_dim3A_248 = vector.broadcast %broadcast_in_dim3A_247 : f32 to vector<16xf32>
    %swap3A_249 = arith.constant 528 : index
    %swap3A_250 = tpu.vector_load %arg7[%swap3A_249] {strides = array<i32>} : memref<640xf32, #tpu.memory_space<vmem>>, vector<16xf32>,
    %swap3A_251 = vector.shape_cast %swap3A_250 : vector<16xf32> to vector<16xf32>
    %swap3A_252 = vector.shape_cast %broadcast_in_dim3A_248 : vector<16xf32> to vector<16xf32>
    tpu.vector_store %arg7[%swap3A_249], %swap3A_252 {strides = array<i32>} : memref<640xf32, #tpu.memory_space<vmem>>, vector<16xf32>,
    %broadcast_in_dim3A_253 = arith.constant 0.000000e+00 : f32
    %broadcast_in_dim3A_254 = vector.broadcast %broadcast_in_dim3A_253 : f32 to vector<16xf32>
    %swap3A_255 = arith.constant 544 : index
    %swap3A_256 = tpu.vector_load %arg7[%swap3A_255] {strides = array<i32>} : memref<640xf32, #tpu.memory_space<vmem>>, vector<16xf32>,
    %swap3A_257 = vector.shape_cast %swap3A_256 : vector<16xf32> to vector<16xf32>
    %swap3A_258 = vector.shape_cast %broadcast_in_dim3A_254 : vector<16xf32> to vector<16xf32>
    tpu.vector_store %arg7[%swap3A_255], %swap3A_258 {strides = array<i32>} : memref<640xf32, #tpu.memory_space<vmem>>, vector<16xf32>,
    %broadcast_in_dim3A_259 = arith.constant 0.000000e+00 : f32
    %broadcast_in_dim3A_260 = vector.broadcast %broadcast_in_dim3A_259 : f32 to vector<16xf32>
    %swap3A_261 = arith.constant 560 : index
    %swap3A_262 = tpu.vector_load %arg7[%swap3A_261] {strides = array<i32>} : memref<640xf32, #tpu.memory_space<vmem>>, vector<16xf32>,
    %swap3A_263 = vector.shape_cast %swap3A_262 : vector<16xf32> to vector<16xf32>
    %swap3A_264 = vector.shape_cast %broadcast_in_dim3A_260 : vector<16xf32> to vector<16xf32>
    tpu.vector_store %arg7[%swap3A_261], %swap3A_264 {strides = array<i32>} : memref<640xf32, #tpu.memory_space<vmem>>, vector<16xf32>,
    %broadcast_in_dim3A_265 = arith.constant 0.000000e+00 : f32
    %broadcast_in_dim3A_266 = vector.broadcast %broadcast_in_dim3A_265 : f32 to vector<16xf32>
    %swap3A_267 = arith.constant 576 : index
    %swap3A_268 = tpu.vector_load %arg7[%swap3A_267] {strides = array<i32>} : memref<640xf32, #tpu.memory_space<vmem>>, vector<16xf32>,
    %swap3A_269 = vector.shape_cast %swap3A_268 : vector<16xf32> to vector<16xf32>
    %swap3A_270 = vector.shape_cast %broadcast_in_dim3A_266 : vector<16xf32> to vector<16xf32>
    tpu.vector_store %arg7[%swap3A_267], %swap3A_270 {strides = array<i32>} : memref<640xf32, #tpu.memory_space<vmem>>, vector<16xf32>,
    %broadcast_in_dim3A_271 = arith.constant 0.000000e+00 : f32
    %broadcast_in_dim3A_272 = vector.broadcast %broadcast_in_dim3A_271 : f32 to vector<16xf32>
    %swap3A_273 = arith.constant 592 : index
    %swap3A_274 = tpu.vector_load %arg7[%swap3A_273] {strides = array<i32>} : memref<640xf32, #tpu.memory_space<vmem>>, vector<16xf32>,
    %swap3A_275 = vector.shape_cast %swap3A_274 : vector<16xf32> to vector<16xf32>
    %swap3A_276 = vector.shape_cast %broadcast_in_dim3A_272 : vector<16xf32> to vector<16xf32>
    tpu.vector_store %arg7[%swap3A_273], %swap3A_276 {strides = array<i32>} : memref<640xf32, #tpu.memory_space<vmem>>, vector<16xf32>,
    %broadcast_in_dim3A_277 = arith.constant 0.000000e+00 : f32
    %broadcast_in_dim3A_278 = vector.broadcast %broadcast_in_dim3A_277 : f32 to vector<16xf32>
    %swap3A_279 = arith.constant 608 : index
    %swap3A_280 = tpu.vector_load %arg7[%swap3A_279] {strides = array<i32>} : memref<640xf32, #tpu.memory_space<vmem>>, vector<16xf32>,
    %swap3A_281 = vector.shape_cast %swap3A_280 : vector<16xf32> to vector<16xf32>
    %swap3A_282 = vector.shape_cast %broadcast_in_dim3A_278 : vector<16xf32> to vector<16xf32>
    tpu.vector_store %arg7[%swap3A_279], %swap3A_282 {strides = array<i32>} : memref<640xf32, #tpu.memory_space<vmem>>, vector<16xf32>,
    %broadcast_in_dim3A_283 = arith.constant 0.000000e+00 : f32
    %broadcast_in_dim3A_284 = vector.broadcast %broadcast_in_dim3A_283 : f32 to vector<16xf32>
    %swap3A_285 = arith.constant 624 : index
    %swap3A_286 = tpu.vector_load %arg7[%swap3A_285] {strides = array<i32>} : memref<640xf32, #tpu.memory_space<vmem>>, vector<16xf32>,
    %swap3A_287 = vector.shape_cast %swap3A_286 : vector<16xf32> to vector<16xf32>
    %swap3A_288 = vector.shape_cast %broadcast_in_dim3A_284 : vector<16xf32> to vector<16xf32>
    tpu.vector_store %arg7[%swap3A_285], %swap3A_288 {strides = array<i32>} : memref<640xf32, #tpu.memory_space<vmem>>, vector<16xf32>,
    %mul3A_289 = arith.constant 640 : i32
    %mul3A_290 = arith.muli %arg1, %mul3A_289 : i32
    "tpu.region"() ({
      %run_scoped3A = tpu.sem_alloc : memref<!tpu.dma_semaphore, #tpu.memory_space<semaphore_mem>>
      %dma_start3A_306 = tpu.memref_slice %arg8[%mul3A_290] : memref<10240xf32, #tpu.memory_space<vmem_shared>> -> memref<640xf32, #tpu.memory_space<vmem_shared>>
      %dma_start3A_307 = tpu.memref_slice %arg8[%mul3A_290] : memref<10240xf32, #tpu.memory_space<vmem_shared>> -> memref<640xf32, #tpu.memory_space<vmem_shared>>
      tpu.enqueue_dma source(%arg7 : memref<640xf32, #tpu.memory_space<vmem>>) target(%dma_start3A_307 : memref<640xf32, #tpu.memory_space<vmem_shared>>) target_semaphore(%run_scoped3A : memref<!tpu.dma_semaphore, #tpu.memory_space<semaphore_mem>>)
      %dma_wait3A = tpu.memref_slice %arg8[%mul3A_290] : memref<10240xf32, #tpu.memory_space<vmem_shared>> -> memref<640xf32, #tpu.memory_space<vmem_shared>>
      %dma_wait3A_308 = tpu.memref_slice %arg8[%mul3A_290] : memref<10240xf32, #tpu.memory_space<vmem_shared>> -> memref<640xf32, #tpu.memory_space<vmem_shared>>
      tpu.wait_dma2 semaphore(%run_scoped3A : memref<!tpu.dma_semaphore, #tpu.memory_space<semaphore_mem>>) src(%arg7 : memref<640xf32, #tpu.memory_space<vmem>>) dst(%dma_wait3A_308 : memref<640xf32, #tpu.memory_space<vmem_shared>>)
      tpu.yield
    }) : () -> ()
    %barrier3A = arith.constant 0 : index
    tpu.barrier barrier_id(%barrier3A)
    %dma_start3A = arith.constant 1 : i32
    %dma_start3A_291 = arith.constant 0 : i32
    %dma_start3A_292 = tpu.memref_slice %arg2[%mul3A_2, %dma_start3A, %dma_start3A_291] : memref<2560x2x128xi32, #tpu.memory_space<hbm>> -> memref<1x1x128xi32, #tpu.memory_space<hbm>>
    %dma_start3A_293 = tpu.memref_squeeze %dma_start3A_292 : memref<1x1x128xi32, #tpu.memory_space<hbm>> -> memref<128xi32, #tpu.memory_space<hbm>>
    %dma_start3A_294 = arith.constant 0 : i32
    %dma_start3A_295 = tpu.memref_slice %arg2[%mul3A_2, %dma_start3A, %dma_start3A_294] : memref<2560x2x128xi32, #tpu.memory_space<hbm>> -> memref<1x1x128xi32, #tpu.memory_space<hbm>>
    %dma_start3A_296 = tpu.memref_squeeze %dma_start3A_295 : memref<1x1x128xi32, #tpu.memory_space<hbm>> -> memref<128xi32, #tpu.memory_space<hbm>>
    tpu.enqueue_dma source(%dma_start3A_296 : memref<128xi32, #tpu.memory_space<hbm>>) target(%arg4 : memref<128xi32, #tpu.memory_space<vmem>>) target_semaphore(%arg9 : memref<!tpu.dma_semaphore, #tpu.memory_space<semaphore_mem>>)
    %scan3A = arith.constant 0 : i32
    %scan3A_297 = arith.constant 40 : i32
    %scan3A_298 = arith.addi %scan3A, %scan3A_297 : i32
    %scan3A_299 = arith.constant 1 : i32
    scf.for %scan3A_306 = %scan3A to %scan3A_298 step %scan3A_299  : i32 {
      %mul3A_307 = arith.constant 2 : i32
      %mul3A_308 = arith.muli %scan3A_306, %mul3A_307 : i32
      %add3A_309 = arith.constant 0 : i32
      %add3A_310 = arith.addi %add3A_309, %mul3A_308 : i32
      %add3A_311 = arith.addi %mul3A_2, %add3A_310 : i32
      %dma_wait3A = arith.constant 1 : i32
      %dma_wait3A_312 = arith.constant 0 : i32
      %dma_wait3A_313 = tpu.memref_slice %arg2[%add3A_311, %dma_wait3A, %dma_wait3A_312] : memref<2560x2x128xi32, #tpu.memory_space<hbm>> -> memref<1x1x128xi32, #tpu.memory_space<hbm>>
      %dma_wait3A_314 = tpu.memref_squeeze %dma_wait3A_313 : memref<1x1x128xi32, #tpu.memory_space<hbm>> -> memref<128xi32, #tpu.memory_space<hbm>>
      %dma_wait3A_315 = arith.constant 0 : i32
      %dma_wait3A_316 = tpu.memref_slice %arg2[%add3A_311, %dma_wait3A, %dma_wait3A_315] : memref<2560x2x128xi32, #tpu.memory_space<hbm>> -> memref<1x1x128xi32, #tpu.memory_space<hbm>>
      %dma_wait3A_317 = tpu.memref_squeeze %dma_wait3A_316 : memref<1x1x128xi32, #tpu.memory_space<hbm>> -> memref<128xi32, #tpu.memory_space<hbm>>
      tpu.wait_dma2 semaphore(%arg9 : memref<!tpu.dma_semaphore, #tpu.memory_space<semaphore_mem>>) src(%dma_wait3A_317 : memref<128xi32, #tpu.memory_space<hbm>>) dst(%arg4 : memref<128xi32, #tpu.memory_space<vmem>>)
      %add3A_318 = arith.constant 1 : i32
      %add3A_319 = arith.addi %add3A_311, %add3A_318 : i32
      %dma_start3A_320 = arith.constant 1 : i32
      %dma_start3A_321 = arith.constant 0 : i32
      %dma_start3A_322 = tpu.memref_slice %arg2[%add3A_319, %dma_start3A_320, %dma_start3A_321] : memref<2560x2x128xi32, #tpu.memory_space<hbm>> -> memref<1x1x128xi32, #tpu.memory_space<hbm>>
      %dma_start3A_323 = tpu.memref_squeeze %dma_start3A_322 : memref<1x1x128xi32, #tpu.memory_space<hbm>> -> memref<128xi32, #tpu.memory_space<hbm>>
      %dma_start3A_324 = arith.constant 0 : i32
      %dma_start3A_325 = tpu.memref_slice %arg2[%add3A_319, %dma_start3A_320, %dma_start3A_324] : memref<2560x2x128xi32, #tpu.memory_space<hbm>> -> memref<1x1x128xi32, #tpu.memory_space<hbm>>
      %dma_start3A_326 = tpu.memref_squeeze %dma_start3A_325 : memref<1x1x128xi32, #tpu.memory_space<hbm>> -> memref<128xi32, #tpu.memory_space<hbm>>
      tpu.enqueue_dma source(%dma_start3A_326 : memref<128xi32, #tpu.memory_space<hbm>>) target(%arg5 : memref<128xi32, #tpu.memory_space<vmem>>) target_semaphore(%arg10 : memref<!tpu.dma_semaphore, #tpu.memory_space<semaphore_mem>>)
      "tpu.region"() ({
        %run_scoped3A = tpu.sem_alloc : memref<!tpu.dma_semaphore, #tpu.memory_space<semaphore_mem>>
        %dma_start3A_340 = arith.constant 0 : i32
        %dma_start3A_341 = tpu.memref_slice %arg8[%dma_start3A_340] : memref<10240xf32, #tpu.memory_space<vmem_shared>> -> memref<10240xf32, #tpu.memory_space<vmem_shared>>
        tpu.enqueue_indirect_dma source(%arg6 : memref<128xf32, #tpu.memory_space<vmem>>) target(%dma_start3A_341 : memref<10240xf32, #tpu.memory_space<vmem_shared>>) offsets(%arg4 : memref<128xi32, #tpu.memory_space<vmem>>) semaphore(%run_scoped3A : memref<!tpu.dma_semaphore, #tpu.memory_space<semaphore_mem>>) {add = true}
        %dma_wait3A_342 = arith.constant 0 : i32
        %dma_wait3A_343 = tpu.memref_slice %arg8[%dma_wait3A_342] : memref<10240xf32, #tpu.memory_space<vmem_shared>> -> memref<10240xf32, #tpu.memory_space<vmem_shared>>
        tpu.wait_indirect_dma semaphore(%run_scoped3A : memref<!tpu.dma_semaphore, #tpu.memory_space<semaphore_mem>>) src(%arg6 : memref<128xf32, #tpu.memory_space<vmem>>) dst(%dma_wait3A_343 : memref<10240xf32, #tpu.memory_space<vmem_shared>>)
        tpu.yield
      }) : () -> ()
      %add3A_327 = arith.constant 1 : i32
      %add3A_328 = arith.addi %add3A_311, %add3A_327 : i32
      %dma_wait3A_329 = arith.constant 1 : i32
      %dma_wait3A_330 = arith.constant 0 : i32
      %dma_wait3A_331 = tpu.memref_slice %arg2[%add3A_328, %dma_wait3A_329, %dma_wait3A_330] : memref<2560x2x128xi32, #tpu.memory_space<hbm>> -> memref<1x1x128xi32, #tpu.memory_space<hbm>>
      %dma_wait3A_332 = tpu.memref_squeeze %dma_wait3A_331 : memref<1x1x128xi32, #tpu.memory_space<hbm>> -> memref<128xi32, #tpu.memory_space<hbm>>
      %dma_wait3A_333 = arith.constant 0 : i32
      %dma_wait3A_334 = tpu.memref_slice %arg2[%add3A_328, %dma_wait3A_329, %dma_wait3A_333] : memref<2560x2x128xi32, #tpu.memory_space<hbm>> -> memref<1x1x128xi32, #tpu.memory_space<hbm>>
      %dma_wait3A_335 = tpu.memref_squeeze %dma_wait3A_334 : memref<1x1x128xi32, #tpu.memory_space<hbm>> -> memref<128xi32, #tpu.memory_space<hbm>>
      tpu.wait_dma2 semaphore(%arg10 : memref<!tpu.dma_semaphore, #tpu.memory_space<semaphore_mem>>) src(%dma_wait3A_335 : memref<128xi32, #tpu.memory_space<hbm>>) dst(%arg5 : memref<128xi32, #tpu.memory_space<vmem>>)
      %add3A_336 = arith.constant 2 : i32
      %add3A_337 = arith.addi %add3A_310, %add3A_336 : i32
      %lt3A = arith.constant 80 : i32
      %lt3A_338 = arith.cmpi slt, %add3A_337, %lt3A : i32
      %convert_element_type3A = arith.extui %lt3A_338 : i1 to i32
      %cond3A = arith.constant 0 : i32
      %cond3A_339 = arith.cmpi ne, %convert_element_type3A, %cond3A : i32
      scf.if %cond3A_339 {
        %add3A_340 = arith.constant 2 : i32
        %add3A_341 = arith.addi %add3A_311, %add3A_340 : i32
        %dma_start3A_342 = arith.constant 1 : i32
        %dma_start3A_343 = arith.constant 0 : i32
        %dma_start3A_344 = tpu.memref_slice %arg2[%add3A_341, %dma_start3A_342, %dma_start3A_343] : memref<2560x2x128xi32, #tpu.memory_space<hbm>> -> memref<1x1x128xi32, #tpu.memory_space<hbm>>
        %dma_start3A_345 = tpu.memref_squeeze %dma_start3A_344 : memref<1x1x128xi32, #tpu.memory_space<hbm>> -> memref<128xi32, #tpu.memory_space<hbm>>
        %dma_start3A_346 = arith.constant 0 : i32
        %dma_start3A_347 = tpu.memref_slice %arg2[%add3A_341, %dma_start3A_342, %dma_start3A_346] : memref<2560x2x128xi32, #tpu.memory_space<hbm>> -> memref<1x1x128xi32, #tpu.memory_space<hbm>>
        %dma_start3A_348 = tpu.memref_squeeze %dma_start3A_347 : memref<1x1x128xi32, #tpu.memory_space<hbm>> -> memref<128xi32, #tpu.memory_space<hbm>>
        tpu.enqueue_dma source(%dma_start3A_348 : memref<128xi32, #tpu.memory_space<hbm>>) target(%arg4 : memref<128xi32, #tpu.memory_space<vmem>>) target_semaphore(%arg9 : memref<!tpu.dma_semaphore, #tpu.memory_space<semaphore_mem>>)
      } else {
      }
      "tpu.region"() ({
        %run_scoped3A = tpu.sem_alloc : memref<!tpu.dma_semaphore, #tpu.memory_space<semaphore_mem>>
        %dma_start3A_340 = arith.constant 0 : i32
        %dma_start3A_341 = tpu.memref_slice %arg8[%dma_start3A_340] : memref<10240xf32, #tpu.memory_space<vmem_shared>> -> memref<10240xf32, #tpu.memory_space<vmem_shared>>
        tpu.enqueue_indirect_dma source(%arg6 : memref<128xf32, #tpu.memory_space<vmem>>) target(%dma_start3A_341 : memref<10240xf32, #tpu.memory_space<vmem_shared>>) offsets(%arg5 : memref<128xi32, #tpu.memory_space<vmem>>) semaphore(%run_scoped3A : memref<!tpu.dma_semaphore, #tpu.memory_space<semaphore_mem>>) {add = true}
        %dma_wait3A_342 = arith.constant 0 : i32
        %dma_wait3A_343 = tpu.memref_slice %arg8[%dma_wait3A_342] : memref<10240xf32, #tpu.memory_space<vmem_shared>> -> memref<10240xf32, #tpu.memory_space<vmem_shared>>
        tpu.wait_indirect_dma semaphore(%run_scoped3A : memref<!tpu.dma_semaphore, #tpu.memory_space<semaphore_mem>>) src(%arg6 : memref<128xf32, #tpu.memory_space<vmem>>) dst(%dma_wait3A_343 : memref<10240xf32, #tpu.memory_space<vmem_shared>>)
        tpu.yield
      }) : () -> ()
    }
    %scan3A_300 = arith.constant 40 : i32
    %barrier3A_301 = arith.constant 0 : index
    tpu.barrier barrier_id(%barrier3A_301)
    %mul3A_302 = arith.constant 640 : i32
    %mul3A_303 = arith.muli %arg1, %mul3A_302 : i32
    "tpu.region"() ({
      %run_scoped3A = tpu.sem_alloc : memref<!tpu.dma_semaphore, #tpu.memory_space<semaphore_mem>>
      %dma_start3A_306 = tpu.memref_slice %arg8[%mul3A_303] : memref<10240xf32, #tpu.memory_space<vmem_shared>> -> memref<640xf32, #tpu.memory_space<vmem_shared>>
      %dma_start3A_307 = tpu.memref_slice %arg8[%mul3A_303] : memref<10240xf32, #tpu.memory_space<vmem_shared>> -> memref<640xf32, #tpu.memory_space<vmem_shared>>
      tpu.enqueue_dma source(%dma_start3A_307 : memref<640xf32, #tpu.memory_space<vmem_shared>>) target(%arg7 : memref<640xf32, #tpu.memory_space<vmem>>) target_semaphore(%run_scoped3A : memref<!tpu.dma_semaphore, #tpu.memory_space<semaphore_mem>>)
      %dma_wait3A = tpu.memref_slice %arg8[%mul3A_303] : memref<10240xf32, #tpu.memory_space<vmem_shared>> -> memref<640xf32, #tpu.memory_space<vmem_shared>>
      %dma_wait3A_308 = tpu.memref_slice %arg8[%mul3A_303] : memref<10240xf32, #tpu.memory_space<vmem_shared>> -> memref<640xf32, #tpu.memory_space<vmem_shared>>
      tpu.wait_dma2 semaphore(%run_scoped3A : memref<!tpu.dma_semaphore, #tpu.memory_space<semaphore_mem>>) src(%dma_wait3A_308 : memref<640xf32, #tpu.memory_space<vmem_shared>>) dst(%arg7 : memref<640xf32, #tpu.memory_space<vmem>>)
      tpu.yield
    }) : () -> ()
    %mul3A_304 = arith.constant 640 : i32
    %mul3A_305 = arith.muli %arg1, %mul3A_304 : i32
    "tpu.region"() ({
      %run_scoped3A = tpu.sem_alloc : memref<!tpu.dma_semaphore, #tpu.memory_space<semaphore_mem>>
      %dma_start3A_306 = tpu.memref_slice %arg3[%arg0, %mul3A_305] : memref<2x10240xf32, #tpu.memory_space<hbm>> -> memref<1x640xf32, #tpu.memory_space<hbm>>
      %dma_start3A_307 = tpu.memref_squeeze %dma_start3A_306 : memref<1x640xf32, #tpu.memory_space<hbm>> -> memref<640xf32, #tpu.memory_space<hbm>>
      %dma_start3A_308 = tpu.memref_slice %arg3[%arg0, %mul3A_305] : memref<2x10240xf32, #tpu.memory_space<hbm>> -> memref<1x640xf32, #tpu.memory_space<hbm>>
      %dma_start3A_309 = tpu.memref_squeeze %dma_start3A_308 : memref<1x640xf32, #tpu.memory_space<hbm>> -> memref<640xf32, #tpu.memory_space<hbm>>
      tpu.enqueue_dma source(%arg7 : memref<640xf32, #tpu.memory_space<vmem>>) target(%dma_start3A_309 : memref<640xf32, #tpu.memory_space<hbm>>) target_semaphore(%run_scoped3A : memref<!tpu.dma_semaphore, #tpu.memory_space<semaphore_mem>>)
      %dma_wait3A = tpu.memref_slice %arg3[%arg0, %mul3A_305] : memref<2x10240xf32, #tpu.memory_space<hbm>> -> memref<1x640xf32, #tpu.memory_space<hbm>>
      %dma_wait3A_310 = tpu.memref_squeeze %dma_wait3A : memref<1x640xf32, #tpu.memory_space<hbm>> -> memref<640xf32, #tpu.memory_space<hbm>>
      %dma_wait3A_311 = tpu.memref_slice %arg3[%arg0, %mul3A_305] : memref<2x10240xf32, #tpu.memory_space<hbm>> -> memref<1x640xf32, #tpu.memory_space<hbm>>
      %dma_wait3A_312 = tpu.memref_squeeze %dma_wait3A_311 : memref<1x640xf32, #tpu.memory_space<hbm>> -> memref<640xf32, #tpu.memory_space<hbm>>
      tpu.wait_dma2 semaphore(%run_scoped3A : memref<!tpu.dma_semaphore, #tpu.memory_space<semaphore_mem>>) src(%arg7 : memref<640xf32, #tpu.memory_space<vmem>>) dst(%dma_wait3A_312 : memref<640xf32, #tpu.memory_space<hbm>>)
      tpu.yield
    }) : () -> ()
    return
  }
}

#map = affine_map<(d0, d1) -> (0, 0, 0)>
#map1 = affine_map<(d0, d1) -> (0, 0)>
module attributes {stable_mosaic.version = 14 : i64} {
  func.func @body(%arg0: i32, %arg1: i32, %arg2: memref<2560x2x128xi32, #tpu.memory_space<hbm>>, %arg3: memref<10240x128xbf16, #tpu.memory_space<hbm>>, %arg4: memref<2x10240x128xbf16, #tpu.memory_space<hbm>>, %arg5: memref<2x128xi32, #tpu.memory_space<vmem>>, %arg6: memref<2x128xi32, #tpu.memory_space<vmem>>, %arg7: memref<128x128xbf16, #tpu.memory_space<vmem>>, %arg8: memref<128x128xbf16, #tpu.memory_space<vmem>>, %arg9: memref<10112x128xbf16, #tpu.memory_space<vmem_shared>>, %arg10: memref<!tpu.dma_semaphore, #tpu.memory_space<semaphore_mem>>, %arg11: memref<!tpu.dma_semaphore, #tpu.memory_space<semaphore_mem>>, %arg12: memref<!tpu.dma_semaphore, #tpu.memory_space<semaphore_mem>>, %arg13: memref<!tpu.dma_semaphore, #tpu.memory_space<semaphore_mem>>, %arg14: memref<!tpu.dma_semaphore, #tpu.memory_space<semaphore_mem>>, %arg15: memref<!tpu.dma_semaphore, #tpu.memory_space<semaphore_mem>>, %arg16: memref<!tpu.dma_semaphore, #tpu.memory_space<semaphore_mem>>, %arg17: memref<!tpu.dma_semaphore, #tpu.memory_space<semaphore_mem>>) attributes {dimension_semantics = [#tpu.dimension_semantics<core_parallel>, #tpu.dimension_semantics<subcore_parallel>], iteration_bounds = array<i64: 2, 16>, scalar_prefetch = 0 : i64, scratch_operands = 13 : i64, tpu.core_type = #tpu.core_type<sc_vector_subcore>, window_params = [{transform_indices = #map}, {transform_indices = #map1}, {transform_indices = #map}]} {
    %mul3A = arith.constant 16 : i32
    %mul3A_0 = arith.muli %arg0, %mul3A : i32
    %add3A = arith.addi %mul3A_0, %arg1 : i32
    %mul3A_1 = arith.constant 80 : i32
    %mul3A_2 = arith.muli %add3A, %mul3A_1 : i32
    %scan3A = arith.constant 0 : i32
    %scan3A_3 = arith.constant 128 : i32
    %scan3A_4 = arith.addi %scan3A, %scan3A_3 : i32
    %scan3A_5 = arith.constant 1 : i32
    scf.for %scan3A_244 = %scan3A to %scan3A_4 step %scan3A_5  : i32 {
      %mul3A_245 = arith.constant 1 : i32
      %mul3A_246 = arith.muli %scan3A_244, %mul3A_245 : i32
      %add3A_247 = arith.constant 0 : i32
      %add3A_248 = arith.addi %add3A_247, %mul3A_246 : i32
      %broadcast_in_dim3A = arith.constant 0.000000e+00 : bf16
      %broadcast_in_dim3A_249 = vector.broadcast %broadcast_in_dim3A : bf16 to vector<32xbf16>
      %swap3A = arith.index_cast %add3A_248 : i32 to index
      %swap3A_250 = arith.constant 0 : index
      %swap3A_251 = tpu.vector_load %arg7[%swap3A, %swap3A_250] {strides = array<i32>} : memref<128x128xbf16, #tpu.memory_space<vmem>>, vector<1x32xbf16>,
      %swap3A_252 = vector.shape_cast %swap3A_251 : vector<1x32xbf16> to vector<32xbf16>
      %swap3A_253 = vector.shape_cast %broadcast_in_dim3A_249 : vector<32xbf16> to vector<1x32xbf16>
      tpu.vector_store %arg7[%swap3A, %swap3A_250], %swap3A_253 {strides = array<i32>} : memref<128x128xbf16, #tpu.memory_space<vmem>>, vector<1x32xbf16>,
      %broadcast_in_dim3A_254 = arith.constant 0.000000e+00 : bf16
      %broadcast_in_dim3A_255 = vector.broadcast %broadcast_in_dim3A_254 : bf16 to vector<32xbf16>
      %swap3A_256 = arith.index_cast %add3A_248 : i32 to index
      %swap3A_257 = arith.constant 32 : index
      %swap3A_258 = tpu.vector_load %arg7[%swap3A_256, %swap3A_257] {strides = array<i32>} : memref<128x128xbf16, #tpu.memory_space<vmem>>, vector<1x32xbf16>,
      %swap3A_259 = vector.shape_cast %swap3A_258 : vector<1x32xbf16> to vector<32xbf16>
      %swap3A_260 = vector.shape_cast %broadcast_in_dim3A_255 : vector<32xbf16> to vector<1x32xbf16>
      tpu.vector_store %arg7[%swap3A_256, %swap3A_257], %swap3A_260 {strides = array<i32>} : memref<128x128xbf16, #tpu.memory_space<vmem>>, vector<1x32xbf16>,
      %broadcast_in_dim3A_261 = arith.constant 0.000000e+00 : bf16
      %broadcast_in_dim3A_262 = vector.broadcast %broadcast_in_dim3A_261 : bf16 to vector<32xbf16>
      %swap3A_263 = arith.index_cast %add3A_248 : i32 to index
      %swap3A_264 = arith.constant 64 : index
      %swap3A_265 = tpu.vector_load %arg7[%swap3A_263, %swap3A_264] {strides = array<i32>} : memref<128x128xbf16, #tpu.memory_space<vmem>>, vector<1x32xbf16>,
      %swap3A_266 = vector.shape_cast %swap3A_265 : vector<1x32xbf16> to vector<32xbf16>
      %swap3A_267 = vector.shape_cast %broadcast_in_dim3A_262 : vector<32xbf16> to vector<1x32xbf16>
      tpu.vector_store %arg7[%swap3A_263, %swap3A_264], %swap3A_267 {strides = array<i32>} : memref<128x128xbf16, #tpu.memory_space<vmem>>, vector<1x32xbf16>,
      %broadcast_in_dim3A_268 = arith.constant 0.000000e+00 : bf16
      %broadcast_in_dim3A_269 = vector.broadcast %broadcast_in_dim3A_268 : bf16 to vector<32xbf16>
      %swap3A_270 = arith.index_cast %add3A_248 : i32 to index
      %swap3A_271 = arith.constant 96 : index
      %swap3A_272 = tpu.vector_load %arg7[%swap3A_270, %swap3A_271] {strides = array<i32>} : memref<128x128xbf16, #tpu.memory_space<vmem>>, vector<1x32xbf16>,
      %swap3A_273 = vector.shape_cast %swap3A_272 : vector<1x32xbf16> to vector<32xbf16>
      %swap3A_274 = vector.shape_cast %broadcast_in_dim3A_269 : vector<32xbf16> to vector<1x32xbf16>
      tpu.vector_store %arg7[%swap3A_270, %swap3A_271], %swap3A_274 {strides = array<i32>} : memref<128x128xbf16, #tpu.memory_space<vmem>>, vector<1x32xbf16>,
    }
    %scan3A_6 = arith.constant 128 : i32
    %mul3A_7 = arith.constant 632 : i32
    %mul3A_8 = arith.muli %arg1, %mul3A_7 : i32
    %add3A_9 = arith.constant 0 : i32
    %add3A_10 = arith.addi %mul3A_8, %add3A_9 : i32
    "tpu.region"() ({
      %run_scoped3A = tpu.sem_alloc : memref<!tpu.dma_semaphore, #tpu.memory_space<semaphore_mem>>
      %dma_start3A_244 = arith.constant 0 : i32
      %dma_start3A_245 = tpu.memref_slice %arg9[%add3A_10, %dma_start3A_244] : memref<10112x128xbf16, #tpu.memory_space<vmem_shared>> -> memref<128x128xbf16, #tpu.memory_space<vmem_shared>>
      %dma_start3A_246 = arith.constant 0 : i32
      %dma_start3A_247 = tpu.memref_slice %arg9[%add3A_10, %dma_start3A_246] : memref<10112x128xbf16, #tpu.memory_space<vmem_shared>> -> memref<128x128xbf16, #tpu.memory_space<vmem_shared>>
      tpu.enqueue_dma source(%arg7 : memref<128x128xbf16, #tpu.memory_space<vmem>>) target(%dma_start3A_247 : memref<128x128xbf16, #tpu.memory_space<vmem_shared>>) target_semaphore(%run_scoped3A : memref<!tpu.dma_semaphore, #tpu.memory_space<semaphore_mem>>)
      %dma_wait3A_248 = arith.constant 0 : i32
      %dma_wait3A_249 = tpu.memref_slice %arg9[%add3A_10, %dma_wait3A_248] : memref<10112x128xbf16, #tpu.memory_space<vmem_shared>> -> memref<128x128xbf16, #tpu.memory_space<vmem_shared>>
      %dma_wait3A_250 = arith.constant 0 : i32
      %dma_wait3A_251 = tpu.memref_slice %arg9[%add3A_10, %dma_wait3A_250] : memref<10112x128xbf16, #tpu.memory_space<vmem_shared>> -> memref<128x128xbf16, #tpu.memory_space<vmem_shared>>
      tpu.wait_dma2 semaphore(%run_scoped3A : memref<!tpu.dma_semaphore, #tpu.memory_space<semaphore_mem>>) src(%arg7 : memref<128x128xbf16, #tpu.memory_space<vmem>>) dst(%dma_wait3A_251 : memref<128x128xbf16, #tpu.memory_space<vmem_shared>>)
      tpu.yield
    }) : () -> ()
    %mul3A_11 = arith.constant 632 : i32
    %mul3A_12 = arith.muli %arg1, %mul3A_11 : i32
    %add3A_13 = arith.constant 128 : i32
    %add3A_14 = arith.addi %mul3A_12, %add3A_13 : i32
    "tpu.region"() ({
      %run_scoped3A = tpu.sem_alloc : memref<!tpu.dma_semaphore, #tpu.memory_space<semaphore_mem>>
      %dma_start3A_244 = arith.constant 0 : i32
      %dma_start3A_245 = tpu.memref_slice %arg9[%add3A_14, %dma_start3A_244] : memref<10112x128xbf16, #tpu.memory_space<vmem_shared>> -> memref<128x128xbf16, #tpu.memory_space<vmem_shared>>
      %dma_start3A_246 = arith.constant 0 : i32
      %dma_start3A_247 = tpu.memref_slice %arg9[%add3A_14, %dma_start3A_246] : memref<10112x128xbf16, #tpu.memory_space<vmem_shared>> -> memref<128x128xbf16, #tpu.memory_space<vmem_shared>>
      tpu.enqueue_dma source(%arg7 : memref<128x128xbf16, #tpu.memory_space<vmem>>) target(%dma_start3A_247 : memref<128x128xbf16, #tpu.memory_space<vmem_shared>>) target_semaphore(%run_scoped3A : memref<!tpu.dma_semaphore, #tpu.memory_space<semaphore_mem>>)
      %dma_wait3A_248 = arith.constant 0 : i32
      %dma_wait3A_249 = tpu.memref_slice %arg9[%add3A_14, %dma_wait3A_248] : memref<10112x128xbf16, #tpu.memory_space<vmem_shared>> -> memref<128x128xbf16, #tpu.memory_space<vmem_shared>>
      %dma_wait3A_250 = arith.constant 0 : i32
      %dma_wait3A_251 = tpu.memref_slice %arg9[%add3A_14, %dma_wait3A_250] : memref<10112x128xbf16, #tpu.memory_space<vmem_shared>> -> memref<128x128xbf16, #tpu.memory_space<vmem_shared>>
      tpu.wait_dma2 semaphore(%run_scoped3A : memref<!tpu.dma_semaphore, #tpu.memory_space<semaphore_mem>>) src(%arg7 : memref<128x128xbf16, #tpu.memory_space<vmem>>) dst(%dma_wait3A_251 : memref<128x128xbf16, #tpu.memory_space<vmem_shared>>)
      tpu.yield
    }) : () -> ()
    %mul3A_15 = arith.constant 632 : i32
    %mul3A_16 = arith.muli %arg1, %mul3A_15 : i32
    %add3A_17 = arith.constant 256 : i32
    %add3A_18 = arith.addi %mul3A_16, %add3A_17 : i32
    "tpu.region"() ({
      %run_scoped3A = tpu.sem_alloc : memref<!tpu.dma_semaphore, #tpu.memory_space<semaphore_mem>>
      %dma_start3A_244 = arith.constant 0 : i32
      %dma_start3A_245 = tpu.memref_slice %arg9[%add3A_18, %dma_start3A_244] : memref<10112x128xbf16, #tpu.memory_space<vmem_shared>> -> memref<128x128xbf16, #tpu.memory_space<vmem_shared>>
      %dma_start3A_246 = arith.constant 0 : i32
      %dma_start3A_247 = tpu.memref_slice %arg9[%add3A_18, %dma_start3A_246] : memref<10112x128xbf16, #tpu.memory_space<vmem_shared>> -> memref<128x128xbf16, #tpu.memory_space<vmem_shared>>
      tpu.enqueue_dma source(%arg7 : memref<128x128xbf16, #tpu.memory_space<vmem>>) target(%dma_start3A_247 : memref<128x128xbf16, #tpu.memory_space<vmem_shared>>) target_semaphore(%run_scoped3A : memref<!tpu.dma_semaphore, #tpu.memory_space<semaphore_mem>>)
      %dma_wait3A_248 = arith.constant 0 : i32
      %dma_wait3A_249 = tpu.memref_slice %arg9[%add3A_18, %dma_wait3A_248] : memref<10112x128xbf16, #tpu.memory_space<vmem_shared>> -> memref<128x128xbf16, #tpu.memory_space<vmem_shared>>
      %dma_wait3A_250 = arith.constant 0 : i32
      %dma_wait3A_251 = tpu.memref_slice %arg9[%add3A_18, %dma_wait3A_250] : memref<10112x128xbf16, #tpu.memory_space<vmem_shared>> -> memref<128x128xbf16, #tpu.memory_space<vmem_shared>>
      tpu.wait_dma2 semaphore(%run_scoped3A : memref<!tpu.dma_semaphore, #tpu.memory_space<semaphore_mem>>) src(%arg7 : memref<128x128xbf16, #tpu.memory_space<vmem>>) dst(%dma_wait3A_251 : memref<128x128xbf16, #tpu.memory_space<vmem_shared>>)
      tpu.yield
    }) : () -> ()
    %mul3A_19 = arith.constant 632 : i32
    %mul3A_20 = arith.muli %arg1, %mul3A_19 : i32
    %add3A_21 = arith.constant 384 : i32
    %add3A_22 = arith.addi %mul3A_20, %add3A_21 : i32
    "tpu.region"() ({
      %run_scoped3A = tpu.sem_alloc : memref<!tpu.dma_semaphore, #tpu.memory_space<semaphore_mem>>
      %dma_start3A_244 = arith.constant 0 : i32
      %dma_start3A_245 = tpu.memref_slice %arg9[%add3A_22, %dma_start3A_244] : memref<10112x128xbf16, #tpu.memory_space<vmem_shared>> -> memref<128x128xbf16, #tpu.memory_space<vmem_shared>>
      %dma_start3A_246 = arith.constant 0 : i32
      %dma_start3A_247 = tpu.memref_slice %arg9[%add3A_22, %dma_start3A_246] : memref<10112x128xbf16, #tpu.memory_space<vmem_shared>> -> memref<128x128xbf16, #tpu.memory_space<vmem_shared>>
      tpu.enqueue_dma source(%arg7 : memref<128x128xbf16, #tpu.memory_space<vmem>>) target(%dma_start3A_247 : memref<128x128xbf16, #tpu.memory_space<vmem_shared>>) target_semaphore(%run_scoped3A : memref<!tpu.dma_semaphore, #tpu.memory_space<semaphore_mem>>)
      %dma_wait3A_248 = arith.constant 0 : i32
      %dma_wait3A_249 = tpu.memref_slice %arg9[%add3A_22, %dma_wait3A_248] : memref<10112x128xbf16, #tpu.memory_space<vmem_shared>> -> memref<128x128xbf16, #tpu.memory_space<vmem_shared>>
      %dma_wait3A_250 = arith.constant 0 : i32
      %dma_wait3A_251 = tpu.memref_slice %arg9[%add3A_22, %dma_wait3A_250] : memref<10112x128xbf16, #tpu.memory_space<vmem_shared>> -> memref<128x128xbf16, #tpu.memory_space<vmem_shared>>
      tpu.wait_dma2 semaphore(%run_scoped3A : memref<!tpu.dma_semaphore, #tpu.memory_space<semaphore_mem>>) src(%arg7 : memref<128x128xbf16, #tpu.memory_space<vmem>>) dst(%dma_wait3A_251 : memref<128x128xbf16, #tpu.memory_space<vmem_shared>>)
      tpu.yield
    }) : () -> ()
    %mul3A_23 = arith.constant 632 : i32
    %mul3A_24 = arith.muli %arg1, %mul3A_23 : i32
    %add3A_25 = arith.constant 512 : i32
    %add3A_26 = arith.addi %mul3A_24, %add3A_25 : i32
    "tpu.region"() ({
      %run_scoped3A = tpu.sem_alloc : memref<!tpu.dma_semaphore, #tpu.memory_space<semaphore_mem>>
      %dma_start3A_244 = arith.constant 0 : i32
      %dma_start3A_245 = arith.constant 0 : i32
      %dma_start3A_246 = tpu.memref_slice %arg7[%dma_start3A_244, %dma_start3A_245] : memref<128x128xbf16, #tpu.memory_space<vmem>> -> memref<120x128xbf16, #tpu.memory_space<vmem>>
      %dma_start3A_247 = arith.constant 0 : i32
      %dma_start3A_248 = tpu.memref_slice %arg9[%add3A_26, %dma_start3A_247] : memref<10112x128xbf16, #tpu.memory_space<vmem_shared>> -> memref<120x128xbf16, #tpu.memory_space<vmem_shared>>
      %dma_start3A_249 = arith.constant 0 : i32
      %dma_start3A_250 = tpu.memref_slice %arg9[%add3A_26, %dma_start3A_249] : memref<10112x128xbf16, #tpu.memory_space<vmem_shared>> -> memref<120x128xbf16, #tpu.memory_space<vmem_shared>>
      %dma_start3A_251 = arith.constant 0 : i32
      %dma_start3A_252 = arith.constant 0 : i32
      %dma_start3A_253 = tpu.memref_slice %arg7[%dma_start3A_251, %dma_start3A_252] : memref<128x128xbf16, #tpu.memory_space<vmem>> -> memref<120x128xbf16, #tpu.memory_space<vmem>>
      tpu.enqueue_dma source(%dma_start3A_253 : memref<120x128xbf16, #tpu.memory_space<vmem>>) target(%dma_start3A_250 : memref<120x128xbf16, #tpu.memory_space<vmem_shared>>) target_semaphore(%run_scoped3A : memref<!tpu.dma_semaphore, #tpu.memory_space<semaphore_mem>>)
      %dma_wait3A_254 = arith.constant 0 : i32
      %dma_wait3A_255 = arith.constant 0 : i32
      %dma_wait3A_256 = tpu.memref_slice %arg7[%dma_wait3A_254, %dma_wait3A_255] : memref<128x128xbf16, #tpu.memory_space<vmem>> -> memref<120x128xbf16, #tpu.memory_space<vmem>>
      %dma_wait3A_257 = arith.constant 0 : i32
      %dma_wait3A_258 = tpu.memref_slice %arg9[%add3A_26, %dma_wait3A_257] : memref<10112x128xbf16, #tpu.memory_space<vmem_shared>> -> memref<120x128xbf16, #tpu.memory_space<vmem_shared>>
      %dma_wait3A_259 = arith.constant 0 : i32
      %dma_wait3A_260 = tpu.memref_slice %arg9[%add3A_26, %dma_wait3A_259] : memref<10112x128xbf16, #tpu.memory_space<vmem_shared>> -> memref<120x128xbf16, #tpu.memory_space<vmem_shared>>
      %dma_wait3A_261 = arith.constant 0 : i32
      %dma_wait3A_262 = arith.constant 0 : i32
      %dma_wait3A_263 = tpu.memref_slice %arg7[%dma_wait3A_261, %dma_wait3A_262] : memref<128x128xbf16, #tpu.memory_space<vmem>> -> memref<120x128xbf16, #tpu.memory_space<vmem>>
      tpu.wait_dma2 semaphore(%run_scoped3A : memref<!tpu.dma_semaphore, #tpu.memory_space<semaphore_mem>>) src(%dma_wait3A_263 : memref<120x128xbf16, #tpu.memory_space<vmem>>) dst(%dma_wait3A_260 : memref<120x128xbf16, #tpu.memory_space<vmem_shared>>)
      tpu.yield
    }) : () -> ()
    %barrier3A = arith.constant 0 : index
    tpu.barrier barrier_id(%barrier3A)
    %dma_start3A = arith.constant 0 : i32
    %dma_start3A_27 = arith.constant 0 : i32
    %dma_start3A_28 = tpu.memref_slice %arg2[%mul3A_2, %dma_start3A, %dma_start3A_27] : memref<2560x2x128xi32, #tpu.memory_space<hbm>> -> memref<1x2x128xi32, #tpu.memory_space<hbm>>
    %dma_start3A_29 = tpu.memref_squeeze %dma_start3A_28 : memref<1x2x128xi32, #tpu.memory_space<hbm>> -> memref<2x128xi32, #tpu.memory_space<hbm>>
    %dma_start3A_30 = arith.constant 0 : i32
    %dma_start3A_31 = arith.constant 0 : i32
    %dma_start3A_32 = tpu.memref_slice %arg2[%mul3A_2, %dma_start3A_30, %dma_start3A_31] : memref<2560x2x128xi32, #tpu.memory_space<hbm>> -> memref<1x2x128xi32, #tpu.memory_space<hbm>>
    %dma_start3A_33 = tpu.memref_squeeze %dma_start3A_32 : memref<1x2x128xi32, #tpu.memory_space<hbm>> -> memref<2x128xi32, #tpu.memory_space<hbm>>
    tpu.enqueue_dma source(%dma_start3A_33 : memref<2x128xi32, #tpu.memory_space<hbm>>) target(%arg5 : memref<2x128xi32, #tpu.memory_space<vmem>>) target_semaphore(%arg10 : memref<!tpu.dma_semaphore, #tpu.memory_space<semaphore_mem>>)
    %dma_wait3A = arith.constant 0 : i32
    %dma_wait3A_34 = arith.constant 0 : i32
    %dma_wait3A_35 = tpu.memref_slice %arg2[%mul3A_2, %dma_wait3A, %dma_wait3A_34] : memref<2560x2x128xi32, #tpu.memory_space<hbm>> -> memref<1x2x128xi32, #tpu.memory_space<hbm>>
    %dma_wait3A_36 = tpu.memref_squeeze %dma_wait3A_35 : memref<1x2x128xi32, #tpu.memory_space<hbm>> -> memref<2x128xi32, #tpu.memory_space<hbm>>
    %dma_wait3A_37 = arith.constant 0 : i32
    %dma_wait3A_38 = arith.constant 0 : i32
    %dma_wait3A_39 = tpu.memref_slice %arg2[%mul3A_2, %dma_wait3A_37, %dma_wait3A_38] : memref<2560x2x128xi32, #tpu.memory_space<hbm>> -> memref<1x2x128xi32, #tpu.memory_space<hbm>>
    %dma_wait3A_40 = tpu.memref_squeeze %dma_wait3A_39 : memref<1x2x128xi32, #tpu.memory_space<hbm>> -> memref<2x128xi32, #tpu.memory_space<hbm>>
    tpu.wait_dma2 semaphore(%arg10 : memref<!tpu.dma_semaphore, #tpu.memory_space<semaphore_mem>>) src(%dma_wait3A_40 : memref<2x128xi32, #tpu.memory_space<hbm>>) dst(%arg5 : memref<2x128xi32, #tpu.memory_space<vmem>>)
    %dma_start3A_41 = arith.constant 0 : i32
    %dma_start3A_42 = arith.constant 0 : i32
    %dma_start3A_43 = tpu.memref_slice %arg5[%dma_start3A_41, %dma_start3A_42] : memref<2x128xi32, #tpu.memory_space<vmem>> -> memref<1x128xi32, #tpu.memory_space<vmem>>
    %dma_start3A_44 = tpu.memref_squeeze %dma_start3A_43 : memref<1x128xi32, #tpu.memory_space<vmem>> -> memref<128xi32, #tpu.memory_space<vmem>>
    %dma_start3A_45 = arith.constant 0 : i32
    %dma_start3A_46 = arith.constant 0 : i32
    %dma_start3A_47 = tpu.memref_slice %arg3[%dma_start3A_45, %dma_start3A_46] : memref<10240x128xbf16, #tpu.memory_space<hbm>> -> memref<10240x128xbf16, #tpu.memory_space<hbm>>
    tpu.enqueue_indirect_dma source(%dma_start3A_47 : memref<10240x128xbf16, #tpu.memory_space<hbm>>) target(%arg7 : memref<128x128xbf16, #tpu.memory_space<vmem>>) offsets(%dma_start3A_44 : memref<128xi32, #tpu.memory_space<vmem>>) semaphore(%arg12 : memref<!tpu.dma_semaphore, #tpu.memory_space<semaphore_mem>>)
    %add3A_48 = arith.constant 1 : i32
    %add3A_49 = arith.addi %mul3A_2, %add3A_48 : i32
    %dma_start3A_50 = arith.constant 0 : i32
    %dma_start3A_51 = arith.constant 0 : i32
    %dma_start3A_52 = tpu.memref_slice %arg2[%add3A_49, %dma_start3A_50, %dma_start3A_51] : memref<2560x2x128xi32, #tpu.memory_space<hbm>> -> memref<1x2x128xi32, #tpu.memory_space<hbm>>
    %dma_start3A_53 = tpu.memref_squeeze %dma_start3A_52 : memref<1x2x128xi32, #tpu.memory_space<hbm>> -> memref<2x128xi32, #tpu.memory_space<hbm>>
    %dma_start3A_54 = arith.constant 0 : i32
    %dma_start3A_55 = arith.constant 0 : i32
    %dma_start3A_56 = tpu.memref_slice %arg2[%add3A_49, %dma_start3A_54, %dma_start3A_55] : memref<2560x2x128xi32, #tpu.memory_space<hbm>> -> memref<1x2x128xi32, #tpu.memory_space<hbm>>
    %dma_start3A_57 = tpu.memref_squeeze %dma_start3A_56 : memref<1x2x128xi32, #tpu.memory_space<hbm>> -> memref<2x128xi32, #tpu.memory_space<hbm>>
    tpu.enqueue_dma source(%dma_start3A_57 : memref<2x128xi32, #tpu.memory_space<hbm>>) target(%arg6 : memref<2x128xi32, #tpu.memory_space<vmem>>) target_semaphore(%arg11 : memref<!tpu.dma_semaphore, #tpu.memory_space<semaphore_mem>>)
    %scan3A_58 = arith.constant 0 : i32
    %scan3A_59 = arith.constant 40 : i32
    %scan3A_60 = arith.addi %scan3A_58, %scan3A_59 : i32
    %scan3A_61 = arith.constant 1 : i32
    scf.for %scan3A_244 = %scan3A_58 to %scan3A_60 step %scan3A_61  : i32 {
      %mul3A_245 = arith.constant 2 : i32
      %mul3A_246 = arith.muli %scan3A_244, %mul3A_245 : i32
      %add3A_247 = arith.constant 0 : i32
      %add3A_248 = arith.addi %add3A_247, %mul3A_246 : i32
      %add3A_249 = arith.addi %mul3A_2, %add3A_248 : i32
      %add3A_250 = arith.constant 1 : i32
      %add3A_251 = arith.addi %add3A_249, %add3A_250 : i32
      %dma_wait3A_252 = arith.constant 0 : i32
      %dma_wait3A_253 = arith.constant 0 : i32
      %dma_wait3A_254 = tpu.memref_slice %arg2[%add3A_251, %dma_wait3A_252, %dma_wait3A_253] : memref<2560x2x128xi32, #tpu.memory_space<hbm>> -> memref<1x2x128xi32, #tpu.memory_space<hbm>>
      %dma_wait3A_255 = tpu.memref_squeeze %dma_wait3A_254 : memref<1x2x128xi32, #tpu.memory_space<hbm>> -> memref<2x128xi32, #tpu.memory_space<hbm>>
      %dma_wait3A_256 = arith.constant 0 : i32
      %dma_wait3A_257 = arith.constant 0 : i32
      %dma_wait3A_258 = tpu.memref_slice %arg2[%add3A_251, %dma_wait3A_256, %dma_wait3A_257] : memref<2560x2x128xi32, #tpu.memory_space<hbm>> -> memref<1x2x128xi32, #tpu.memory_space<hbm>>
      %dma_wait3A_259 = tpu.memref_squeeze %dma_wait3A_258 : memref<1x2x128xi32, #tpu.memory_space<hbm>> -> memref<2x128xi32, #tpu.memory_space<hbm>>
      tpu.wait_dma2 semaphore(%arg11 : memref<!tpu.dma_semaphore, #tpu.memory_space<semaphore_mem>>) src(%dma_wait3A_259 : memref<2x128xi32, #tpu.memory_space<hbm>>) dst(%arg6 : memref<2x128xi32, #tpu.memory_space<vmem>>)
      %dma_wait3A_260 = arith.constant 0 : i32
      %dma_wait3A_261 = arith.constant 0 : i32
      %dma_wait3A_262 = tpu.memref_slice %arg5[%dma_wait3A_260, %dma_wait3A_261] : memref<2x128xi32, #tpu.memory_space<vmem>> -> memref<1x128xi32, #tpu.memory_space<vmem>>
      %dma_wait3A_263 = tpu.memref_squeeze %dma_wait3A_262 : memref<1x128xi32, #tpu.memory_space<vmem>> -> memref<128xi32, #tpu.memory_space<vmem>>
      %dma_wait3A_264 = arith.constant 0 : i32
      %dma_wait3A_265 = arith.constant 0 : i32
      %dma_wait3A_266 = tpu.memref_slice %arg3[%dma_wait3A_264, %dma_wait3A_265] : memref<10240x128xbf16, #tpu.memory_space<hbm>> -> memref<10240x128xbf16, #tpu.memory_space<hbm>>
      tpu.wait_indirect_dma semaphore(%arg12 : memref<!tpu.dma_semaphore, #tpu.memory_space<semaphore_mem>>) src(%dma_wait3A_266 : memref<10240x128xbf16, #tpu.memory_space<hbm>>) dst(%arg7 : memref<128x128xbf16, #tpu.memory_space<vmem>>)
      %dma_start3A_267 = arith.constant 0 : i32
      %dma_start3A_268 = arith.constant 0 : i32
      %dma_start3A_269 = tpu.memref_slice %arg6[%dma_start3A_267, %dma_start3A_268] : memref<2x128xi32, #tpu.memory_space<vmem>> -> memref<1x128xi32, #tpu.memory_space<vmem>>
      %dma_start3A_270 = tpu.memref_squeeze %dma_start3A_269 : memref<1x128xi32, #tpu.memory_space<vmem>> -> memref<128xi32, #tpu.memory_space<vmem>>
      %dma_start3A_271 = arith.constant 0 : i32
      %dma_start3A_272 = arith.constant 0 : i32
      %dma_start3A_273 = tpu.memref_slice %arg3[%dma_start3A_271, %dma_start3A_272] : memref<10240x128xbf16, #tpu.memory_space<hbm>> -> memref<10240x128xbf16, #tpu.memory_space<hbm>>
      tpu.enqueue_indirect_dma source(%dma_start3A_273 : memref<10240x128xbf16, #tpu.memory_space<hbm>>) target(%arg8 : memref<128x128xbf16, #tpu.memory_space<vmem>>) offsets(%dma_start3A_270 : memref<128xi32, #tpu.memory_space<vmem>>) semaphore(%arg13 : memref<!tpu.dma_semaphore, #tpu.memory_space<semaphore_mem>>)
      %dma_start3A_274 = arith.constant 1 : i32
      %dma_start3A_275 = arith.constant 0 : i32
      %dma_start3A_276 = tpu.memref_slice %arg5[%dma_start3A_274, %dma_start3A_275] : memref<2x128xi32, #tpu.memory_space<vmem>> -> memref<1x128xi32, #tpu.memory_space<vmem>>
      %dma_start3A_277 = tpu.memref_squeeze %dma_start3A_276 : memref<1x128xi32, #tpu.memory_space<vmem>> -> memref<128xi32, #tpu.memory_space<vmem>>
      %dma_start3A_278 = arith.constant 0 : i32
      %dma_start3A_279 = arith.constant 0 : i32
      %dma_start3A_280 = tpu.memref_slice %arg9[%dma_start3A_278, %dma_start3A_279] : memref<10112x128xbf16, #tpu.memory_space<vmem_shared>> -> memref<10112x128xbf16, #tpu.memory_space<vmem_shared>>
      tpu.enqueue_indirect_dma source(%arg7 : memref<128x128xbf16, #tpu.memory_space<vmem>>) target(%dma_start3A_280 : memref<10112x128xbf16, #tpu.memory_space<vmem_shared>>) offsets(%dma_start3A_277 : memref<128xi32, #tpu.memory_space<vmem>>) semaphore(%arg14 : memref<!tpu.dma_semaphore, #tpu.memory_space<semaphore_mem>>) {add = true}
      %dma_wait3A_281 = arith.constant 1 : i32
      %dma_wait3A_282 = arith.constant 0 : i32
      %dma_wait3A_283 = tpu.memref_slice %arg5[%dma_wait3A_281, %dma_wait3A_282] : memref<2x128xi32, #tpu.memory_space<vmem>> -> memref<1x128xi32, #tpu.memory_space<vmem>>
      %dma_wait3A_284 = tpu.memref_squeeze %dma_wait3A_283 : memref<1x128xi32, #tpu.memory_space<vmem>> -> memref<128xi32, #tpu.memory_space<vmem>>
      %dma_wait3A_285 = arith.constant 0 : i32
      %dma_wait3A_286 = arith.constant 0 : i32
      %dma_wait3A_287 = tpu.memref_slice %arg9[%dma_wait3A_285, %dma_wait3A_286] : memref<10112x128xbf16, #tpu.memory_space<vmem_shared>> -> memref<10112x128xbf16, #tpu.memory_space<vmem_shared>>
      tpu.wait_indirect_dma semaphore(%arg14 : memref<!tpu.dma_semaphore, #tpu.memory_space<semaphore_mem>>) src(%arg7 : memref<128x128xbf16, #tpu.memory_space<vmem>>) dst(%dma_wait3A_287 : memref<10112x128xbf16, #tpu.memory_space<vmem_shared>>)
      %add3A_288 = arith.constant 2 : i32
      %add3A_289 = arith.addi %add3A_248, %add3A_288 : i32
      %lt3A = arith.constant 80 : i32
      %lt3A_290 = arith.cmpi slt, %add3A_289, %lt3A : i32
      %convert_element_type3A = arith.extui %lt3A_290 : i1 to i32
      %cond3A = arith.constant 0 : i32
      %cond3A_291 = arith.cmpi ne, %convert_element_type3A, %cond3A : i32
      scf.if %cond3A_291 {
        %add3A_327 = arith.constant 2 : i32
        %add3A_328 = arith.addi %add3A_249, %add3A_327 : i32
        %dma_start3A_329 = arith.constant 0 : i32
        %dma_start3A_330 = arith.constant 0 : i32
        %dma_start3A_331 = tpu.memref_slice %arg2[%add3A_328, %dma_start3A_329, %dma_start3A_330] : memref<2560x2x128xi32, #tpu.memory_space<hbm>> -> memref<1x2x128xi32, #tpu.memory_space<hbm>>
        %dma_start3A_332 = tpu.memref_squeeze %dma_start3A_331 : memref<1x2x128xi32, #tpu.memory_space<hbm>> -> memref<2x128xi32, #tpu.memory_space<hbm>>
        %dma_start3A_333 = arith.constant 0 : i32
        %dma_start3A_334 = arith.constant 0 : i32
        %dma_start3A_335 = tpu.memref_slice %arg2[%add3A_328, %dma_start3A_333, %dma_start3A_334] : memref<2560x2x128xi32, #tpu.memory_space<hbm>> -> memref<1x2x128xi32, #tpu.memory_space<hbm>>
        %dma_start3A_336 = tpu.memref_squeeze %dma_start3A_335 : memref<1x2x128xi32, #tpu.memory_space<hbm>> -> memref<2x128xi32, #tpu.memory_space<hbm>>
        tpu.enqueue_dma source(%dma_start3A_336 : memref<2x128xi32, #tpu.memory_space<hbm>>) target(%arg5 : memref<2x128xi32, #tpu.memory_space<vmem>>) target_semaphore(%arg10 : memref<!tpu.dma_semaphore, #tpu.memory_space<semaphore_mem>>)
      } else {
      }
      %dma_wait3A_292 = arith.constant 0 : i32
      %dma_wait3A_293 = arith.constant 0 : i32
      %dma_wait3A_294 = tpu.memref_slice %arg6[%dma_wait3A_292, %dma_wait3A_293] : memref<2x128xi32, #tpu.memory_space<vmem>> -> memref<1x128xi32, #tpu.memory_space<vmem>>
      %dma_wait3A_295 = tpu.memref_squeeze %dma_wait3A_294 : memref<1x128xi32, #tpu.memory_space<vmem>> -> memref<128xi32, #tpu.memory_space<vmem>>
      %dma_wait3A_296 = arith.constant 0 : i32
      %dma_wait3A_297 = arith.constant 0 : i32
      %dma_wait3A_298 = tpu.memref_slice %arg3[%dma_wait3A_296, %dma_wait3A_297] : memref<10240x128xbf16, #tpu.memory_space<hbm>> -> memref<10240x128xbf16, #tpu.memory_space<hbm>>
      tpu.wait_indirect_dma semaphore(%arg13 : memref<!tpu.dma_semaphore, #tpu.memory_space<semaphore_mem>>) src(%dma_wait3A_298 : memref<10240x128xbf16, #tpu.memory_space<hbm>>) dst(%arg8 : memref<128x128xbf16, #tpu.memory_space<vmem>>)
      %dma_start3A_299 = arith.constant 1 : i32
      %dma_start3A_300 = arith.constant 0 : i32
      %dma_start3A_301 = tpu.memref_slice %arg6[%dma_start3A_299, %dma_start3A_300] : memref<2x128xi32, #tpu.memory_space<vmem>> -> memref<1x128xi32, #tpu.memory_space<vmem>>
      %dma_start3A_302 = tpu.memref_squeeze %dma_start3A_301 : memref<1x128xi32, #tpu.memory_space<vmem>> -> memref<128xi32, #tpu.memory_space<vmem>>
      %dma_start3A_303 = arith.constant 0 : i32
      %dma_start3A_304 = arith.constant 0 : i32
      %dma_start3A_305 = tpu.memref_slice %arg9[%dma_start3A_303, %dma_start3A_304] : memref<10112x128xbf16, #tpu.memory_space<vmem_shared>> -> memref<10112x128xbf16, #tpu.memory_space<vmem_shared>>
      tpu.enqueue_indirect_dma source(%arg8 : memref<128x128xbf16, #tpu.memory_space<vmem>>) target(%dma_start3A_305 : memref<10112x128xbf16, #tpu.memory_space<vmem_shared>>) offsets(%dma_start3A_302 : memref<128xi32, #tpu.memory_space<vmem>>) semaphore(%arg15 : memref<!tpu.dma_semaphore, #tpu.memory_space<semaphore_mem>>) {add = true}
      %add3A_306 = arith.constant 2 : i32
      %add3A_307 = arith.addi %add3A_248, %add3A_306 : i32
      %lt3A_308 = arith.constant 80 : i32
      %lt3A_309 = arith.cmpi slt, %add3A_307, %lt3A_308 : i32
      %convert_element_type3A_310 = arith.extui %lt3A_309 : i1 to i32
      %cond3A_311 = arith.constant 0 : i32
      %cond3A_312 = arith.cmpi ne, %convert_element_type3A_310, %cond3A_311 : i32
      scf.if %cond3A_312 {
        %add3A_327 = arith.constant 2 : i32
        %add3A_328 = arith.addi %add3A_249, %add3A_327 : i32
        %dma_wait3A_329 = arith.constant 0 : i32
        %dma_wait3A_330 = arith.constant 0 : i32
        %dma_wait3A_331 = tpu.memref_slice %arg2[%add3A_328, %dma_wait3A_329, %dma_wait3A_330] : memref<2560x2x128xi32, #tpu.memory_space<hbm>> -> memref<1x2x128xi32, #tpu.memory_space<hbm>>
        %dma_wait3A_332 = tpu.memref_squeeze %dma_wait3A_331 : memref<1x2x128xi32, #tpu.memory_space<hbm>> -> memref<2x128xi32, #tpu.memory_space<hbm>>
        %dma_wait3A_333 = arith.constant 0 : i32
        %dma_wait3A_334 = arith.constant 0 : i32
        %dma_wait3A_335 = tpu.memref_slice %arg2[%add3A_328, %dma_wait3A_333, %dma_wait3A_334] : memref<2560x2x128xi32, #tpu.memory_space<hbm>> -> memref<1x2x128xi32, #tpu.memory_space<hbm>>
        %dma_wait3A_336 = tpu.memref_squeeze %dma_wait3A_335 : memref<1x2x128xi32, #tpu.memory_space<hbm>> -> memref<2x128xi32, #tpu.memory_space<hbm>>
        tpu.wait_dma2 semaphore(%arg10 : memref<!tpu.dma_semaphore, #tpu.memory_space<semaphore_mem>>) src(%dma_wait3A_336 : memref<2x128xi32, #tpu.memory_space<hbm>>) dst(%arg5 : memref<2x128xi32, #tpu.memory_space<vmem>>)
        %dma_start3A_337 = arith.constant 0 : i32
        %dma_start3A_338 = arith.constant 0 : i32
        %dma_start3A_339 = tpu.memref_slice %arg5[%dma_start3A_337, %dma_start3A_338] : memref<2x128xi32, #tpu.memory_space<vmem>> -> memref<1x128xi32, #tpu.memory_space<vmem>>
        %dma_start3A_340 = tpu.memref_squeeze %dma_start3A_339 : memref<1x128xi32, #tpu.memory_space<vmem>> -> memref<128xi32, #tpu.memory_space<vmem>>
        %dma_start3A_341 = arith.constant 0 : i32
        %dma_start3A_342 = arith.constant 0 : i32
        %dma_start3A_343 = tpu.memref_slice %arg3[%dma_start3A_341, %dma_start3A_342] : memref<10240x128xbf16, #tpu.memory_space<hbm>> -> memref<10240x128xbf16, #tpu.memory_space<hbm>>
        tpu.enqueue_indirect_dma source(%dma_start3A_343 : memref<10240x128xbf16, #tpu.memory_space<hbm>>) target(%arg7 : memref<128x128xbf16, #tpu.memory_space<vmem>>) offsets(%dma_start3A_340 : memref<128xi32, #tpu.memory_space<vmem>>) semaphore(%arg12 : memref<!tpu.dma_semaphore, #tpu.memory_space<semaphore_mem>>)
      } else {
      }
      %dma_wait3A_313 = arith.constant 1 : i32
      %dma_wait3A_314 = arith.constant 0 : i32
      %dma_wait3A_315 = tpu.memref_slice %arg6[%dma_wait3A_313, %dma_wait3A_314] : memref<2x128xi32, #tpu.memory_space<vmem>> -> memref<1x128xi32, #tpu.memory_space<vmem>>
      %dma_wait3A_316 = tpu.memref_squeeze %dma_wait3A_315 : memref<1x128xi32, #tpu.memory_space<vmem>> -> memref<128xi32, #tpu.memory_space<vmem>>
      %dma_wait3A_317 = arith.constant 0 : i32
      %dma_wait3A_318 = arith.constant 0 : i32
      %dma_wait3A_319 = tpu.memref_slice %arg9[%dma_wait3A_317, %dma_wait3A_318] : memref<10112x128xbf16, #tpu.memory_space<vmem_shared>> -> memref<10112x128xbf16, #tpu.memory_space<vmem_shared>>
      tpu.wait_indirect_dma semaphore(%arg15 : memref<!tpu.dma_semaphore, #tpu.memory_space<semaphore_mem>>) src(%arg8 : memref<128x128xbf16, #tpu.memory_space<vmem>>) dst(%dma_wait3A_319 : memref<10112x128xbf16, #tpu.memory_space<vmem_shared>>)
      %add3A_320 = arith.constant 2 : i32
      %add3A_321 = arith.addi %add3A_248, %add3A_320 : i32
      %lt3A_322 = arith.constant 80 : i32
      %lt3A_323 = arith.cmpi slt, %add3A_321, %lt3A_322 : i32
      %convert_element_type3A_324 = arith.extui %lt3A_323 : i1 to i32
      %cond3A_325 = arith.constant 0 : i32
      %cond3A_326 = arith.cmpi ne, %convert_element_type3A_324, %cond3A_325 : i32
      scf.if %cond3A_326 {
        %add3A_327 = arith.constant 3 : i32
        %add3A_328 = arith.addi %add3A_249, %add3A_327 : i32
        %dma_start3A_329 = arith.constant 0 : i32
        %dma_start3A_330 = arith.constant 0 : i32
        %dma_start3A_331 = tpu.memref_slice %arg2[%add3A_328, %dma_start3A_329, %dma_start3A_330] : memref<2560x2x128xi32, #tpu.memory_space<hbm>> -> memref<1x2x128xi32, #tpu.memory_space<hbm>>
        %dma_start3A_332 = tpu.memref_squeeze %dma_start3A_331 : memref<1x2x128xi32, #tpu.memory_space<hbm>> -> memref<2x128xi32, #tpu.memory_space<hbm>>
        %dma_start3A_333 = arith.constant 0 : i32
        %dma_start3A_334 = arith.constant 0 : i32
        %dma_start3A_335 = tpu.memref_slice %arg2[%add3A_328, %dma_start3A_333, %dma_start3A_334] : memref<2560x2x128xi32, #tpu.memory_space<hbm>> -> memref<1x2x128xi32, #tpu.memory_space<hbm>>
        %dma_start3A_336 = tpu.memref_squeeze %dma_start3A_335 : memref<1x2x128xi32, #tpu.memory_space<hbm>> -> memref<2x128xi32, #tpu.memory_space<hbm>>
        tpu.enqueue_dma source(%dma_start3A_336 : memref<2x128xi32, #tpu.memory_space<hbm>>) target(%arg6 : memref<2x128xi32, #tpu.memory_space<vmem>>) target_semaphore(%arg11 : memref<!tpu.dma_semaphore, #tpu.memory_space<semaphore_mem>>)
      } else {
      }
    }
    %scan3A_62 = arith.constant 40 : i32
    %barrier3A_63 = arith.constant 0 : index
    tpu.barrier barrier_id(%barrier3A_63)
    %mul3A_64 = arith.constant 632 : i32
    %mul3A_65 = arith.muli %arg1, %mul3A_64 : i32
    %add3A_66 = arith.constant 0 : i32
    %add3A_67 = arith.addi %mul3A_65, %add3A_66 : i32
    "tpu.region"() ({
      %run_scoped3A = tpu.sem_alloc : memref<!tpu.dma_semaphore, #tpu.memory_space<semaphore_mem>>
      %dma_start3A_244 = arith.constant 0 : i32
      %dma_start3A_245 = arith.constant 0 : i32
      %dma_start3A_246 = tpu.memref_slice %arg7[%dma_start3A_244, %dma_start3A_245] : memref<128x128xbf16, #tpu.memory_space<vmem>> -> memref<128x128xbf16, #tpu.memory_space<vmem>>
      %dma_start3A_247 = arith.constant 0 : i32
      %dma_start3A_248 = tpu.memref_slice %arg9[%add3A_67, %dma_start3A_247] : memref<10112x128xbf16, #tpu.memory_space<vmem_shared>> -> memref<128x128xbf16, #tpu.memory_space<vmem_shared>>
      %dma_start3A_249 = arith.constant 0 : i32
      %dma_start3A_250 = arith.constant 0 : i32
      %dma_start3A_251 = tpu.memref_slice %arg7[%dma_start3A_249, %dma_start3A_250] : memref<128x128xbf16, #tpu.memory_space<vmem>> -> memref<128x128xbf16, #tpu.memory_space<vmem>>
      %dma_start3A_252 = arith.constant 0 : i32
      %dma_start3A_253 = tpu.memref_slice %arg9[%add3A_67, %dma_start3A_252] : memref<10112x128xbf16, #tpu.memory_space<vmem_shared>> -> memref<128x128xbf16, #tpu.memory_space<vmem_shared>>
      tpu.enqueue_dma source(%dma_start3A_253 : memref<128x128xbf16, #tpu.memory_space<vmem_shared>>) target(%dma_start3A_251 : memref<128x128xbf16, #tpu.memory_space<vmem>>) target_semaphore(%run_scoped3A : memref<!tpu.dma_semaphore, #tpu.memory_space<semaphore_mem>>)
      %dma_wait3A_254 = arith.constant 0 : i32
      %dma_wait3A_255 = arith.constant 0 : i32
      %dma_wait3A_256 = tpu.memref_slice %arg7[%dma_wait3A_254, %dma_wait3A_255] : memref<128x128xbf16, #tpu.memory_space<vmem>> -> memref<128x128xbf16, #tpu.memory_space<vmem>>
      %dma_wait3A_257 = arith.constant 0 : i32
      %dma_wait3A_258 = tpu.memref_slice %arg9[%add3A_67, %dma_wait3A_257] : memref<10112x128xbf16, #tpu.memory_space<vmem_shared>> -> memref<128x128xbf16, #tpu.memory_space<vmem_shared>>
      %dma_wait3A_259 = arith.constant 0 : i32
      %dma_wait3A_260 = arith.constant 0 : i32
      %dma_wait3A_261 = tpu.memref_slice %arg7[%dma_wait3A_259, %dma_wait3A_260] : memref<128x128xbf16, #tpu.memory_space<vmem>> -> memref<128x128xbf16, #tpu.memory_space<vmem>>
      %dma_wait3A_262 = arith.constant 0 : i32
      %dma_wait3A_263 = tpu.memref_slice %arg9[%add3A_67, %dma_wait3A_262] : memref<10112x128xbf16, #tpu.memory_space<vmem_shared>> -> memref<128x128xbf16, #tpu.memory_space<vmem_shared>>
      tpu.wait_dma2 semaphore(%run_scoped3A : memref<!tpu.dma_semaphore, #tpu.memory_space<semaphore_mem>>) src(%dma_wait3A_263 : memref<128x128xbf16, #tpu.memory_space<vmem_shared>>) dst(%dma_wait3A_261 : memref<128x128xbf16, #tpu.memory_space<vmem>>)
      tpu.yield
    }) : () -> ()
    %mul3A_68 = arith.constant 632 : i32
    %mul3A_69 = arith.muli %arg1, %mul3A_68 : i32
    %add3A_70 = arith.constant 0 : i32
    %add3A_71 = arith.addi %mul3A_69, %add3A_70 : i32
    %dma_start3A_72 = arith.constant 0 : i32
    %dma_start3A_73 = arith.constant 0 : i32
    %dma_start3A_74 = tpu.memref_slice %arg7[%dma_start3A_72, %dma_start3A_73] : memref<128x128xbf16, #tpu.memory_space<vmem>> -> memref<128x128xbf16, #tpu.memory_space<vmem>>
    %dma_start3A_75 = arith.constant 0 : i32
    %dma_start3A_76 = tpu.memref_slice %arg4[%arg0, %add3A_71, %dma_start3A_75] : memref<2x10240x128xbf16, #tpu.memory_space<hbm>> -> memref<1x128x128xbf16, #tpu.memory_space<hbm>>
    %dma_start3A_77 = tpu.memref_squeeze %dma_start3A_76 : memref<1x128x128xbf16, #tpu.memory_space<hbm>> -> memref<128x128xbf16, #tpu.memory_space<hbm>>
    %dma_start3A_78 = arith.constant 0 : i32
    %dma_start3A_79 = tpu.memref_slice %arg4[%arg0, %add3A_71, %dma_start3A_78] : memref<2x10240x128xbf16, #tpu.memory_space<hbm>> -> memref<1x128x128xbf16, #tpu.memory_space<hbm>>
    %dma_start3A_80 = tpu.memref_squeeze %dma_start3A_79 : memref<1x128x128xbf16, #tpu.memory_space<hbm>> -> memref<128x128xbf16, #tpu.memory_space<hbm>>
    %dma_start3A_81 = arith.constant 0 : i32
    %dma_start3A_82 = arith.constant 0 : i32
    %dma_start3A_83 = tpu.memref_slice %arg7[%dma_start3A_81, %dma_start3A_82] : memref<128x128xbf16, #tpu.memory_space<vmem>> -> memref<128x128xbf16, #tpu.memory_space<vmem>>
    tpu.enqueue_dma source(%dma_start3A_83 : memref<128x128xbf16, #tpu.memory_space<vmem>>) target(%dma_start3A_80 : memref<128x128xbf16, #tpu.memory_space<hbm>>) target_semaphore(%arg16 : memref<!tpu.dma_semaphore, #tpu.memory_space<semaphore_mem>>)
    %mul3A_84 = arith.constant 632 : i32
    %mul3A_85 = arith.muli %arg1, %mul3A_84 : i32
    %add3A_86 = arith.constant 128 : i32
    %add3A_87 = arith.addi %mul3A_85, %add3A_86 : i32
    "tpu.region"() ({
      %run_scoped3A = tpu.sem_alloc : memref<!tpu.dma_semaphore, #tpu.memory_space<semaphore_mem>>
      %dma_start3A_244 = arith.constant 0 : i32
      %dma_start3A_245 = arith.constant 0 : i32
      %dma_start3A_246 = tpu.memref_slice %arg8[%dma_start3A_244, %dma_start3A_245] : memref<128x128xbf16, #tpu.memory_space<vmem>> -> memref<128x128xbf16, #tpu.memory_space<vmem>>
      %dma_start3A_247 = arith.constant 0 : i32
      %dma_start3A_248 = tpu.memref_slice %arg9[%add3A_87, %dma_start3A_247] : memref<10112x128xbf16, #tpu.memory_space<vmem_shared>> -> memref<128x128xbf16, #tpu.memory_space<vmem_shared>>
      %dma_start3A_249 = arith.constant 0 : i32
      %dma_start3A_250 = arith.constant 0 : i32
      %dma_start3A_251 = tpu.memref_slice %arg8[%dma_start3A_249, %dma_start3A_250] : memref<128x128xbf16, #tpu.memory_space<vmem>> -> memref<128x128xbf16, #tpu.memory_space<vmem>>
      %dma_start3A_252 = arith.constant 0 : i32
      %dma_start3A_253 = tpu.memref_slice %arg9[%add3A_87, %dma_start3A_252] : memref<10112x128xbf16, #tpu.memory_space<vmem_shared>> -> memref<128x128xbf16, #tpu.memory_space<vmem_shared>>
      tpu.enqueue_dma source(%dma_start3A_253 : memref<128x128xbf16, #tpu.memory_space<vmem_shared>>) target(%dma_start3A_251 : memref<128x128xbf16, #tpu.memory_space<vmem>>) target_semaphore(%run_scoped3A : memref<!tpu.dma_semaphore, #tpu.memory_space<semaphore_mem>>)
      %dma_wait3A_254 = arith.constant 0 : i32
      %dma_wait3A_255 = arith.constant 0 : i32
      %dma_wait3A_256 = tpu.memref_slice %arg8[%dma_wait3A_254, %dma_wait3A_255] : memref<128x128xbf16, #tpu.memory_space<vmem>> -> memref<128x128xbf16, #tpu.memory_space<vmem>>
      %dma_wait3A_257 = arith.constant 0 : i32
      %dma_wait3A_258 = tpu.memref_slice %arg9[%add3A_87, %dma_wait3A_257] : memref<10112x128xbf16, #tpu.memory_space<vmem_shared>> -> memref<128x128xbf16, #tpu.memory_space<vmem_shared>>
      %dma_wait3A_259 = arith.constant 0 : i32
      %dma_wait3A_260 = arith.constant 0 : i32
      %dma_wait3A_261 = tpu.memref_slice %arg8[%dma_wait3A_259, %dma_wait3A_260] : memref<128x128xbf16, #tpu.memory_space<vmem>> -> memref<128x128xbf16, #tpu.memory_space<vmem>>
      %dma_wait3A_262 = arith.constant 0 : i32
      %dma_wait3A_263 = tpu.memref_slice %arg9[%add3A_87, %dma_wait3A_262] : memref<10112x128xbf16, #tpu.memory_space<vmem_shared>> -> memref<128x128xbf16, #tpu.memory_space<vmem_shared>>
      tpu.wait_dma2 semaphore(%run_scoped3A : memref<!tpu.dma_semaphore, #tpu.memory_space<semaphore_mem>>) src(%dma_wait3A_263 : memref<128x128xbf16, #tpu.memory_space<vmem_shared>>) dst(%dma_wait3A_261 : memref<128x128xbf16, #tpu.memory_space<vmem>>)
      tpu.yield
    }) : () -> ()
    %mul3A_88 = arith.constant 632 : i32
    %mul3A_89 = arith.muli %arg1, %mul3A_88 : i32
    %add3A_90 = arith.constant 128 : i32
    %add3A_91 = arith.addi %mul3A_89, %add3A_90 : i32
    %dma_start3A_92 = arith.constant 0 : i32
    %dma_start3A_93 = arith.constant 0 : i32
    %dma_start3A_94 = tpu.memref_slice %arg8[%dma_start3A_92, %dma_start3A_93] : memref<128x128xbf16, #tpu.memory_space<vmem>> -> memref<128x128xbf16, #tpu.memory_space<vmem>>
    %dma_start3A_95 = arith.constant 0 : i32
    %dma_start3A_96 = tpu.memref_slice %arg4[%arg0, %add3A_91, %dma_start3A_95] : memref<2x10240x128xbf16, #tpu.memory_space<hbm>> -> memref<1x128x128xbf16, #tpu.memory_space<hbm>>
    %dma_start3A_97 = tpu.memref_squeeze %dma_start3A_96 : memref<1x128x128xbf16, #tpu.memory_space<hbm>> -> memref<128x128xbf16, #tpu.memory_space<hbm>>
    %dma_start3A_98 = arith.constant 0 : i32
    %dma_start3A_99 = tpu.memref_slice %arg4[%arg0, %add3A_91, %dma_start3A_98] : memref<2x10240x128xbf16, #tpu.memory_space<hbm>> -> memref<1x128x128xbf16, #tpu.memory_space<hbm>>
    %dma_start3A_100 = tpu.memref_squeeze %dma_start3A_99 : memref<1x128x128xbf16, #tpu.memory_space<hbm>> -> memref<128x128xbf16, #tpu.memory_space<hbm>>
    %dma_start3A_101 = arith.constant 0 : i32
    %dma_start3A_102 = arith.constant 0 : i32
    %dma_start3A_103 = tpu.memref_slice %arg8[%dma_start3A_101, %dma_start3A_102] : memref<128x128xbf16, #tpu.memory_space<vmem>> -> memref<128x128xbf16, #tpu.memory_space<vmem>>
    tpu.enqueue_dma source(%dma_start3A_103 : memref<128x128xbf16, #tpu.memory_space<vmem>>) target(%dma_start3A_100 : memref<128x128xbf16, #tpu.memory_space<hbm>>) target_semaphore(%arg17 : memref<!tpu.dma_semaphore, #tpu.memory_space<semaphore_mem>>)
    %mul3A_104 = arith.constant 632 : i32
    %mul3A_105 = arith.muli %arg1, %mul3A_104 : i32
    %add3A_106 = arith.constant 0 : i32
    %add3A_107 = arith.addi %mul3A_105, %add3A_106 : i32
    %dma_wait3A_108 = arith.constant 0 : i32
    %dma_wait3A_109 = arith.constant 0 : i32
    %dma_wait3A_110 = tpu.memref_slice %arg7[%dma_wait3A_108, %dma_wait3A_109] : memref<128x128xbf16, #tpu.memory_space<vmem>> -> memref<128x128xbf16, #tpu.memory_space<vmem>>
    %dma_wait3A_111 = arith.constant 0 : i32
    %dma_wait3A_112 = tpu.memref_slice %arg4[%arg0, %add3A_107, %dma_wait3A_111] : memref<2x10240x128xbf16, #tpu.memory_space<hbm>> -> memref<1x128x128xbf16, #tpu.memory_space<hbm>>
    %dma_wait3A_113 = tpu.memref_squeeze %dma_wait3A_112 : memref<1x128x128xbf16, #tpu.memory_space<hbm>> -> memref<128x128xbf16, #tpu.memory_space<hbm>>
    %dma_wait3A_114 = arith.constant 0 : i32
    %dma_wait3A_115 = tpu.memref_slice %arg4[%arg0, %add3A_107, %dma_wait3A_114] : memref<2x10240x128xbf16, #tpu.memory_space<hbm>> -> memref<1x128x128xbf16, #tpu.memory_space<hbm>>
    %dma_wait3A_116 = tpu.memref_squeeze %dma_wait3A_115 : memref<1x128x128xbf16, #tpu.memory_space<hbm>> -> memref<128x128xbf16, #tpu.memory_space<hbm>>
    %dma_wait3A_117 = arith.constant 0 : i32
    %dma_wait3A_118 = arith.constant 0 : i32
    %dma_wait3A_119 = tpu.memref_slice %arg7[%dma_wait3A_117, %dma_wait3A_118] : memref<128x128xbf16, #tpu.memory_space<vmem>> -> memref<128x128xbf16, #tpu.memory_space<vmem>>
    tpu.wait_dma2 semaphore(%arg16 : memref<!tpu.dma_semaphore, #tpu.memory_space<semaphore_mem>>) src(%dma_wait3A_119 : memref<128x128xbf16, #tpu.memory_space<vmem>>) dst(%dma_wait3A_116 : memref<128x128xbf16, #tpu.memory_space<hbm>>)
    %mul3A_120 = arith.constant 632 : i32
    %mul3A_121 = arith.muli %arg1, %mul3A_120 : i32
    %add3A_122 = arith.constant 256 : i32
    %add3A_123 = arith.addi %mul3A_121, %add3A_122 : i32
    "tpu.region"() ({
      %run_scoped3A = tpu.sem_alloc : memref<!tpu.dma_semaphore, #tpu.memory_space<semaphore_mem>>
      %dma_start3A_244 = arith.constant 0 : i32
      %dma_start3A_245 = arith.constant 0 : i32
      %dma_start3A_246 = tpu.memref_slice %arg7[%dma_start3A_244, %dma_start3A_245] : memref<128x128xbf16, #tpu.memory_space<vmem>> -> memref<128x128xbf16, #tpu.memory_space<vmem>>
      %dma_start3A_247 = arith.constant 0 : i32
      %dma_start3A_248 = tpu.memref_slice %arg9[%add3A_123, %dma_start3A_247] : memref<10112x128xbf16, #tpu.memory_space<vmem_shared>> -> memref<128x128xbf16, #tpu.memory_space<vmem_shared>>
      %dma_start3A_249 = arith.constant 0 : i32
      %dma_start3A_250 = arith.constant 0 : i32
      %dma_start3A_251 = tpu.memref_slice %arg7[%dma_start3A_249, %dma_start3A_250] : memref<128x128xbf16, #tpu.memory_space<vmem>> -> memref<128x128xbf16, #tpu.memory_space<vmem>>
      %dma_start3A_252 = arith.constant 0 : i32
      %dma_start3A_253 = tpu.memref_slice %arg9[%add3A_123, %dma_start3A_252] : memref<10112x128xbf16, #tpu.memory_space<vmem_shared>> -> memref<128x128xbf16, #tpu.memory_space<vmem_shared>>
      tpu.enqueue_dma source(%dma_start3A_253 : memref<128x128xbf16, #tpu.memory_space<vmem_shared>>) target(%dma_start3A_251 : memref<128x128xbf16, #tpu.memory_space<vmem>>) target_semaphore(%run_scoped3A : memref<!tpu.dma_semaphore, #tpu.memory_space<semaphore_mem>>)
      %dma_wait3A_254 = arith.constant 0 : i32
      %dma_wait3A_255 = arith.constant 0 : i32
      %dma_wait3A_256 = tpu.memref_slice %arg7[%dma_wait3A_254, %dma_wait3A_255] : memref<128x128xbf16, #tpu.memory_space<vmem>> -> memref<128x128xbf16, #tpu.memory_space<vmem>>
      %dma_wait3A_257 = arith.constant 0 : i32
      %dma_wait3A_258 = tpu.memref_slice %arg9[%add3A_123, %dma_wait3A_257] : memref<10112x128xbf16, #tpu.memory_space<vmem_shared>> -> memref<128x128xbf16, #tpu.memory_space<vmem_shared>>
      %dma_wait3A_259 = arith.constant 0 : i32
      %dma_wait3A_260 = arith.constant 0 : i32
      %dma_wait3A_261 = tpu.memref_slice %arg7[%dma_wait3A_259, %dma_wait3A_260] : memref<128x128xbf16, #tpu.memory_space<vmem>> -> memref<128x128xbf16, #tpu.memory_space<vmem>>
      %dma_wait3A_262 = arith.constant 0 : i32
      %dma_wait3A_263 = tpu.memref_slice %arg9[%add3A_123, %dma_wait3A_262] : memref<10112x128xbf16, #tpu.memory_space<vmem_shared>> -> memref<128x128xbf16, #tpu.memory_space<vmem_shared>>
      tpu.wait_dma2 semaphore(%run_scoped3A : memref<!tpu.dma_semaphore, #tpu.memory_space<semaphore_mem>>) src(%dma_wait3A_263 : memref<128x128xbf16, #tpu.memory_space<vmem_shared>>) dst(%dma_wait3A_261 : memref<128x128xbf16, #tpu.memory_space<vmem>>)
      tpu.yield
    }) : () -> ()
    %mul3A_124 = arith.constant 632 : i32
    %mul3A_125 = arith.muli %arg1, %mul3A_124 : i32
    %add3A_126 = arith.constant 256 : i32
    %add3A_127 = arith.addi %mul3A_125, %add3A_126 : i32
    %dma_start3A_128 = arith.constant 0 : i32
    %dma_start3A_129 = arith.constant 0 : i32
    %dma_start3A_130 = tpu.memref_slice %arg7[%dma_start3A_128, %dma_start3A_129] : memref<128x128xbf16, #tpu.memory_space<vmem>> -> memref<128x128xbf16, #tpu.memory_space<vmem>>
    %dma_start3A_131 = arith.constant 0 : i32
    %dma_start3A_132 = tpu.memref_slice %arg4[%arg0, %add3A_127, %dma_start3A_131] : memref<2x10240x128xbf16, #tpu.memory_space<hbm>> -> memref<1x128x128xbf16, #tpu.memory_space<hbm>>
    %dma_start3A_133 = tpu.memref_squeeze %dma_start3A_132 : memref<1x128x128xbf16, #tpu.memory_space<hbm>> -> memref<128x128xbf16, #tpu.memory_space<hbm>>
    %dma_start3A_134 = arith.constant 0 : i32
    %dma_start3A_135 = tpu.memref_slice %arg4[%arg0, %add3A_127, %dma_start3A_134] : memref<2x10240x128xbf16, #tpu.memory_space<hbm>> -> memref<1x128x128xbf16, #tpu.memory_space<hbm>>
    %dma_start3A_136 = tpu.memref_squeeze %dma_start3A_135 : memref<1x128x128xbf16, #tpu.memory_space<hbm>> -> memref<128x128xbf16, #tpu.memory_space<hbm>>
    %dma_start3A_137 = arith.constant 0 : i32
    %dma_start3A_138 = arith.constant 0 : i32
    %dma_start3A_139 = tpu.memref_slice %arg7[%dma_start3A_137, %dma_start3A_138] : memref<128x128xbf16, #tpu.memory_space<vmem>> -> memref<128x128xbf16, #tpu.memory_space<vmem>>
    tpu.enqueue_dma source(%dma_start3A_139 : memref<128x128xbf16, #tpu.memory_space<vmem>>) target(%dma_start3A_136 : memref<128x128xbf16, #tpu.memory_space<hbm>>) target_semaphore(%arg16 : memref<!tpu.dma_semaphore, #tpu.memory_space<semaphore_mem>>)
    %mul3A_140 = arith.constant 632 : i32
    %mul3A_141 = arith.muli %arg1, %mul3A_140 : i32
    %add3A_142 = arith.constant 128 : i32
    %add3A_143 = arith.addi %mul3A_141, %add3A_142 : i32
    %dma_wait3A_144 = arith.constant 0 : i32
    %dma_wait3A_145 = arith.constant 0 : i32
    %dma_wait3A_146 = tpu.memref_slice %arg8[%dma_wait3A_144, %dma_wait3A_145] : memref<128x128xbf16, #tpu.memory_space<vmem>> -> memref<128x128xbf16, #tpu.memory_space<vmem>>
    %dma_wait3A_147 = arith.constant 0 : i32
    %dma_wait3A_148 = tpu.memref_slice %arg4[%arg0, %add3A_143, %dma_wait3A_147] : memref<2x10240x128xbf16, #tpu.memory_space<hbm>> -> memref<1x128x128xbf16, #tpu.memory_space<hbm>>
    %dma_wait3A_149 = tpu.memref_squeeze %dma_wait3A_148 : memref<1x128x128xbf16, #tpu.memory_space<hbm>> -> memref<128x128xbf16, #tpu.memory_space<hbm>>
    %dma_wait3A_150 = arith.constant 0 : i32
    %dma_wait3A_151 = tpu.memref_slice %arg4[%arg0, %add3A_143, %dma_wait3A_150] : memref<2x10240x128xbf16, #tpu.memory_space<hbm>> -> memref<1x128x128xbf16, #tpu.memory_space<hbm>>
    %dma_wait3A_152 = tpu.memref_squeeze %dma_wait3A_151 : memref<1x128x128xbf16, #tpu.memory_space<hbm>> -> memref<128x128xbf16, #tpu.memory_space<hbm>>
    %dma_wait3A_153 = arith.constant 0 : i32
    %dma_wait3A_154 = arith.constant 0 : i32
    %dma_wait3A_155 = tpu.memref_slice %arg8[%dma_wait3A_153, %dma_wait3A_154] : memref<128x128xbf16, #tpu.memory_space<vmem>> -> memref<128x128xbf16, #tpu.memory_space<vmem>>
    tpu.wait_dma2 semaphore(%arg17 : memref<!tpu.dma_semaphore, #tpu.memory_space<semaphore_mem>>) src(%dma_wait3A_155 : memref<128x128xbf16, #tpu.memory_space<vmem>>) dst(%dma_wait3A_152 : memref<128x128xbf16, #tpu.memory_space<hbm>>)
    %mul3A_156 = arith.constant 632 : i32
    %mul3A_157 = arith.muli %arg1, %mul3A_156 : i32
    %add3A_158 = arith.constant 384 : i32
    %add3A_159 = arith.addi %mul3A_157, %add3A_158 : i32
    "tpu.region"() ({
      %run_scoped3A = tpu.sem_alloc : memref<!tpu.dma_semaphore, #tpu.memory_space<semaphore_mem>>
      %dma_start3A_244 = arith.constant 0 : i32
      %dma_start3A_245 = arith.constant 0 : i32
      %dma_start3A_246 = tpu.memref_slice %arg8[%dma_start3A_244, %dma_start3A_245] : memref<128x128xbf16, #tpu.memory_space<vmem>> -> memref<128x128xbf16, #tpu.memory_space<vmem>>
      %dma_start3A_247 = arith.constant 0 : i32
      %dma_start3A_248 = tpu.memref_slice %arg9[%add3A_159, %dma_start3A_247] : memref<10112x128xbf16, #tpu.memory_space<vmem_shared>> -> memref<128x128xbf16, #tpu.memory_space<vmem_shared>>
      %dma_start3A_249 = arith.constant 0 : i32
      %dma_start3A_250 = arith.constant 0 : i32
      %dma_start3A_251 = tpu.memref_slice %arg8[%dma_start3A_249, %dma_start3A_250] : memref<128x128xbf16, #tpu.memory_space<vmem>> -> memref<128x128xbf16, #tpu.memory_space<vmem>>
      %dma_start3A_252 = arith.constant 0 : i32
      %dma_start3A_253 = tpu.memref_slice %arg9[%add3A_159, %dma_start3A_252] : memref<10112x128xbf16, #tpu.memory_space<vmem_shared>> -> memref<128x128xbf16, #tpu.memory_space<vmem_shared>>
      tpu.enqueue_dma source(%dma_start3A_253 : memref<128x128xbf16, #tpu.memory_space<vmem_shared>>) target(%dma_start3A_251 : memref<128x128xbf16, #tpu.memory_space<vmem>>) target_semaphore(%run_scoped3A : memref<!tpu.dma_semaphore, #tpu.memory_space<semaphore_mem>>)
      %dma_wait3A_254 = arith.constant 0 : i32
      %dma_wait3A_255 = arith.constant 0 : i32
      %dma_wait3A_256 = tpu.memref_slice %arg8[%dma_wait3A_254, %dma_wait3A_255] : memref<128x128xbf16, #tpu.memory_space<vmem>> -> memref<128x128xbf16, #tpu.memory_space<vmem>>
      %dma_wait3A_257 = arith.constant 0 : i32
      %dma_wait3A_258 = tpu.memref_slice %arg9[%add3A_159, %dma_wait3A_257] : memref<10112x128xbf16, #tpu.memory_space<vmem_shared>> -> memref<128x128xbf16, #tpu.memory_space<vmem_shared>>
      %dma_wait3A_259 = arith.constant 0 : i32
      %dma_wait3A_260 = arith.constant 0 : i32
      %dma_wait3A_261 = tpu.memref_slice %arg8[%dma_wait3A_259, %dma_wait3A_260] : memref<128x128xbf16, #tpu.memory_space<vmem>> -> memref<128x128xbf16, #tpu.memory_space<vmem>>
      %dma_wait3A_262 = arith.constant 0 : i32
      %dma_wait3A_263 = tpu.memref_slice %arg9[%add3A_159, %dma_wait3A_262] : memref<10112x128xbf16, #tpu.memory_space<vmem_shared>> -> memref<128x128xbf16, #tpu.memory_space<vmem_shared>>
      tpu.wait_dma2 semaphore(%run_scoped3A : memref<!tpu.dma_semaphore, #tpu.memory_space<semaphore_mem>>) src(%dma_wait3A_263 : memref<128x128xbf16, #tpu.memory_space<vmem_shared>>) dst(%dma_wait3A_261 : memref<128x128xbf16, #tpu.memory_space<vmem>>)
      tpu.yield
    }) : () -> ()
    %mul3A_160 = arith.constant 632 : i32
    %mul3A_161 = arith.muli %arg1, %mul3A_160 : i32
    %add3A_162 = arith.constant 384 : i32
    %add3A_163 = arith.addi %mul3A_161, %add3A_162 : i32
    %dma_start3A_164 = arith.constant 0 : i32
    %dma_start3A_165 = arith.constant 0 : i32
    %dma_start3A_166 = tpu.memref_slice %arg8[%dma_start3A_164, %dma_start3A_165] : memref<128x128xbf16, #tpu.memory_space<vmem>> -> memref<128x128xbf16, #tpu.memory_space<vmem>>
    %dma_start3A_167 = arith.constant 0 : i32
    %dma_start3A_168 = tpu.memref_slice %arg4[%arg0, %add3A_163, %dma_start3A_167] : memref<2x10240x128xbf16, #tpu.memory_space<hbm>> -> memref<1x128x128xbf16, #tpu.memory_space<hbm>>
    %dma_start3A_169 = tpu.memref_squeeze %dma_start3A_168 : memref<1x128x128xbf16, #tpu.memory_space<hbm>> -> memref<128x128xbf16, #tpu.memory_space<hbm>>
    %dma_start3A_170 = arith.constant 0 : i32
    %dma_start3A_171 = tpu.memref_slice %arg4[%arg0, %add3A_163, %dma_start3A_170] : memref<2x10240x128xbf16, #tpu.memory_space<hbm>> -> memref<1x128x128xbf16, #tpu.memory_space<hbm>>
    %dma_start3A_172 = tpu.memref_squeeze %dma_start3A_171 : memref<1x128x128xbf16, #tpu.memory_space<hbm>> -> memref<128x128xbf16, #tpu.memory_space<hbm>>
    %dma_start3A_173 = arith.constant 0 : i32
    %dma_start3A_174 = arith.constant 0 : i32
    %dma_start3A_175 = tpu.memref_slice %arg8[%dma_start3A_173, %dma_start3A_174] : memref<128x128xbf16, #tpu.memory_space<vmem>> -> memref<128x128xbf16, #tpu.memory_space<vmem>>
    tpu.enqueue_dma source(%dma_start3A_175 : memref<128x128xbf16, #tpu.memory_space<vmem>>) target(%dma_start3A_172 : memref<128x128xbf16, #tpu.memory_space<hbm>>) target_semaphore(%arg17 : memref<!tpu.dma_semaphore, #tpu.memory_space<semaphore_mem>>)
    %mul3A_176 = arith.constant 632 : i32
    %mul3A_177 = arith.muli %arg1, %mul3A_176 : i32
    %add3A_178 = arith.constant 256 : i32
    %add3A_179 = arith.addi %mul3A_177, %add3A_178 : i32
    %dma_wait3A_180 = arith.constant 0 : i32
    %dma_wait3A_181 = arith.constant 0 : i32
    %dma_wait3A_182 = tpu.memref_slice %arg7[%dma_wait3A_180, %dma_wait3A_181] : memref<128x128xbf16, #tpu.memory_space<vmem>> -> memref<128x128xbf16, #tpu.memory_space<vmem>>
    %dma_wait3A_183 = arith.constant 0 : i32
    %dma_wait3A_184 = tpu.memref_slice %arg4[%arg0, %add3A_179, %dma_wait3A_183] : memref<2x10240x128xbf16, #tpu.memory_space<hbm>> -> memref<1x128x128xbf16, #tpu.memory_space<hbm>>
    %dma_wait3A_185 = tpu.memref_squeeze %dma_wait3A_184 : memref<1x128x128xbf16, #tpu.memory_space<hbm>> -> memref<128x128xbf16, #tpu.memory_space<hbm>>
    %dma_wait3A_186 = arith.constant 0 : i32
    %dma_wait3A_187 = tpu.memref_slice %arg4[%arg0, %add3A_179, %dma_wait3A_186] : memref<2x10240x128xbf16, #tpu.memory_space<hbm>> -> memref<1x128x128xbf16, #tpu.memory_space<hbm>>
    %dma_wait3A_188 = tpu.memref_squeeze %dma_wait3A_187 : memref<1x128x128xbf16, #tpu.memory_space<hbm>> -> memref<128x128xbf16, #tpu.memory_space<hbm>>
    %dma_wait3A_189 = arith.constant 0 : i32
    %dma_wait3A_190 = arith.constant 0 : i32
    %dma_wait3A_191 = tpu.memref_slice %arg7[%dma_wait3A_189, %dma_wait3A_190] : memref<128x128xbf16, #tpu.memory_space<vmem>> -> memref<128x128xbf16, #tpu.memory_space<vmem>>
    tpu.wait_dma2 semaphore(%arg16 : memref<!tpu.dma_semaphore, #tpu.memory_space<semaphore_mem>>) src(%dma_wait3A_191 : memref<128x128xbf16, #tpu.memory_space<vmem>>) dst(%dma_wait3A_188 : memref<128x128xbf16, #tpu.memory_space<hbm>>)
    %mul3A_192 = arith.constant 632 : i32
    %mul3A_193 = arith.muli %arg1, %mul3A_192 : i32
    %add3A_194 = arith.constant 512 : i32
    %add3A_195 = arith.addi %mul3A_193, %add3A_194 : i32
    "tpu.region"() ({
      %run_scoped3A = tpu.sem_alloc : memref<!tpu.dma_semaphore, #tpu.memory_space<semaphore_mem>>
      %dma_start3A_244 = arith.constant 0 : i32
      %dma_start3A_245 = arith.constant 0 : i32
      %dma_start3A_246 = tpu.memref_slice %arg7[%dma_start3A_244, %dma_start3A_245] : memref<128x128xbf16, #tpu.memory_space<vmem>> -> memref<120x128xbf16, #tpu.memory_space<vmem>>
      %dma_start3A_247 = arith.constant 0 : i32
      %dma_start3A_248 = tpu.memref_slice %arg9[%add3A_195, %dma_start3A_247] : memref<10112x128xbf16, #tpu.memory_space<vmem_shared>> -> memref<120x128xbf16, #tpu.memory_space<vmem_shared>>
      %dma_start3A_249 = arith.constant 0 : i32
      %dma_start3A_250 = arith.constant 0 : i32
      %dma_start3A_251 = tpu.memref_slice %arg7[%dma_start3A_249, %dma_start3A_250] : memref<128x128xbf16, #tpu.memory_space<vmem>> -> memref<120x128xbf16, #tpu.memory_space<vmem>>
      %dma_start3A_252 = arith.constant 0 : i32
      %dma_start3A_253 = tpu.memref_slice %arg9[%add3A_195, %dma_start3A_252] : memref<10112x128xbf16, #tpu.memory_space<vmem_shared>> -> memref<120x128xbf16, #tpu.memory_space<vmem_shared>>
      tpu.enqueue_dma source(%dma_start3A_253 : memref<120x128xbf16, #tpu.memory_space<vmem_shared>>) target(%dma_start3A_251 : memref<120x128xbf16, #tpu.memory_space<vmem>>) target_semaphore(%run_scoped3A : memref<!tpu.dma_semaphore, #tpu.memory_space<semaphore_mem>>)
      %dma_wait3A_254 = arith.constant 0 : i32
      %dma_wait3A_255 = arith.constant 0 : i32
      %dma_wait3A_256 = tpu.memref_slice %arg7[%dma_wait3A_254, %dma_wait3A_255] : memref<128x128xbf16, #tpu.memory_space<vmem>> -> memref<120x128xbf16, #tpu.memory_space<vmem>>
      %dma_wait3A_257 = arith.constant 0 : i32
      %dma_wait3A_258 = tpu.memref_slice %arg9[%add3A_195, %dma_wait3A_257] : memref<10112x128xbf16, #tpu.memory_space<vmem_shared>> -> memref<120x128xbf16, #tpu.memory_space<vmem_shared>>
      %dma_wait3A_259 = arith.constant 0 : i32
      %dma_wait3A_260 = arith.constant 0 : i32
      %dma_wait3A_261 = tpu.memref_slice %arg7[%dma_wait3A_259, %dma_wait3A_260] : memref<128x128xbf16, #tpu.memory_space<vmem>> -> memref<120x128xbf16, #tpu.memory_space<vmem>>
      %dma_wait3A_262 = arith.constant 0 : i32
      %dma_wait3A_263 = tpu.memref_slice %arg9[%add3A_195, %dma_wait3A_262] : memref<10112x128xbf16, #tpu.memory_space<vmem_shared>> -> memref<120x128xbf16, #tpu.memory_space<vmem_shared>>
      tpu.wait_dma2 semaphore(%run_scoped3A : memref<!tpu.dma_semaphore, #tpu.memory_space<semaphore_mem>>) src(%dma_wait3A_263 : memref<120x128xbf16, #tpu.memory_space<vmem_shared>>) dst(%dma_wait3A_261 : memref<120x128xbf16, #tpu.memory_space<vmem>>)
      tpu.yield
    }) : () -> ()
    %mul3A_196 = arith.constant 632 : i32
    %mul3A_197 = arith.muli %arg1, %mul3A_196 : i32
    %add3A_198 = arith.constant 512 : i32
    %add3A_199 = arith.addi %mul3A_197, %add3A_198 : i32
    %dma_start3A_200 = arith.constant 0 : i32
    %dma_start3A_201 = arith.constant 0 : i32
    %dma_start3A_202 = tpu.memref_slice %arg7[%dma_start3A_200, %dma_start3A_201] : memref<128x128xbf16, #tpu.memory_space<vmem>> -> memref<120x128xbf16, #tpu.memory_space<vmem>>
    %dma_start3A_203 = arith.constant 0 : i32
    %dma_start3A_204 = tpu.memref_slice %arg4[%arg0, %add3A_199, %dma_start3A_203] : memref<2x10240x128xbf16, #tpu.memory_space<hbm>> -> memref<1x120x128xbf16, #tpu.memory_space<hbm>>
    %dma_start3A_205 = tpu.memref_squeeze %dma_start3A_204 : memref<1x120x128xbf16, #tpu.memory_space<hbm>> -> memref<120x128xbf16, #tpu.memory_space<hbm>>
    %dma_start3A_206 = arith.constant 0 : i32
    %dma_start3A_207 = tpu.memref_slice %arg4[%arg0, %add3A_199, %dma_start3A_206] : memref<2x10240x128xbf16, #tpu.memory_space<hbm>> -> memref<1x120x128xbf16, #tpu.memory_space<hbm>>
    %dma_start3A_208 = tpu.memref_squeeze %dma_start3A_207 : memref<1x120x128xbf16, #tpu.memory_space<hbm>> -> memref<120x128xbf16, #tpu.memory_space<hbm>>
    %dma_start3A_209 = arith.constant 0 : i32
    %dma_start3A_210 = arith.constant 0 : i32
    %dma_start3A_211 = tpu.memref_slice %arg7[%dma_start3A_209, %dma_start3A_210] : memref<128x128xbf16, #tpu.memory_space<vmem>> -> memref<120x128xbf16, #tpu.memory_space<vmem>>
    tpu.enqueue_dma source(%dma_start3A_211 : memref<120x128xbf16, #tpu.memory_space<vmem>>) target(%dma_start3A_208 : memref<120x128xbf16, #tpu.memory_space<hbm>>) target_semaphore(%arg16 : memref<!tpu.dma_semaphore, #tpu.memory_space<semaphore_mem>>)
    %mul3A_212 = arith.constant 632 : i32
    %mul3A_213 = arith.muli %arg1, %mul3A_212 : i32
    %add3A_214 = arith.constant 384 : i32
    %add3A_215 = arith.addi %mul3A_213, %add3A_214 : i32
    %dma_wait3A_216 = arith.constant 0 : i32
    %dma_wait3A_217 = arith.constant 0 : i32
    %dma_wait3A_218 = tpu.memref_slice %arg8[%dma_wait3A_216, %dma_wait3A_217] : memref<128x128xbf16, #tpu.memory_space<vmem>> -> memref<128x128xbf16, #tpu.memory_space<vmem>>
    %dma_wait3A_219 = arith.constant 0 : i32
    %dma_wait3A_220 = tpu.memref_slice %arg4[%arg0, %add3A_215, %dma_wait3A_219] : memref<2x10240x128xbf16, #tpu.memory_space<hbm>> -> memref<1x128x128xbf16, #tpu.memory_space<hbm>>
    %dma_wait3A_221 = tpu.memref_squeeze %dma_wait3A_220 : memref<1x128x128xbf16, #tpu.memory_space<hbm>> -> memref<128x128xbf16, #tpu.memory_space<hbm>>
    %dma_wait3A_222 = arith.constant 0 : i32
    %dma_wait3A_223 = tpu.memref_slice %arg4[%arg0, %add3A_215, %dma_wait3A_222] : memref<2x10240x128xbf16, #tpu.memory_space<hbm>> -> memref<1x128x128xbf16, #tpu.memory_space<hbm>>
    %dma_wait3A_224 = tpu.memref_squeeze %dma_wait3A_223 : memref<1x128x128xbf16, #tpu.memory_space<hbm>> -> memref<128x128xbf16, #tpu.memory_space<hbm>>
    %dma_wait3A_225 = arith.constant 0 : i32
    %dma_wait3A_226 = arith.constant 0 : i32
    %dma_wait3A_227 = tpu.memref_slice %arg8[%dma_wait3A_225, %dma_wait3A_226] : memref<128x128xbf16, #tpu.memory_space<vmem>> -> memref<128x128xbf16, #tpu.memory_space<vmem>>
    tpu.wait_dma2 semaphore(%arg17 : memref<!tpu.dma_semaphore, #tpu.memory_space<semaphore_mem>>) src(%dma_wait3A_227 : memref<128x128xbf16, #tpu.memory_space<vmem>>) dst(%dma_wait3A_224 : memref<128x128xbf16, #tpu.memory_space<hbm>>)
    %mul3A_228 = arith.constant 632 : i32
    %mul3A_229 = arith.muli %arg1, %mul3A_228 : i32
    %add3A_230 = arith.constant 512 : i32
    %add3A_231 = arith.addi %mul3A_229, %add3A_230 : i32
    %dma_wait3A_232 = arith.constant 0 : i32
    %dma_wait3A_233 = arith.constant 0 : i32
    %dma_wait3A_234 = tpu.memref_slice %arg7[%dma_wait3A_232, %dma_wait3A_233] : memref<128x128xbf16, #tpu.memory_space<vmem>> -> memref<120x128xbf16, #tpu.memory_space<vmem>>
    %dma_wait3A_235 = arith.constant 0 : i32
    %dma_wait3A_236 = tpu.memref_slice %arg4[%arg0, %add3A_231, %dma_wait3A_235] : memref<2x10240x128xbf16, #tpu.memory_space<hbm>> -> memref<1x120x128xbf16, #tpu.memory_space<hbm>>
    %dma_wait3A_237 = tpu.memref_squeeze %dma_wait3A_236 : memref<1x120x128xbf16, #tpu.memory_space<hbm>> -> memref<120x128xbf16, #tpu.memory_space<hbm>>
    %dma_wait3A_238 = arith.constant 0 : i32
    %dma_wait3A_239 = tpu.memref_slice %arg4[%arg0, %add3A_231, %dma_wait3A_238] : memref<2x10240x128xbf16, #tpu.memory_space<hbm>> -> memref<1x120x128xbf16, #tpu.memory_space<hbm>>
    %dma_wait3A_240 = tpu.memref_squeeze %dma_wait3A_239 : memref<1x120x128xbf16, #tpu.memory_space<hbm>> -> memref<120x128xbf16, #tpu.memory_space<hbm>>
    %dma_wait3A_241 = arith.constant 0 : i32
    %dma_wait3A_242 = arith.constant 0 : i32
    %dma_wait3A_243 = tpu.memref_slice %arg7[%dma_wait3A_241, %dma_wait3A_242] : memref<128x128xbf16, #tpu.memory_space<vmem>> -> memref<120x128xbf16, #tpu.memory_space<vmem>>
    tpu.wait_dma2 semaphore(%arg16 : memref<!tpu.dma_semaphore, #tpu.memory_space<semaphore_mem>>) src(%dma_wait3A_243 : memref<120x128xbf16, #tpu.memory_space<vmem>>) dst(%dma_wait3A_240 : memref<120x128xbf16, #tpu.memory_space<hbm>>)
    return
  }
}

#map = affine_map<(d0, d1) -> (0, 0, 0)>
#map1 = affine_map<(d0, d1) -> (0, 0)>
module attributes {stable_mosaic.version = 14 : i64} {
  func.func @body(%arg0: i32, %arg1: i32, %arg2: memref<2560x2x128xi32, #tpu.memory_space<hbm>>, %arg3: memref<10240x128xbf16, #tpu.memory_space<hbm>>, %arg4: memref<2x10240x128xbf16, #tpu.memory_space<hbm>>, %arg5: memref<2x128xi32, #tpu.memory_space<vmem>>, %arg6: memref<2x128xi32, #tpu.memory_space<vmem>>, %arg7: memref<128x128xbf16, #tpu.memory_space<vmem>>, %arg8: memref<128x128xbf16, #tpu.memory_space<vmem>>, %arg9: memref<10112x128xbf16, #tpu.memory_space<vmem_shared>>, %arg10: memref<!tpu.dma_semaphore, #tpu.memory_space<semaphore_mem>>, %arg11: memref<!tpu.dma_semaphore, #tpu.memory_space<semaphore_mem>>, %arg12: memref<!tpu.dma_semaphore, #tpu.memory_space<semaphore_mem>>, %arg13: memref<!tpu.dma_semaphore, #tpu.memory_space<semaphore_mem>>, %arg14: memref<!tpu.dma_semaphore, #tpu.memory_space<semaphore_mem>>, %arg15: memref<!tpu.dma_semaphore, #tpu.memory_space<semaphore_mem>>, %arg16: memref<!tpu.dma_semaphore, #tpu.memory_space<semaphore_mem>>, %arg17: memref<!tpu.dma_semaphore, #tpu.memory_space<semaphore_mem>>) attributes {dimension_semantics = [#tpu.dimension_semantics<core_parallel>, #tpu.dimension_semantics<subcore_parallel>], iteration_bounds = array<i64: 2, 16>, scalar_prefetch = 0 : i64, scratch_operands = 13 : i64, tpu.core_type = #tpu.core_type<sc_vector_subcore>, window_params = [{transform_indices = #map}, {transform_indices = #map1}, {transform_indices = #map}]} {
    %mul3A = arith.constant 16 : i32
    %mul3A_0 = arith.muli %arg0, %mul3A : i32
    %add3A = arith.addi %mul3A_0, %arg1 : i32
    %mul3A_1 = arith.constant 80 : i32
    %mul3A_2 = arith.muli %add3A, %mul3A_1 : i32
    %scan3A = arith.constant 0 : i32
    %scan3A_3 = arith.constant 128 : i32
    %scan3A_4 = arith.addi %scan3A, %scan3A_3 : i32
    %scan3A_5 = arith.constant 1 : i32
    scf.for %scan3A_244 = %scan3A to %scan3A_4 step %scan3A_5  : i32 {
      %mul3A_245 = arith.constant 1 : i32
      %mul3A_246 = arith.muli %scan3A_244, %mul3A_245 : i32
      %add3A_247 = arith.constant 0 : i32
      %add3A_248 = arith.addi %add3A_247, %mul3A_246 : i32
      %broadcast_in_dim3A = arith.constant 0.000000e+00 : bf16
      %broadcast_in_dim3A_249 = vector.broadcast %broadcast_in_dim3A : bf16 to vector<32xbf16>
      %swap3A = arith.index_cast %add3A_248 : i32 to index
      %swap3A_250 = arith.constant 0 : index
      %swap3A_251 = tpu.vector_load %arg7[%swap3A, %swap3A_250] {strides = array<i32>} : memref<128x128xbf16, #tpu.memory_space<vmem>>, vector<1x32xbf16>,
      %swap3A_252 = vector.shape_cast %swap3A_251 : vector<1x32xbf16> to vector<32xbf16>
      %swap3A_253 = vector.shape_cast %broadcast_in_dim3A_249 : vector<32xbf16> to vector<1x32xbf16>
      tpu.vector_store %arg7[%swap3A, %swap3A_250], %swap3A_253 {strides = array<i32>} : memref<128x128xbf16, #tpu.memory_space<vmem>>, vector<1x32xbf16>,
      %broadcast_in_dim3A_254 = arith.constant 0.000000e+00 : bf16
      %broadcast_in_dim3A_255 = vector.broadcast %broadcast_in_dim3A_254 : bf16 to vector<32xbf16>
      %swap3A_256 = arith.index_cast %add3A_248 : i32 to index
      %swap3A_257 = arith.constant 32 : index
      %swap3A_258 = tpu.vector_load %arg7[%swap3A_256, %swap3A_257] {strides = array<i32>} : memref<128x128xbf16, #tpu.memory_space<vmem>>, vector<1x32xbf16>,
      %swap3A_259 = vector.shape_cast %swap3A_258 : vector<1x32xbf16> to vector<32xbf16>
      %swap3A_260 = vector.shape_cast %broadcast_in_dim3A_255 : vector<32xbf16> to vector<1x32xbf16>
      tpu.vector_store %arg7[%swap3A_256, %swap3A_257], %swap3A_260 {strides = array<i32>} : memref<128x128xbf16, #tpu.memory_space<vmem>>, vector<1x32xbf16>,
      %broadcast_in_dim3A_261 = arith.constant 0.000000e+00 : bf16
      %broadcast_in_dim3A_262 = vector.broadcast %broadcast_in_dim3A_261 : bf16 to vector<32xbf16>
      %swap3A_263 = arith.index_cast %add3A_248 : i32 to index
      %swap3A_264 = arith.constant 64 : index
      %swap3A_265 = tpu.vector_load %arg7[%swap3A_263, %swap3A_264] {strides = array<i32>} : memref<128x128xbf16, #tpu.memory_space<vmem>>, vector<1x32xbf16>,
      %swap3A_266 = vector.shape_cast %swap3A_265 : vector<1x32xbf16> to vector<32xbf16>
      %swap3A_267 = vector.shape_cast %broadcast_in_dim3A_262 : vector<32xbf16> to vector<1x32xbf16>
      tpu.vector_store %arg7[%swap3A_263, %swap3A_264], %swap3A_267 {strides = array<i32>} : memref<128x128xbf16, #tpu.memory_space<vmem>>, vector<1x32xbf16>,
      %broadcast_in_dim3A_268 = arith.constant 0.000000e+00 : bf16
      %broadcast_in_dim3A_269 = vector.broadcast %broadcast_in_dim3A_268 : bf16 to vector<32xbf16>
      %swap3A_270 = arith.index_cast %add3A_248 : i32 to index
      %swap3A_271 = arith.constant 96 : index
      %swap3A_272 = tpu.vector_load %arg7[%swap3A_270, %swap3A_271] {strides = array<i32>} : memref<128x128xbf16, #tpu.memory_space<vmem>>, vector<1x32xbf16>,
      %swap3A_273 = vector.shape_cast %swap3A_272 : vector<1x32xbf16> to vector<32xbf16>
      %swap3A_274 = vector.shape_cast %broadcast_in_dim3A_269 : vector<32xbf16> to vector<1x32xbf16>
      tpu.vector_store %arg7[%swap3A_270, %swap3A_271], %swap3A_274 {strides = array<i32>} : memref<128x128xbf16, #tpu.memory_space<vmem>>, vector<1x32xbf16>,
    }
    %scan3A_6 = arith.constant 128 : i32
    %mul3A_7 = arith.constant 632 : i32
    %mul3A_8 = arith.muli %arg1, %mul3A_7 : i32
    %add3A_9 = arith.constant 0 : i32
    %add3A_10 = arith.addi %mul3A_8, %add3A_9 : i32
    "tpu.region"() ({
      %run_scoped3A = tpu.sem_alloc : memref<!tpu.dma_semaphore, #tpu.memory_space<semaphore_mem>>
      %dma_start3A_244 = arith.constant 0 : i32
      %dma_start3A_245 = tpu.memref_slice %arg9[%add3A_10, %dma_start3A_244] : memref<10112x128xbf16, #tpu.memory_space<vmem_shared>> -> memref<128x128xbf16, #tpu.memory_space<vmem_shared>>
      %dma_start3A_246 = arith.constant 0 : i32
      %dma_start3A_247 = tpu.memref_slice %arg9[%add3A_10, %dma_start3A_246] : memref<10112x128xbf16, #tpu.memory_space<vmem_shared>> -> memref<128x128xbf16, #tpu.memory_space<vmem_shared>>
      tpu.enqueue_dma source(%arg7 : memref<128x128xbf16, #tpu.memory_space<vmem>>) target(%dma_start3A_247 : memref<128x128xbf16, #tpu.memory_space<vmem_shared>>) target_semaphore(%run_scoped3A : memref<!tpu.dma_semaphore, #tpu.memory_space<semaphore_mem>>)
      %dma_wait3A_248 = arith.constant 0 : i32
      %dma_wait3A_249 = tpu.memref_slice %arg9[%add3A_10, %dma_wait3A_248] : memref<10112x128xbf16, #tpu.memory_space<vmem_shared>> -> memref<128x128xbf16, #tpu.memory_space<vmem_shared>>
      %dma_wait3A_250 = arith.constant 0 : i32
      %dma_wait3A_251 = tpu.memref_slice %arg9[%add3A_10, %dma_wait3A_250] : memref<10112x128xbf16, #tpu.memory_space<vmem_shared>> -> memref<128x128xbf16, #tpu.memory_space<vmem_shared>>
      tpu.wait_dma2 semaphore(%run_scoped3A : memref<!tpu.dma_semaphore, #tpu.memory_space<semaphore_mem>>) src(%arg7 : memref<128x128xbf16, #tpu.memory_space<vmem>>) dst(%dma_wait3A_251 : memref<128x128xbf16, #tpu.memory_space<vmem_shared>>)
      tpu.yield
    }) : () -> ()
    %mul3A_11 = arith.constant 632 : i32
    %mul3A_12 = arith.muli %arg1, %mul3A_11 : i32
    %add3A_13 = arith.constant 128 : i32
    %add3A_14 = arith.addi %mul3A_12, %add3A_13 : i32
    "tpu.region"() ({
      %run_scoped3A = tpu.sem_alloc : memref<!tpu.dma_semaphore, #tpu.memory_space<semaphore_mem>>
      %dma_start3A_244 = arith.constant 0 : i32
      %dma_start3A_245 = tpu.memref_slice %arg9[%add3A_14, %dma_start3A_244] : memref<10112x128xbf16, #tpu.memory_space<vmem_shared>> -> memref<128x128xbf16, #tpu.memory_space<vmem_shared>>
      %dma_start3A_246 = arith.constant 0 : i32
      %dma_start3A_247 = tpu.memref_slice %arg9[%add3A_14, %dma_start3A_246] : memref<10112x128xbf16, #tpu.memory_space<vmem_shared>> -> memref<128x128xbf16, #tpu.memory_space<vmem_shared>>
      tpu.enqueue_dma source(%arg7 : memref<128x128xbf16, #tpu.memory_space<vmem>>) target(%dma_start3A_247 : memref<128x128xbf16, #tpu.memory_space<vmem_shared>>) target_semaphore(%run_scoped3A : memref<!tpu.dma_semaphore, #tpu.memory_space<semaphore_mem>>)
      %dma_wait3A_248 = arith.constant 0 : i32
      %dma_wait3A_249 = tpu.memref_slice %arg9[%add3A_14, %dma_wait3A_248] : memref<10112x128xbf16, #tpu.memory_space<vmem_shared>> -> memref<128x128xbf16, #tpu.memory_space<vmem_shared>>
      %dma_wait3A_250 = arith.constant 0 : i32
      %dma_wait3A_251 = tpu.memref_slice %arg9[%add3A_14, %dma_wait3A_250] : memref<10112x128xbf16, #tpu.memory_space<vmem_shared>> -> memref<128x128xbf16, #tpu.memory_space<vmem_shared>>
      tpu.wait_dma2 semaphore(%run_scoped3A : memref<!tpu.dma_semaphore, #tpu.memory_space<semaphore_mem>>) src(%arg7 : memref<128x128xbf16, #tpu.memory_space<vmem>>) dst(%dma_wait3A_251 : memref<128x128xbf16, #tpu.memory_space<vmem_shared>>)
      tpu.yield
    }) : () -> ()
    %mul3A_15 = arith.constant 632 : i32
    %mul3A_16 = arith.muli %arg1, %mul3A_15 : i32
    %add3A_17 = arith.constant 256 : i32
    %add3A_18 = arith.addi %mul3A_16, %add3A_17 : i32
    "tpu.region"() ({
      %run_scoped3A = tpu.sem_alloc : memref<!tpu.dma_semaphore, #tpu.memory_space<semaphore_mem>>
      %dma_start3A_244 = arith.constant 0 : i32
      %dma_start3A_245 = tpu.memref_slice %arg9[%add3A_18, %dma_start3A_244] : memref<10112x128xbf16, #tpu.memory_space<vmem_shared>> -> memref<128x128xbf16, #tpu.memory_space<vmem_shared>>
      %dma_start3A_246 = arith.constant 0 : i32
      %dma_start3A_247 = tpu.memref_slice %arg9[%add3A_18, %dma_start3A_246] : memref<10112x128xbf16, #tpu.memory_space<vmem_shared>> -> memref<128x128xbf16, #tpu.memory_space<vmem_shared>>
      tpu.enqueue_dma source(%arg7 : memref<128x128xbf16, #tpu.memory_space<vmem>>) target(%dma_start3A_247 : memref<128x128xbf16, #tpu.memory_space<vmem_shared>>) target_semaphore(%run_scoped3A : memref<!tpu.dma_semaphore, #tpu.memory_space<semaphore_mem>>)
      %dma_wait3A_248 = arith.constant 0 : i32
      %dma_wait3A_249 = tpu.memref_slice %arg9[%add3A_18, %dma_wait3A_248] : memref<10112x128xbf16, #tpu.memory_space<vmem_shared>> -> memref<128x128xbf16, #tpu.memory_space<vmem_shared>>
      %dma_wait3A_250 = arith.constant 0 : i32
      %dma_wait3A_251 = tpu.memref_slice %arg9[%add3A_18, %dma_wait3A_250] : memref<10112x128xbf16, #tpu.memory_space<vmem_shared>> -> memref<128x128xbf16, #tpu.memory_space<vmem_shared>>
      tpu.wait_dma2 semaphore(%run_scoped3A : memref<!tpu.dma_semaphore, #tpu.memory_space<semaphore_mem>>) src(%arg7 : memref<128x128xbf16, #tpu.memory_space<vmem>>) dst(%dma_wait3A_251 : memref<128x128xbf16, #tpu.memory_space<vmem_shared>>)
      tpu.yield
    }) : () -> ()
    %mul3A_19 = arith.constant 632 : i32
    %mul3A_20 = arith.muli %arg1, %mul3A_19 : i32
    %add3A_21 = arith.constant 384 : i32
    %add3A_22 = arith.addi %mul3A_20, %add3A_21 : i32
    "tpu.region"() ({
      %run_scoped3A = tpu.sem_alloc : memref<!tpu.dma_semaphore, #tpu.memory_space<semaphore_mem>>
      %dma_start3A_244 = arith.constant 0 : i32
      %dma_start3A_245 = tpu.memref_slice %arg9[%add3A_22, %dma_start3A_244] : memref<10112x128xbf16, #tpu.memory_space<vmem_shared>> -> memref<128x128xbf16, #tpu.memory_space<vmem_shared>>
      %dma_start3A_246 = arith.constant 0 : i32
      %dma_start3A_247 = tpu.memref_slice %arg9[%add3A_22, %dma_start3A_246] : memref<10112x128xbf16, #tpu.memory_space<vmem_shared>> -> memref<128x128xbf16, #tpu.memory_space<vmem_shared>>
      tpu.enqueue_dma source(%arg7 : memref<128x128xbf16, #tpu.memory_space<vmem>>) target(%dma_start3A_247 : memref<128x128xbf16, #tpu.memory_space<vmem_shared>>) target_semaphore(%run_scoped3A : memref<!tpu.dma_semaphore, #tpu.memory_space<semaphore_mem>>)
      %dma_wait3A_248 = arith.constant 0 : i32
      %dma_wait3A_249 = tpu.memref_slice %arg9[%add3A_22, %dma_wait3A_248] : memref<10112x128xbf16, #tpu.memory_space<vmem_shared>> -> memref<128x128xbf16, #tpu.memory_space<vmem_shared>>
      %dma_wait3A_250 = arith.constant 0 : i32
      %dma_wait3A_251 = tpu.memref_slice %arg9[%add3A_22, %dma_wait3A_250] : memref<10112x128xbf16, #tpu.memory_space<vmem_shared>> -> memref<128x128xbf16, #tpu.memory_space<vmem_shared>>
      tpu.wait_dma2 semaphore(%run_scoped3A : memref<!tpu.dma_semaphore, #tpu.memory_space<semaphore_mem>>) src(%arg7 : memref<128x128xbf16, #tpu.memory_space<vmem>>) dst(%dma_wait3A_251 : memref<128x128xbf16, #tpu.memory_space<vmem_shared>>)
      tpu.yield
    }) : () -> ()
    %mul3A_23 = arith.constant 632 : i32
    %mul3A_24 = arith.muli %arg1, %mul3A_23 : i32
    %add3A_25 = arith.constant 512 : i32
    %add3A_26 = arith.addi %mul3A_24, %add3A_25 : i32
    "tpu.region"() ({
      %run_scoped3A = tpu.sem_alloc : memref<!tpu.dma_semaphore, #tpu.memory_space<semaphore_mem>>
      %dma_start3A_244 = arith.constant 0 : i32
      %dma_start3A_245 = arith.constant 0 : i32
      %dma_start3A_246 = tpu.memref_slice %arg7[%dma_start3A_244, %dma_start3A_245] : memref<128x128xbf16, #tpu.memory_space<vmem>> -> memref<120x128xbf16, #tpu.memory_space<vmem>>
      %dma_start3A_247 = arith.constant 0 : i32
      %dma_start3A_248 = tpu.memref_slice %arg9[%add3A_26, %dma_start3A_247] : memref<10112x128xbf16, #tpu.memory_space<vmem_shared>> -> memref<120x128xbf16, #tpu.memory_space<vmem_shared>>
      %dma_start3A_249 = arith.constant 0 : i32
      %dma_start3A_250 = tpu.memref_slice %arg9[%add3A_26, %dma_start3A_249] : memref<10112x128xbf16, #tpu.memory_space<vmem_shared>> -> memref<120x128xbf16, #tpu.memory_space<vmem_shared>>
      %dma_start3A_251 = arith.constant 0 : i32
      %dma_start3A_252 = arith.constant 0 : i32
      %dma_start3A_253 = tpu.memref_slice %arg7[%dma_start3A_251, %dma_start3A_252] : memref<128x128xbf16, #tpu.memory_space<vmem>> -> memref<120x128xbf16, #tpu.memory_space<vmem>>
      tpu.enqueue_dma source(%dma_start3A_253 : memref<120x128xbf16, #tpu.memory_space<vmem>>) target(%dma_start3A_250 : memref<120x128xbf16, #tpu.memory_space<vmem_shared>>) target_semaphore(%run_scoped3A : memref<!tpu.dma_semaphore, #tpu.memory_space<semaphore_mem>>)
      %dma_wait3A_254 = arith.constant 0 : i32
      %dma_wait3A_255 = arith.constant 0 : i32
      %dma_wait3A_256 = tpu.memref_slice %arg7[%dma_wait3A_254, %dma_wait3A_255] : memref<128x128xbf16, #tpu.memory_space<vmem>> -> memref<120x128xbf16, #tpu.memory_space<vmem>>
      %dma_wait3A_257 = arith.constant 0 : i32
      %dma_wait3A_258 = tpu.memref_slice %arg9[%add3A_26, %dma_wait3A_257] : memref<10112x128xbf16, #tpu.memory_space<vmem_shared>> -> memref<120x128xbf16, #tpu.memory_space<vmem_shared>>
      %dma_wait3A_259 = arith.constant 0 : i32
      %dma_wait3A_260 = tpu.memref_slice %arg9[%add3A_26, %dma_wait3A_259] : memref<10112x128xbf16, #tpu.memory_space<vmem_shared>> -> memref<120x128xbf16, #tpu.memory_space<vmem_shared>>
      %dma_wait3A_261 = arith.constant 0 : i32
      %dma_wait3A_262 = arith.constant 0 : i32
      %dma_wait3A_263 = tpu.memref_slice %arg7[%dma_wait3A_261, %dma_wait3A_262] : memref<128x128xbf16, #tpu.memory_space<vmem>> -> memref<120x128xbf16, #tpu.memory_space<vmem>>
      tpu.wait_dma2 semaphore(%run_scoped3A : memref<!tpu.dma_semaphore, #tpu.memory_space<semaphore_mem>>) src(%dma_wait3A_263 : memref<120x128xbf16, #tpu.memory_space<vmem>>) dst(%dma_wait3A_260 : memref<120x128xbf16, #tpu.memory_space<vmem_shared>>)
      tpu.yield
    }) : () -> ()
    %barrier3A = arith.constant 0 : index
    tpu.barrier barrier_id(%barrier3A)
    %dma_start3A = arith.constant 0 : i32
    %dma_start3A_27 = arith.constant 0 : i32
    %dma_start3A_28 = tpu.memref_slice %arg2[%mul3A_2, %dma_start3A, %dma_start3A_27] : memref<2560x2x128xi32, #tpu.memory_space<hbm>> -> memref<1x2x128xi32, #tpu.memory_space<hbm>>
    %dma_start3A_29 = tpu.memref_squeeze %dma_start3A_28 : memref<1x2x128xi32, #tpu.memory_space<hbm>> -> memref<2x128xi32, #tpu.memory_space<hbm>>
    %dma_start3A_30 = arith.constant 0 : i32
    %dma_start3A_31 = arith.constant 0 : i32
    %dma_start3A_32 = tpu.memref_slice %arg2[%mul3A_2, %dma_start3A_30, %dma_start3A_31] : memref<2560x2x128xi32, #tpu.memory_space<hbm>> -> memref<1x2x128xi32, #tpu.memory_space<hbm>>
    %dma_start3A_33 = tpu.memref_squeeze %dma_start3A_32 : memref<1x2x128xi32, #tpu.memory_space<hbm>> -> memref<2x128xi32, #tpu.memory_space<hbm>>
    tpu.enqueue_dma source(%dma_start3A_33 : memref<2x128xi32, #tpu.memory_space<hbm>>) target(%arg5 : memref<2x128xi32, #tpu.memory_space<vmem>>) target_semaphore(%arg10 : memref<!tpu.dma_semaphore, #tpu.memory_space<semaphore_mem>>)
    %dma_wait3A = arith.constant 0 : i32
    %dma_wait3A_34 = arith.constant 0 : i32
    %dma_wait3A_35 = tpu.memref_slice %arg2[%mul3A_2, %dma_wait3A, %dma_wait3A_34] : memref<2560x2x128xi32, #tpu.memory_space<hbm>> -> memref<1x2x128xi32, #tpu.memory_space<hbm>>
    %dma_wait3A_36 = tpu.memref_squeeze %dma_wait3A_35 : memref<1x2x128xi32, #tpu.memory_space<hbm>> -> memref<2x128xi32, #tpu.memory_space<hbm>>
    %dma_wait3A_37 = arith.constant 0 : i32
    %dma_wait3A_38 = arith.constant 0 : i32
    %dma_wait3A_39 = tpu.memref_slice %arg2[%mul3A_2, %dma_wait3A_37, %dma_wait3A_38] : memref<2560x2x128xi32, #tpu.memory_space<hbm>> -> memref<1x2x128xi32, #tpu.memory_space<hbm>>
    %dma_wait3A_40 = tpu.memref_squeeze %dma_wait3A_39 : memref<1x2x128xi32, #tpu.memory_space<hbm>> -> memref<2x128xi32, #tpu.memory_space<hbm>>
    tpu.wait_dma2 semaphore(%arg10 : memref<!tpu.dma_semaphore, #tpu.memory_space<semaphore_mem>>) src(%dma_wait3A_40 : memref<2x128xi32, #tpu.memory_space<hbm>>) dst(%arg5 : memref<2x128xi32, #tpu.memory_space<vmem>>)
    %dma_start3A_41 = arith.constant 0 : i32
    %dma_start3A_42 = arith.constant 0 : i32
    %dma_start3A_43 = tpu.memref_slice %arg5[%dma_start3A_41, %dma_start3A_42] : memref<2x128xi32, #tpu.memory_space<vmem>> -> memref<1x128xi32, #tpu.memory_space<vmem>>
    %dma_start3A_44 = tpu.memref_squeeze %dma_start3A_43 : memref<1x128xi32, #tpu.memory_space<vmem>> -> memref<128xi32, #tpu.memory_space<vmem>>
    %dma_start3A_45 = arith.constant 0 : i32
    %dma_start3A_46 = arith.constant 0 : i32
    %dma_start3A_47 = tpu.memref_slice %arg3[%dma_start3A_45, %dma_start3A_46] : memref<10240x128xbf16, #tpu.memory_space<hbm>> -> memref<10240x128xbf16, #tpu.memory_space<hbm>>
    tpu.enqueue_indirect_dma source(%dma_start3A_47 : memref<10240x128xbf16, #tpu.memory_space<hbm>>) target(%arg7 : memref<128x128xbf16, #tpu.memory_space<vmem>>) offsets(%dma_start3A_44 : memref<128xi32, #tpu.memory_space<vmem>>) semaphore(%arg12 : memref<!tpu.dma_semaphore, #tpu.memory_space<semaphore_mem>>)
    %add3A_48 = arith.constant 1 : i32
    %add3A_49 = arith.addi %mul3A_2, %add3A_48 : i32
    %dma_start3A_50 = arith.constant 0 : i32
    %dma_start3A_51 = arith.constant 0 : i32
    %dma_start3A_52 = tpu.memref_slice %arg2[%add3A_49, %dma_start3A_50, %dma_start3A_51] : memref<2560x2x128xi32, #tpu.memory_space<hbm>> -> memref<1x2x128xi32, #tpu.memory_space<hbm>>
    %dma_start3A_53 = tpu.memref_squeeze %dma_start3A_52 : memref<1x2x128xi32, #tpu.memory_space<hbm>> -> memref<2x128xi32, #tpu.memory_space<hbm>>
    %dma_start3A_54 = arith.constant 0 : i32
    %dma_start3A_55 = arith.constant 0 : i32
    %dma_start3A_56 = tpu.memref_slice %arg2[%add3A_49, %dma_start3A_54, %dma_start3A_55] : memref<2560x2x128xi32, #tpu.memory_space<hbm>> -> memref<1x2x128xi32, #tpu.memory_space<hbm>>
    %dma_start3A_57 = tpu.memref_squeeze %dma_start3A_56 : memref<1x2x128xi32, #tpu.memory_space<hbm>> -> memref<2x128xi32, #tpu.memory_space<hbm>>
    tpu.enqueue_dma source(%dma_start3A_57 : memref<2x128xi32, #tpu.memory_space<hbm>>) target(%arg6 : memref<2x128xi32, #tpu.memory_space<vmem>>) target_semaphore(%arg11 : memref<!tpu.dma_semaphore, #tpu.memory_space<semaphore_mem>>)
    %scan3A_58 = arith.constant 0 : i32
    %scan3A_59 = arith.constant 40 : i32
    %scan3A_60 = arith.addi %scan3A_58, %scan3A_59 : i32
    %scan3A_61 = arith.constant 1 : i32
    scf.for %scan3A_244 = %scan3A_58 to %scan3A_60 step %scan3A_61  : i32 {
      %mul3A_245 = arith.constant 2 : i32
      %mul3A_246 = arith.muli %scan3A_244, %mul3A_245 : i32
      %add3A_247 = arith.constant 0 : i32
      %add3A_248 = arith.addi %add3A_247, %mul3A_246 : i32
      %add3A_249 = arith.addi %mul3A_2, %add3A_248 : i32
      %add3A_250 = arith.constant 1 : i32
      %add3A_251 = arith.addi %add3A_249, %add3A_250 : i32
      %dma_wait3A_252 = arith.constant 0 : i32
      %dma_wait3A_253 = arith.constant 0 : i32
      %dma_wait3A_254 = tpu.memref_slice %arg2[%add3A_251, %dma_wait3A_252, %dma_wait3A_253] : memref<2560x2x128xi32, #tpu.memory_space<hbm>> -> memref<1x2x128xi32, #tpu.memory_space<hbm>>
      %dma_wait3A_255 = tpu.memref_squeeze %dma_wait3A_254 : memref<1x2x128xi32, #tpu.memory_space<hbm>> -> memref<2x128xi32, #tpu.memory_space<hbm>>
      %dma_wait3A_256 = arith.constant 0 : i32
      %dma_wait3A_257 = arith.constant 0 : i32
      %dma_wait3A_258 = tpu.memref_slice %arg2[%add3A_251, %dma_wait3A_256, %dma_wait3A_257] : memref<2560x2x128xi32, #tpu.memory_space<hbm>> -> memref<1x2x128xi32, #tpu.memory_space<hbm>>
      %dma_wait3A_259 = tpu.memref_squeeze %dma_wait3A_258 : memref<1x2x128xi32, #tpu.memory_space<hbm>> -> memref<2x128xi32, #tpu.memory_space<hbm>>
      tpu.wait_dma2 semaphore(%arg11 : memref<!tpu.dma_semaphore, #tpu.memory_space<semaphore_mem>>) src(%dma_wait3A_259 : memref<2x128xi32, #tpu.memory_space<hbm>>) dst(%arg6 : memref<2x128xi32, #tpu.memory_space<vmem>>)
      %dma_wait3A_260 = arith.constant 0 : i32
      %dma_wait3A_261 = arith.constant 0 : i32
      %dma_wait3A_262 = tpu.memref_slice %arg5[%dma_wait3A_260, %dma_wait3A_261] : memref<2x128xi32, #tpu.memory_space<vmem>> -> memref<1x128xi32, #tpu.memory_space<vmem>>
      %dma_wait3A_263 = tpu.memref_squeeze %dma_wait3A_262 : memref<1x128xi32, #tpu.memory_space<vmem>> -> memref<128xi32, #tpu.memory_space<vmem>>
      %dma_wait3A_264 = arith.constant 0 : i32
      %dma_wait3A_265 = arith.constant 0 : i32
      %dma_wait3A_266 = tpu.memref_slice %arg3[%dma_wait3A_264, %dma_wait3A_265] : memref<10240x128xbf16, #tpu.memory_space<hbm>> -> memref<10240x128xbf16, #tpu.memory_space<hbm>>
      tpu.wait_indirect_dma semaphore(%arg12 : memref<!tpu.dma_semaphore, #tpu.memory_space<semaphore_mem>>) src(%dma_wait3A_266 : memref<10240x128xbf16, #tpu.memory_space<hbm>>) dst(%arg7 : memref<128x128xbf16, #tpu.memory_space<vmem>>)
      %dma_start3A_267 = arith.constant 0 : i32
      %dma_start3A_268 = arith.constant 0 : i32
      %dma_start3A_269 = tpu.memref_slice %arg6[%dma_start3A_267, %dma_start3A_268] : memref<2x128xi32, #tpu.memory_space<vmem>> -> memref<1x128xi32, #tpu.memory_space<vmem>>
      %dma_start3A_270 = tpu.memref_squeeze %dma_start3A_269 : memref<1x128xi32, #tpu.memory_space<vmem>> -> memref<128xi32, #tpu.memory_space<vmem>>
      %dma_start3A_271 = arith.constant 0 : i32
      %dma_start3A_272 = arith.constant 0 : i32
      %dma_start3A_273 = tpu.memref_slice %arg3[%dma_start3A_271, %dma_start3A_272] : memref<10240x128xbf16, #tpu.memory_space<hbm>> -> memref<10240x128xbf16, #tpu.memory_space<hbm>>
      tpu.enqueue_indirect_dma source(%dma_start3A_273 : memref<10240x128xbf16, #tpu.memory_space<hbm>>) target(%arg8 : memref<128x128xbf16, #tpu.memory_space<vmem>>) offsets(%dma_start3A_270 : memref<128xi32, #tpu.memory_space<vmem>>) semaphore(%arg13 : memref<!tpu.dma_semaphore, #tpu.memory_space<semaphore_mem>>)
      %dma_start3A_274 = arith.constant 1 : i32
      %dma_start3A_275 = arith.constant 0 : i32
      %dma_start3A_276 = tpu.memref_slice %arg5[%dma_start3A_274, %dma_start3A_275] : memref<2x128xi32, #tpu.memory_space<vmem>> -> memref<1x128xi32, #tpu.memory_space<vmem>>
      %dma_start3A_277 = tpu.memref_squeeze %dma_start3A_276 : memref<1x128xi32, #tpu.memory_space<vmem>> -> memref<128xi32, #tpu.memory_space<vmem>>
      %dma_start3A_278 = arith.constant 0 : i32
      %dma_start3A_279 = arith.constant 0 : i32
      %dma_start3A_280 = tpu.memref_slice %arg9[%dma_start3A_278, %dma_start3A_279] : memref<10112x128xbf16, #tpu.memory_space<vmem_shared>> -> memref<10112x128xbf16, #tpu.memory_space<vmem_shared>>
      tpu.enqueue_indirect_dma source(%arg7 : memref<128x128xbf16, #tpu.memory_space<vmem>>) target(%dma_start3A_280 : memref<10112x128xbf16, #tpu.memory_space<vmem_shared>>) offsets(%dma_start3A_277 : memref<128xi32, #tpu.memory_space<vmem>>) semaphore(%arg14 : memref<!tpu.dma_semaphore, #tpu.memory_space<semaphore_mem>>) {add = true}
      %dma_wait3A_281 = arith.constant 1 : i32
      %dma_wait3A_282 = arith.constant 0 : i32
      %dma_wait3A_283 = tpu.memref_slice %arg5[%dma_wait3A_281, %dma_wait3A_282] : memref<2x128xi32, #tpu.memory_space<vmem>> -> memref<1x128xi32, #tpu.memory_space<vmem>>
      %dma_wait3A_284 = tpu.memref_squeeze %dma_wait3A_283 : memref<1x128xi32, #tpu.memory_space<vmem>> -> memref<128xi32, #tpu.memory_space<vmem>>
      %dma_wait3A_285 = arith.constant 0 : i32
      %dma_wait3A_286 = arith.constant 0 : i32
      %dma_wait3A_287 = tpu.memref_slice %arg9[%dma_wait3A_285, %dma_wait3A_286] : memref<10112x128xbf16, #tpu.memory_space<vmem_shared>> -> memref<10112x128xbf16, #tpu.memory_space<vmem_shared>>
      tpu.wait_indirect_dma semaphore(%arg14 : memref<!tpu.dma_semaphore, #tpu.memory_space<semaphore_mem>>) src(%arg7 : memref<128x128xbf16, #tpu.memory_space<vmem>>) dst(%dma_wait3A_287 : memref<10112x128xbf16, #tpu.memory_space<vmem_shared>>)
      %add3A_288 = arith.constant 2 : i32
      %add3A_289 = arith.addi %add3A_248, %add3A_288 : i32
      %lt3A = arith.constant 80 : i32
      %lt3A_290 = arith.cmpi slt, %add3A_289, %lt3A : i32
      %convert_element_type3A = arith.extui %lt3A_290 : i1 to i32
      %cond3A = arith.constant 0 : i32
      %cond3A_291 = arith.cmpi ne, %convert_element_type3A, %cond3A : i32
      scf.if %cond3A_291 {
        %add3A_327 = arith.constant 2 : i32
        %add3A_328 = arith.addi %add3A_249, %add3A_327 : i32
        %dma_start3A_329 = arith.constant 0 : i32
        %dma_start3A_330 = arith.constant 0 : i32
        %dma_start3A_331 = tpu.memref_slice %arg2[%add3A_328, %dma_start3A_329, %dma_start3A_330] : memref<2560x2x128xi32, #tpu.memory_space<hbm>> -> memref<1x2x128xi32, #tpu.memory_space<hbm>>
        %dma_start3A_332 = tpu.memref_squeeze %dma_start3A_331 : memref<1x2x128xi32, #tpu.memory_space<hbm>> -> memref<2x128xi32, #tpu.memory_space<hbm>>
        %dma_start3A_333 = arith.constant 0 : i32
        %dma_start3A_334 = arith.constant 0 : i32
        %dma_start3A_335 = tpu.memref_slice %arg2[%add3A_328, %dma_start3A_333, %dma_start3A_334] : memref<2560x2x128xi32, #tpu.memory_space<hbm>> -> memref<1x2x128xi32, #tpu.memory_space<hbm>>
        %dma_start3A_336 = tpu.memref_squeeze %dma_start3A_335 : memref<1x2x128xi32, #tpu.memory_space<hbm>> -> memref<2x128xi32, #tpu.memory_space<hbm>>
        tpu.enqueue_dma source(%dma_start3A_336 : memref<2x128xi32, #tpu.memory_space<hbm>>) target(%arg5 : memref<2x128xi32, #tpu.memory_space<vmem>>) target_semaphore(%arg10 : memref<!tpu.dma_semaphore, #tpu.memory_space<semaphore_mem>>)
      } else {
      }
      %dma_wait3A_292 = arith.constant 0 : i32
      %dma_wait3A_293 = arith.constant 0 : i32
      %dma_wait3A_294 = tpu.memref_slice %arg6[%dma_wait3A_292, %dma_wait3A_293] : memref<2x128xi32, #tpu.memory_space<vmem>> -> memref<1x128xi32, #tpu.memory_space<vmem>>
      %dma_wait3A_295 = tpu.memref_squeeze %dma_wait3A_294 : memref<1x128xi32, #tpu.memory_space<vmem>> -> memref<128xi32, #tpu.memory_space<vmem>>
      %dma_wait3A_296 = arith.constant 0 : i32
      %dma_wait3A_297 = arith.constant 0 : i32
      %dma_wait3A_298 = tpu.memref_slice %arg3[%dma_wait3A_296, %dma_wait3A_297] : memref<10240x128xbf16, #tpu.memory_space<hbm>> -> memref<10240x128xbf16, #tpu.memory_space<hbm>>
      tpu.wait_indirect_dma semaphore(%arg13 : memref<!tpu.dma_semaphore, #tpu.memory_space<semaphore_mem>>) src(%dma_wait3A_298 : memref<10240x128xbf16, #tpu.memory_space<hbm>>) dst(%arg8 : memref<128x128xbf16, #tpu.memory_space<vmem>>)
      %dma_start3A_299 = arith.constant 1 : i32
      %dma_start3A_300 = arith.constant 0 : i32
      %dma_start3A_301 = tpu.memref_slice %arg6[%dma_start3A_299, %dma_start3A_300] : memref<2x128xi32, #tpu.memory_space<vmem>> -> memref<1x128xi32, #tpu.memory_space<vmem>>
      %dma_start3A_302 = tpu.memref_squeeze %dma_start3A_301 : memref<1x128xi32, #tpu.memory_space<vmem>> -> memref<128xi32, #tpu.memory_space<vmem>>
      %dma_start3A_303 = arith.constant 0 : i32
      %dma_start3A_304 = arith.constant 0 : i32
      %dma_start3A_305 = tpu.memref_slice %arg9[%dma_start3A_303, %dma_start3A_304] : memref<10112x128xbf16, #tpu.memory_space<vmem_shared>> -> memref<10112x128xbf16, #tpu.memory_space<vmem_shared>>
      tpu.enqueue_indirect_dma source(%arg8 : memref<128x128xbf16, #tpu.memory_space<vmem>>) target(%dma_start3A_305 : memref<10112x128xbf16, #tpu.memory_space<vmem_shared>>) offsets(%dma_start3A_302 : memref<128xi32, #tpu.memory_space<vmem>>) semaphore(%arg15 : memref<!tpu.dma_semaphore, #tpu.memory_space<semaphore_mem>>) {add = true}
      %add3A_306 = arith.constant 2 : i32
      %add3A_307 = arith.addi %add3A_248, %add3A_306 : i32
      %lt3A_308 = arith.constant 80 : i32
      %lt3A_309 = arith.cmpi slt, %add3A_307, %lt3A_308 : i32
      %convert_element_type3A_310 = arith.extui %lt3A_309 : i1 to i32
      %cond3A_311 = arith.constant 0 : i32
      %cond3A_312 = arith.cmpi ne, %convert_element_type3A_310, %cond3A_311 : i32
      scf.if %cond3A_312 {
        %add3A_327 = arith.constant 2 : i32
        %add3A_328 = arith.addi %add3A_249, %add3A_327 : i32
        %dma_wait3A_329 = arith.constant 0 : i32
        %dma_wait3A_330 = arith.constant 0 : i32
        %dma_wait3A_331 = tpu.memref_slice %arg2[%add3A_328, %dma_wait3A_329, %dma_wait3A_330] : memref<2560x2x128xi32, #tpu.memory_space<hbm>> -> memref<1x2x128xi32, #tpu.memory_space<hbm>>
        %dma_wait3A_332 = tpu.memref_squeeze %dma_wait3A_331 : memref<1x2x128xi32, #tpu.memory_space<hbm>> -> memref<2x128xi32, #tpu.memory_space<hbm>>
        %dma_wait3A_333 = arith.constant 0 : i32
        %dma_wait3A_334 = arith.constant 0 : i32
        %dma_wait3A_335 = tpu.memref_slice %arg2[%add3A_328, %dma_wait3A_333, %dma_wait3A_334] : memref<2560x2x128xi32, #tpu.memory_space<hbm>> -> memref<1x2x128xi32, #tpu.memory_space<hbm>>
        %dma_wait3A_336 = tpu.memref_squeeze %dma_wait3A_335 : memref<1x2x128xi32, #tpu.memory_space<hbm>> -> memref<2x128xi32, #tpu.memory_space<hbm>>
        tpu.wait_dma2 semaphore(%arg10 : memref<!tpu.dma_semaphore, #tpu.memory_space<semaphore_mem>>) src(%dma_wait3A_336 : memref<2x128xi32, #tpu.memory_space<hbm>>) dst(%arg5 : memref<2x128xi32, #tpu.memory_space<vmem>>)
        %dma_start3A_337 = arith.constant 0 : i32
        %dma_start3A_338 = arith.constant 0 : i32
        %dma_start3A_339 = tpu.memref_slice %arg5[%dma_start3A_337, %dma_start3A_338] : memref<2x128xi32, #tpu.memory_space<vmem>> -> memref<1x128xi32, #tpu.memory_space<vmem>>
        %dma_start3A_340 = tpu.memref_squeeze %dma_start3A_339 : memref<1x128xi32, #tpu.memory_space<vmem>> -> memref<128xi32, #tpu.memory_space<vmem>>
        %dma_start3A_341 = arith.constant 0 : i32
        %dma_start3A_342 = arith.constant 0 : i32
        %dma_start3A_343 = tpu.memref_slice %arg3[%dma_start3A_341, %dma_start3A_342] : memref<10240x128xbf16, #tpu.memory_space<hbm>> -> memref<10240x128xbf16, #tpu.memory_space<hbm>>
        tpu.enqueue_indirect_dma source(%dma_start3A_343 : memref<10240x128xbf16, #tpu.memory_space<hbm>>) target(%arg7 : memref<128x128xbf16, #tpu.memory_space<vmem>>) offsets(%dma_start3A_340 : memref<128xi32, #tpu.memory_space<vmem>>) semaphore(%arg12 : memref<!tpu.dma_semaphore, #tpu.memory_space<semaphore_mem>>)
      } else {
      }
      %dma_wait3A_313 = arith.constant 1 : i32
      %dma_wait3A_314 = arith.constant 0 : i32
      %dma_wait3A_315 = tpu.memref_slice %arg6[%dma_wait3A_313, %dma_wait3A_314] : memref<2x128xi32, #tpu.memory_space<vmem>> -> memref<1x128xi32, #tpu.memory_space<vmem>>
      %dma_wait3A_316 = tpu.memref_squeeze %dma_wait3A_315 : memref<1x128xi32, #tpu.memory_space<vmem>> -> memref<128xi32, #tpu.memory_space<vmem>>
      %dma_wait3A_317 = arith.constant 0 : i32
      %dma_wait3A_318 = arith.constant 0 : i32
      %dma_wait3A_319 = tpu.memref_slice %arg9[%dma_wait3A_317, %dma_wait3A_318] : memref<10112x128xbf16, #tpu.memory_space<vmem_shared>> -> memref<10112x128xbf16, #tpu.memory_space<vmem_shared>>
      tpu.wait_indirect_dma semaphore(%arg15 : memref<!tpu.dma_semaphore, #tpu.memory_space<semaphore_mem>>) src(%arg8 : memref<128x128xbf16, #tpu.memory_space<vmem>>) dst(%dma_wait3A_319 : memref<10112x128xbf16, #tpu.memory_space<vmem_shared>>)
      %add3A_320 = arith.constant 2 : i32
      %add3A_321 = arith.addi %add3A_248, %add3A_320 : i32
      %lt3A_322 = arith.constant 80 : i32
      %lt3A_323 = arith.cmpi slt, %add3A_321, %lt3A_322 : i32
      %convert_element_type3A_324 = arith.extui %lt3A_323 : i1 to i32
      %cond3A_325 = arith.constant 0 : i32
      %cond3A_326 = arith.cmpi ne, %convert_element_type3A_324, %cond3A_325 : i32
      scf.if %cond3A_326 {
        %add3A_327 = arith.constant 3 : i32
        %add3A_328 = arith.addi %add3A_249, %add3A_327 : i32
        %dma_start3A_329 = arith.constant 0 : i32
        %dma_start3A_330 = arith.constant 0 : i32
        %dma_start3A_331 = tpu.memref_slice %arg2[%add3A_328, %dma_start3A_329, %dma_start3A_330] : memref<2560x2x128xi32, #tpu.memory_space<hbm>> -> memref<1x2x128xi32, #tpu.memory_space<hbm>>
        %dma_start3A_332 = tpu.memref_squeeze %dma_start3A_331 : memref<1x2x128xi32, #tpu.memory_space<hbm>> -> memref<2x128xi32, #tpu.memory_space<hbm>>
        %dma_start3A_333 = arith.constant 0 : i32
        %dma_start3A_334 = arith.constant 0 : i32
        %dma_start3A_335 = tpu.memref_slice %arg2[%add3A_328, %dma_start3A_333, %dma_start3A_334] : memref<2560x2x128xi32, #tpu.memory_space<hbm>> -> memref<1x2x128xi32, #tpu.memory_space<hbm>>
        %dma_start3A_336 = tpu.memref_squeeze %dma_start3A_335 : memref<1x2x128xi32, #tpu.memory_space<hbm>> -> memref<2x128xi32, #tpu.memory_space<hbm>>
        tpu.enqueue_dma source(%dma_start3A_336 : memref<2x128xi32, #tpu.memory_space<hbm>>) target(%arg6 : memref<2x128xi32, #tpu.memory_space<vmem>>) target_semaphore(%arg11 : memref<!tpu.dma_semaphore, #tpu.memory_space<semaphore_mem>>)
      } else {
      }
    }
    %scan3A_62 = arith.constant 40 : i32
    %barrier3A_63 = arith.constant 0 : index
    tpu.barrier barrier_id(%barrier3A_63)
    %mul3A_64 = arith.constant 632 : i32
    %mul3A_65 = arith.muli %arg1, %mul3A_64 : i32
    %add3A_66 = arith.constant 0 : i32
    %add3A_67 = arith.addi %mul3A_65, %add3A_66 : i32
    "tpu.region"() ({
      %run_scoped3A = tpu.sem_alloc : memref<!tpu.dma_semaphore, #tpu.memory_space<semaphore_mem>>
      %dma_start3A_244 = arith.constant 0 : i32
      %dma_start3A_245 = arith.constant 0 : i32
      %dma_start3A_246 = tpu.memref_slice %arg7[%dma_start3A_244, %dma_start3A_245] : memref<128x128xbf16, #tpu.memory_space<vmem>> -> memref<128x128xbf16, #tpu.memory_space<vmem>>
      %dma_start3A_247 = arith.constant 0 : i32
      %dma_start3A_248 = tpu.memref_slice %arg9[%add3A_67, %dma_start3A_247] : memref<10112x128xbf16, #tpu.memory_space<vmem_shared>> -> memref<128x128xbf16, #tpu.memory_space<vmem_shared>>
      %dma_start3A_249 = arith.constant 0 : i32
      %dma_start3A_250 = arith.constant 0 : i32
      %dma_start3A_251 = tpu.memref_slice %arg7[%dma_start3A_249, %dma_start3A_250] : memref<128x128xbf16, #tpu.memory_space<vmem>> -> memref<128x128xbf16, #tpu.memory_space<vmem>>
      %dma_start3A_252 = arith.constant 0 : i32
      %dma_start3A_253 = tpu.memref_slice %arg9[%add3A_67, %dma_start3A_252] : memref<10112x128xbf16, #tpu.memory_space<vmem_shared>> -> memref<128x128xbf16, #tpu.memory_space<vmem_shared>>
      tpu.enqueue_dma source(%dma_start3A_253 : memref<128x128xbf16, #tpu.memory_space<vmem_shared>>) target(%dma_start3A_251 : memref<128x128xbf16, #tpu.memory_space<vmem>>) target_semaphore(%run_scoped3A : memref<!tpu.dma_semaphore, #tpu.memory_space<semaphore_mem>>)
      %dma_wait3A_254 = arith.constant 0 : i32
      %dma_wait3A_255 = arith.constant 0 : i32
      %dma_wait3A_256 = tpu.memref_slice %arg7[%dma_wait3A_254, %dma_wait3A_255] : memref<128x128xbf16, #tpu.memory_space<vmem>> -> memref<128x128xbf16, #tpu.memory_space<vmem>>
      %dma_wait3A_257 = arith.constant 0 : i32
      %dma_wait3A_258 = tpu.memref_slice %arg9[%add3A_67, %dma_wait3A_257] : memref<10112x128xbf16, #tpu.memory_space<vmem_shared>> -> memref<128x128xbf16, #tpu.memory_space<vmem_shared>>
      %dma_wait3A_259 = arith.constant 0 : i32
      %dma_wait3A_260 = arith.constant 0 : i32
      %dma_wait3A_261 = tpu.memref_slice %arg7[%dma_wait3A_259, %dma_wait3A_260] : memref<128x128xbf16, #tpu.memory_space<vmem>> -> memref<128x128xbf16, #tpu.memory_space<vmem>>
      %dma_wait3A_262 = arith.constant 0 : i32
      %dma_wait3A_263 = tpu.memref_slice %arg9[%add3A_67, %dma_wait3A_262] : memref<10112x128xbf16, #tpu.memory_space<vmem_shared>> -> memref<128x128xbf16, #tpu.memory_space<vmem_shared>>
      tpu.wait_dma2 semaphore(%run_scoped3A : memref<!tpu.dma_semaphore, #tpu.memory_space<semaphore_mem>>) src(%dma_wait3A_263 : memref<128x128xbf16, #tpu.memory_space<vmem_shared>>) dst(%dma_wait3A_261 : memref<128x128xbf16, #tpu.memory_space<vmem>>)
      tpu.yield
    }) : () -> ()
    %mul3A_68 = arith.constant 632 : i32
    %mul3A_69 = arith.muli %arg1, %mul3A_68 : i32
    %add3A_70 = arith.constant 0 : i32
    %add3A_71 = arith.addi %mul3A_69, %add3A_70 : i32
    %dma_start3A_72 = arith.constant 0 : i32
    %dma_start3A_73 = arith.constant 0 : i32
    %dma_start3A_74 = tpu.memref_slice %arg7[%dma_start3A_72, %dma_start3A_73] : memref<128x128xbf16, #tpu.memory_space<vmem>> -> memref<128x128xbf16, #tpu.memory_space<vmem>>
    %dma_start3A_75 = arith.constant 0 : i32
    %dma_start3A_76 = tpu.memref_slice %arg4[%arg0, %add3A_71, %dma_start3A_75] : memref<2x10240x128xbf16, #tpu.memory_space<hbm>> -> memref<1x128x128xbf16, #tpu.memory_space<hbm>>
    %dma_start3A_77 = tpu.memref_squeeze %dma_start3A_76 : memref<1x128x128xbf16, #tpu.memory_space<hbm>> -> memref<128x128xbf16, #tpu.memory_space<hbm>>
    %dma_start3A_78 = arith.constant 0 : i32
    %dma_start3A_79 = tpu.memref_slice %arg4[%arg0, %add3A_71, %dma_start3A_78] : memref<2x10240x128xbf16, #tpu.memory_space<hbm>> -> memref<1x128x128xbf16, #tpu.memory_space<hbm>>
    %dma_start3A_80 = tpu.memref_squeeze %dma_start3A_79 : memref<1x128x128xbf16, #tpu.memory_space<hbm>> -> memref<128x128xbf16, #tpu.memory_space<hbm>>
    %dma_start3A_81 = arith.constant 0 : i32
    %dma_start3A_82 = arith.constant 0 : i32
    %dma_start3A_83 = tpu.memref_slice %arg7[%dma_start3A_81, %dma_start3A_82] : memref<128x128xbf16, #tpu.memory_space<vmem>> -> memref<128x128xbf16, #tpu.memory_space<vmem>>
    tpu.enqueue_dma source(%dma_start3A_83 : memref<128x128xbf16, #tpu.memory_space<vmem>>) target(%dma_start3A_80 : memref<128x128xbf16, #tpu.memory_space<hbm>>) target_semaphore(%arg16 : memref<!tpu.dma_semaphore, #tpu.memory_space<semaphore_mem>>)
    %mul3A_84 = arith.constant 632 : i32
    %mul3A_85 = arith.muli %arg1, %mul3A_84 : i32
    %add3A_86 = arith.constant 128 : i32
    %add3A_87 = arith.addi %mul3A_85, %add3A_86 : i32
    "tpu.region"() ({
      %run_scoped3A = tpu.sem_alloc : memref<!tpu.dma_semaphore, #tpu.memory_space<semaphore_mem>>
      %dma_start3A_244 = arith.constant 0 : i32
      %dma_start3A_245 = arith.constant 0 : i32
      %dma_start3A_246 = tpu.memref_slice %arg8[%dma_start3A_244, %dma_start3A_245] : memref<128x128xbf16, #tpu.memory_space<vmem>> -> memref<128x128xbf16, #tpu.memory_space<vmem>>
      %dma_start3A_247 = arith.constant 0 : i32
      %dma_start3A_248 = tpu.memref_slice %arg9[%add3A_87, %dma_start3A_247] : memref<10112x128xbf16, #tpu.memory_space<vmem_shared>> -> memref<128x128xbf16, #tpu.memory_space<vmem_shared>>
      %dma_start3A_249 = arith.constant 0 : i32
      %dma_start3A_250 = arith.constant 0 : i32
      %dma_start3A_251 = tpu.memref_slice %arg8[%dma_start3A_249, %dma_start3A_250] : memref<128x128xbf16, #tpu.memory_space<vmem>> -> memref<128x128xbf16, #tpu.memory_space<vmem>>
      %dma_start3A_252 = arith.constant 0 : i32
      %dma_start3A_253 = tpu.memref_slice %arg9[%add3A_87, %dma_start3A_252] : memref<10112x128xbf16, #tpu.memory_space<vmem_shared>> -> memref<128x128xbf16, #tpu.memory_space<vmem_shared>>
      tpu.enqueue_dma source(%dma_start3A_253 : memref<128x128xbf16, #tpu.memory_space<vmem_shared>>) target(%dma_start3A_251 : memref<128x128xbf16, #tpu.memory_space<vmem>>) target_semaphore(%run_scoped3A : memref<!tpu.dma_semaphore, #tpu.memory_space<semaphore_mem>>)
      %dma_wait3A_254 = arith.constant 0 : i32
      %dma_wait3A_255 = arith.constant 0 : i32
      %dma_wait3A_256 = tpu.memref_slice %arg8[%dma_wait3A_254, %dma_wait3A_255] : memref<128x128xbf16, #tpu.memory_space<vmem>> -> memref<128x128xbf16, #tpu.memory_space<vmem>>
      %dma_wait3A_257 = arith.constant 0 : i32
      %dma_wait3A_258 = tpu.memref_slice %arg9[%add3A_87, %dma_wait3A_257] : memref<10112x128xbf16, #tpu.memory_space<vmem_shared>> -> memref<128x128xbf16, #tpu.memory_space<vmem_shared>>
      %dma_wait3A_259 = arith.constant 0 : i32
      %dma_wait3A_260 = arith.constant 0 : i32
      %dma_wait3A_261 = tpu.memref_slice %arg8[%dma_wait3A_259, %dma_wait3A_260] : memref<128x128xbf16, #tpu.memory_space<vmem>> -> memref<128x128xbf16, #tpu.memory_space<vmem>>
      %dma_wait3A_262 = arith.constant 0 : i32
      %dma_wait3A_263 = tpu.memref_slice %arg9[%add3A_87, %dma_wait3A_262] : memref<10112x128xbf16, #tpu.memory_space<vmem_shared>> -> memref<128x128xbf16, #tpu.memory_space<vmem_shared>>
      tpu.wait_dma2 semaphore(%run_scoped3A : memref<!tpu.dma_semaphore, #tpu.memory_space<semaphore_mem>>) src(%dma_wait3A_263 : memref<128x128xbf16, #tpu.memory_space<vmem_shared>>) dst(%dma_wait3A_261 : memref<128x128xbf16, #tpu.memory_space<vmem>>)
      tpu.yield
    }) : () -> ()
    %mul3A_88 = arith.constant 632 : i32
    %mul3A_89 = arith.muli %arg1, %mul3A_88 : i32
    %add3A_90 = arith.constant 128 : i32
    %add3A_91 = arith.addi %mul3A_89, %add3A_90 : i32
    %dma_start3A_92 = arith.constant 0 : i32
    %dma_start3A_93 = arith.constant 0 : i32
    %dma_start3A_94 = tpu.memref_slice %arg8[%dma_start3A_92, %dma_start3A_93] : memref<128x128xbf16, #tpu.memory_space<vmem>> -> memref<128x128xbf16, #tpu.memory_space<vmem>>
    %dma_start3A_95 = arith.constant 0 : i32
    %dma_start3A_96 = tpu.memref_slice %arg4[%arg0, %add3A_91, %dma_start3A_95] : memref<2x10240x128xbf16, #tpu.memory_space<hbm>> -> memref<1x128x128xbf16, #tpu.memory_space<hbm>>
    %dma_start3A_97 = tpu.memref_squeeze %dma_start3A_96 : memref<1x128x128xbf16, #tpu.memory_space<hbm>> -> memref<128x128xbf16, #tpu.memory_space<hbm>>
    %dma_start3A_98 = arith.constant 0 : i32
    %dma_start3A_99 = tpu.memref_slice %arg4[%arg0, %add3A_91, %dma_start3A_98] : memref<2x10240x128xbf16, #tpu.memory_space<hbm>> -> memref<1x128x128xbf16, #tpu.memory_space<hbm>>
    %dma_start3A_100 = tpu.memref_squeeze %dma_start3A_99 : memref<1x128x128xbf16, #tpu.memory_space<hbm>> -> memref<128x128xbf16, #tpu.memory_space<hbm>>
    %dma_start3A_101 = arith.constant 0 : i32
    %dma_start3A_102 = arith.constant 0 : i32
    %dma_start3A_103 = tpu.memref_slice %arg8[%dma_start3A_101, %dma_start3A_102] : memref<128x128xbf16, #tpu.memory_space<vmem>> -> memref<128x128xbf16, #tpu.memory_space<vmem>>
    tpu.enqueue_dma source(%dma_start3A_103 : memref<128x128xbf16, #tpu.memory_space<vmem>>) target(%dma_start3A_100 : memref<128x128xbf16, #tpu.memory_space<hbm>>) target_semaphore(%arg17 : memref<!tpu.dma_semaphore, #tpu.memory_space<semaphore_mem>>)
    %mul3A_104 = arith.constant 632 : i32
    %mul3A_105 = arith.muli %arg1, %mul3A_104 : i32
    %add3A_106 = arith.constant 0 : i32
    %add3A_107 = arith.addi %mul3A_105, %add3A_106 : i32
    %dma_wait3A_108 = arith.constant 0 : i32
    %dma_wait3A_109 = arith.constant 0 : i32
    %dma_wait3A_110 = tpu.memref_slice %arg7[%dma_wait3A_108, %dma_wait3A_109] : memref<128x128xbf16, #tpu.memory_space<vmem>> -> memref<128x128xbf16, #tpu.memory_space<vmem>>
    %dma_wait3A_111 = arith.constant 0 : i32
    %dma_wait3A_112 = tpu.memref_slice %arg4[%arg0, %add3A_107, %dma_wait3A_111] : memref<2x10240x128xbf16, #tpu.memory_space<hbm>> -> memref<1x128x128xbf16, #tpu.memory_space<hbm>>
    %dma_wait3A_113 = tpu.memref_squeeze %dma_wait3A_112 : memref<1x128x128xbf16, #tpu.memory_space<hbm>> -> memref<128x128xbf16, #tpu.memory_space<hbm>>
    %dma_wait3A_114 = arith.constant 0 : i32
    %dma_wait3A_115 = tpu.memref_slice %arg4[%arg0, %add3A_107, %dma_wait3A_114] : memref<2x10240x128xbf16, #tpu.memory_space<hbm>> -> memref<1x128x128xbf16, #tpu.memory_space<hbm>>
    %dma_wait3A_116 = tpu.memref_squeeze %dma_wait3A_115 : memref<1x128x128xbf16, #tpu.memory_space<hbm>> -> memref<128x128xbf16, #tpu.memory_space<hbm>>
    %dma_wait3A_117 = arith.constant 0 : i32
    %dma_wait3A_118 = arith.constant 0 : i32
    %dma_wait3A_119 = tpu.memref_slice %arg7[%dma_wait3A_117, %dma_wait3A_118] : memref<128x128xbf16, #tpu.memory_space<vmem>> -> memref<128x128xbf16, #tpu.memory_space<vmem>>
    tpu.wait_dma2 semaphore(%arg16 : memref<!tpu.dma_semaphore, #tpu.memory_space<semaphore_mem>>) src(%dma_wait3A_119 : memref<128x128xbf16, #tpu.memory_space<vmem>>) dst(%dma_wait3A_116 : memref<128x128xbf16, #tpu.memory_space<hbm>>)
    %mul3A_120 = arith.constant 632 : i32
    %mul3A_121 = arith.muli %arg1, %mul3A_120 : i32
    %add3A_122 = arith.constant 256 : i32
    %add3A_123 = arith.addi %mul3A_121, %add3A_122 : i32
    "tpu.region"() ({
      %run_scoped3A = tpu.sem_alloc : memref<!tpu.dma_semaphore, #tpu.memory_space<semaphore_mem>>
      %dma_start3A_244 = arith.constant 0 : i32
      %dma_start3A_245 = arith.constant 0 : i32
      %dma_start3A_246 = tpu.memref_slice %arg7[%dma_start3A_244, %dma_start3A_245] : memref<128x128xbf16, #tpu.memory_space<vmem>> -> memref<128x128xbf16, #tpu.memory_space<vmem>>
      %dma_start3A_247 = arith.constant 0 : i32
      %dma_start3A_248 = tpu.memref_slice %arg9[%add3A_123, %dma_start3A_247] : memref<10112x128xbf16, #tpu.memory_space<vmem_shared>> -> memref<128x128xbf16, #tpu.memory_space<vmem_shared>>
      %dma_start3A_249 = arith.constant 0 : i32
      %dma_start3A_250 = arith.constant 0 : i32
      %dma_start3A_251 = tpu.memref_slice %arg7[%dma_start3A_249, %dma_start3A_250] : memref<128x128xbf16, #tpu.memory_space<vmem>> -> memref<128x128xbf16, #tpu.memory_space<vmem>>
      %dma_start3A_252 = arith.constant 0 : i32
      %dma_start3A_253 = tpu.memref_slice %arg9[%add3A_123, %dma_start3A_252] : memref<10112x128xbf16, #tpu.memory_space<vmem_shared>> -> memref<128x128xbf16, #tpu.memory_space<vmem_shared>>
      tpu.enqueue_dma source(%dma_start3A_253 : memref<128x128xbf16, #tpu.memory_space<vmem_shared>>) target(%dma_start3A_251 : memref<128x128xbf16, #tpu.memory_space<vmem>>) target_semaphore(%run_scoped3A : memref<!tpu.dma_semaphore, #tpu.memory_space<semaphore_mem>>)
      %dma_wait3A_254 = arith.constant 0 : i32
      %dma_wait3A_255 = arith.constant 0 : i32
      %dma_wait3A_256 = tpu.memref_slice %arg7[%dma_wait3A_254, %dma_wait3A_255] : memref<128x128xbf16, #tpu.memory_space<vmem>> -> memref<128x128xbf16, #tpu.memory_space<vmem>>
      %dma_wait3A_257 = arith.constant 0 : i32
      %dma_wait3A_258 = tpu.memref_slice %arg9[%add3A_123, %dma_wait3A_257] : memref<10112x128xbf16, #tpu.memory_space<vmem_shared>> -> memref<128x128xbf16, #tpu.memory_space<vmem_shared>>
      %dma_wait3A_259 = arith.constant 0 : i32
      %dma_wait3A_260 = arith.constant 0 : i32
      %dma_wait3A_261 = tpu.memref_slice %arg7[%dma_wait3A_259, %dma_wait3A_260] : memref<128x128xbf16, #tpu.memory_space<vmem>> -> memref<128x128xbf16, #tpu.memory_space<vmem>>
      %dma_wait3A_262 = arith.constant 0 : i32
      %dma_wait3A_263 = tpu.memref_slice %arg9[%add3A_123, %dma_wait3A_262] : memref<10112x128xbf16, #tpu.memory_space<vmem_shared>> -> memref<128x128xbf16, #tpu.memory_space<vmem_shared>>
      tpu.wait_dma2 semaphore(%run_scoped3A : memref<!tpu.dma_semaphore, #tpu.memory_space<semaphore_mem>>) src(%dma_wait3A_263 : memref<128x128xbf16, #tpu.memory_space<vmem_shared>>) dst(%dma_wait3A_261 : memref<128x128xbf16, #tpu.memory_space<vmem>>)
      tpu.yield
    }) : () -> ()
    %mul3A_124 = arith.constant 632 : i32
    %mul3A_125 = arith.muli %arg1, %mul3A_124 : i32
    %add3A_126 = arith.constant 256 : i32
    %add3A_127 = arith.addi %mul3A_125, %add3A_126 : i32
    %dma_start3A_128 = arith.constant 0 : i32
    %dma_start3A_129 = arith.constant 0 : i32
    %dma_start3A_130 = tpu.memref_slice %arg7[%dma_start3A_128, %dma_start3A_129] : memref<128x128xbf16, #tpu.memory_space<vmem>> -> memref<128x128xbf16, #tpu.memory_space<vmem>>
    %dma_start3A_131 = arith.constant 0 : i32
    %dma_start3A_132 = tpu.memref_slice %arg4[%arg0, %add3A_127, %dma_start3A_131] : memref<2x10240x128xbf16, #tpu.memory_space<hbm>> -> memref<1x128x128xbf16, #tpu.memory_space<hbm>>
    %dma_start3A_133 = tpu.memref_squeeze %dma_start3A_132 : memref<1x128x128xbf16, #tpu.memory_space<hbm>> -> memref<128x128xbf16, #tpu.memory_space<hbm>>
    %dma_start3A_134 = arith.constant 0 : i32
    %dma_start3A_135 = tpu.memref_slice %arg4[%arg0, %add3A_127, %dma_start3A_134] : memref<2x10240x128xbf16, #tpu.memory_space<hbm>> -> memref<1x128x128xbf16, #tpu.memory_space<hbm>>
    %dma_start3A_136 = tpu.memref_squeeze %dma_start3A_135 : memref<1x128x128xbf16, #tpu.memory_space<hbm>> -> memref<128x128xbf16, #tpu.memory_space<hbm>>
    %dma_start3A_137 = arith.constant 0 : i32
    %dma_start3A_138 = arith.constant 0 : i32
    %dma_start3A_139 = tpu.memref_slice %arg7[%dma_start3A_137, %dma_start3A_138] : memref<128x128xbf16, #tpu.memory_space<vmem>> -> memref<128x128xbf16, #tpu.memory_space<vmem>>
    tpu.enqueue_dma source(%dma_start3A_139 : memref<128x128xbf16, #tpu.memory_space<vmem>>) target(%dma_start3A_136 : memref<128x128xbf16, #tpu.memory_space<hbm>>) target_semaphore(%arg16 : memref<!tpu.dma_semaphore, #tpu.memory_space<semaphore_mem>>)
    %mul3A_140 = arith.constant 632 : i32
    %mul3A_141 = arith.muli %arg1, %mul3A_140 : i32
    %add3A_142 = arith.constant 128 : i32
    %add3A_143 = arith.addi %mul3A_141, %add3A_142 : i32
    %dma_wait3A_144 = arith.constant 0 : i32
    %dma_wait3A_145 = arith.constant 0 : i32
    %dma_wait3A_146 = tpu.memref_slice %arg8[%dma_wait3A_144, %dma_wait3A_145] : memref<128x128xbf16, #tpu.memory_space<vmem>> -> memref<128x128xbf16, #tpu.memory_space<vmem>>
    %dma_wait3A_147 = arith.constant 0 : i32
    %dma_wait3A_148 = tpu.memref_slice %arg4[%arg0, %add3A_143, %dma_wait3A_147] : memref<2x10240x128xbf16, #tpu.memory_space<hbm>> -> memref<1x128x128xbf16, #tpu.memory_space<hbm>>
    %dma_wait3A_149 = tpu.memref_squeeze %dma_wait3A_148 : memref<1x128x128xbf16, #tpu.memory_space<hbm>> -> memref<128x128xbf16, #tpu.memory_space<hbm>>
    %dma_wait3A_150 = arith.constant 0 : i32
    %dma_wait3A_151 = tpu.memref_slice %arg4[%arg0, %add3A_143, %dma_wait3A_150] : memref<2x10240x128xbf16, #tpu.memory_space<hbm>> -> memref<1x128x128xbf16, #tpu.memory_space<hbm>>
    %dma_wait3A_152 = tpu.memref_squeeze %dma_wait3A_151 : memref<1x128x128xbf16, #tpu.memory_space<hbm>> -> memref<128x128xbf16, #tpu.memory_space<hbm>>
    %dma_wait3A_153 = arith.constant 0 : i32
    %dma_wait3A_154 = arith.constant 0 : i32
    %dma_wait3A_155 = tpu.memref_slice %arg8[%dma_wait3A_153, %dma_wait3A_154] : memref<128x128xbf16, #tpu.memory_space<vmem>> -> memref<128x128xbf16, #tpu.memory_space<vmem>>
    tpu.wait_dma2 semaphore(%arg17 : memref<!tpu.dma_semaphore, #tpu.memory_space<semaphore_mem>>) src(%dma_wait3A_155 : memref<128x128xbf16, #tpu.memory_space<vmem>>) dst(%dma_wait3A_152 : memref<128x128xbf16, #tpu.memory_space<hbm>>)
    %mul3A_156 = arith.constant 632 : i32
    %mul3A_157 = arith.muli %arg1, %mul3A_156 : i32
    %add3A_158 = arith.constant 384 : i32
    %add3A_159 = arith.addi %mul3A_157, %add3A_158 : i32
    "tpu.region"() ({
      %run_scoped3A = tpu.sem_alloc : memref<!tpu.dma_semaphore, #tpu.memory_space<semaphore_mem>>
      %dma_start3A_244 = arith.constant 0 : i32
      %dma_start3A_245 = arith.constant 0 : i32
      %dma_start3A_246 = tpu.memref_slice %arg8[%dma_start3A_244, %dma_start3A_245] : memref<128x128xbf16, #tpu.memory_space<vmem>> -> memref<128x128xbf16, #tpu.memory_space<vmem>>
      %dma_start3A_247 = arith.constant 0 : i32
      %dma_start3A_248 = tpu.memref_slice %arg9[%add3A_159, %dma_start3A_247] : memref<10112x128xbf16, #tpu.memory_space<vmem_shared>> -> memref<128x128xbf16, #tpu.memory_space<vmem_shared>>
      %dma_start3A_249 = arith.constant 0 : i32
      %dma_start3A_250 = arith.constant 0 : i32
      %dma_start3A_251 = tpu.memref_slice %arg8[%dma_start3A_249, %dma_start3A_250] : memref<128x128xbf16, #tpu.memory_space<vmem>> -> memref<128x128xbf16, #tpu.memory_space<vmem>>
      %dma_start3A_252 = arith.constant 0 : i32
      %dma_start3A_253 = tpu.memref_slice %arg9[%add3A_159, %dma_start3A_252] : memref<10112x128xbf16, #tpu.memory_space<vmem_shared>> -> memref<128x128xbf16, #tpu.memory_space<vmem_shared>>
      tpu.enqueue_dma source(%dma_start3A_253 : memref<128x128xbf16, #tpu.memory_space<vmem_shared>>) target(%dma_start3A_251 : memref<128x128xbf16, #tpu.memory_space<vmem>>) target_semaphore(%run_scoped3A : memref<!tpu.dma_semaphore, #tpu.memory_space<semaphore_mem>>)
      %dma_wait3A_254 = arith.constant 0 : i32
      %dma_wait3A_255 = arith.constant 0 : i32
      %dma_wait3A_256 = tpu.memref_slice %arg8[%dma_wait3A_254, %dma_wait3A_255] : memref<128x128xbf16, #tpu.memory_space<vmem>> -> memref<128x128xbf16, #tpu.memory_space<vmem>>
      %dma_wait3A_257 = arith.constant 0 : i32
      %dma_wait3A_258 = tpu.memref_slice %arg9[%add3A_159, %dma_wait3A_257] : memref<10112x128xbf16, #tpu.memory_space<vmem_shared>> -> memref<128x128xbf16, #tpu.memory_space<vmem_shared>>
      %dma_wait3A_259 = arith.constant 0 : i32
      %dma_wait3A_260 = arith.constant 0 : i32
      %dma_wait3A_261 = tpu.memref_slice %arg8[%dma_wait3A_259, %dma_wait3A_260] : memref<128x128xbf16, #tpu.memory_space<vmem>> -> memref<128x128xbf16, #tpu.memory_space<vmem>>
      %dma_wait3A_262 = arith.constant 0 : i32
      %dma_wait3A_263 = tpu.memref_slice %arg9[%add3A_159, %dma_wait3A_262] : memref<10112x128xbf16, #tpu.memory_space<vmem_shared>> -> memref<128x128xbf16, #tpu.memory_space<vmem_shared>>
      tpu.wait_dma2 semaphore(%run_scoped3A : memref<!tpu.dma_semaphore, #tpu.memory_space<semaphore_mem>>) src(%dma_wait3A_263 : memref<128x128xbf16, #tpu.memory_space<vmem_shared>>) dst(%dma_wait3A_261 : memref<128x128xbf16, #tpu.memory_space<vmem>>)
      tpu.yield
    }) : () -> ()
    %mul3A_160 = arith.constant 632 : i32
    %mul3A_161 = arith.muli %arg1, %mul3A_160 : i32
    %add3A_162 = arith.constant 384 : i32
    %add3A_163 = arith.addi %mul3A_161, %add3A_162 : i32
    %dma_start3A_164 = arith.constant 0 : i32
    %dma_start3A_165 = arith.constant 0 : i32
    %dma_start3A_166 = tpu.memref_slice %arg8[%dma_start3A_164, %dma_start3A_165] : memref<128x128xbf16, #tpu.memory_space<vmem>> -> memref<128x128xbf16, #tpu.memory_space<vmem>>
    %dma_start3A_167 = arith.constant 0 : i32
    %dma_start3A_168 = tpu.memref_slice %arg4[%arg0, %add3A_163, %dma_start3A_167] : memref<2x10240x128xbf16, #tpu.memory_space<hbm>> -> memref<1x128x128xbf16, #tpu.memory_space<hbm>>
    %dma_start3A_169 = tpu.memref_squeeze %dma_start3A_168 : memref<1x128x128xbf16, #tpu.memory_space<hbm>> -> memref<128x128xbf16, #tpu.memory_space<hbm>>
    %dma_start3A_170 = arith.constant 0 : i32
    %dma_start3A_171 = tpu.memref_slice %arg4[%arg0, %add3A_163, %dma_start3A_170] : memref<2x10240x128xbf16, #tpu.memory_space<hbm>> -> memref<1x128x128xbf16, #tpu.memory_space<hbm>>
    %dma_start3A_172 = tpu.memref_squeeze %dma_start3A_171 : memref<1x128x128xbf16, #tpu.memory_space<hbm>> -> memref<128x128xbf16, #tpu.memory_space<hbm>>
    %dma_start3A_173 = arith.constant 0 : i32
    %dma_start3A_174 = arith.constant 0 : i32
    %dma_start3A_175 = tpu.memref_slice %arg8[%dma_start3A_173, %dma_start3A_174] : memref<128x128xbf16, #tpu.memory_space<vmem>> -> memref<128x128xbf16, #tpu.memory_space<vmem>>
    tpu.enqueue_dma source(%dma_start3A_175 : memref<128x128xbf16, #tpu.memory_space<vmem>>) target(%dma_start3A_172 : memref<128x128xbf16, #tpu.memory_space<hbm>>) target_semaphore(%arg17 : memref<!tpu.dma_semaphore, #tpu.memory_space<semaphore_mem>>)
    %mul3A_176 = arith.constant 632 : i32
    %mul3A_177 = arith.muli %arg1, %mul3A_176 : i32
    %add3A_178 = arith.constant 256 : i32
    %add3A_179 = arith.addi %mul3A_177, %add3A_178 : i32
    %dma_wait3A_180 = arith.constant 0 : i32
    %dma_wait3A_181 = arith.constant 0 : i32
    %dma_wait3A_182 = tpu.memref_slice %arg7[%dma_wait3A_180, %dma_wait3A_181] : memref<128x128xbf16, #tpu.memory_space<vmem>> -> memref<128x128xbf16, #tpu.memory_space<vmem>>
    %dma_wait3A_183 = arith.constant 0 : i32
    %dma_wait3A_184 = tpu.memref_slice %arg4[%arg0, %add3A_179, %dma_wait3A_183] : memref<2x10240x128xbf16, #tpu.memory_space<hbm>> -> memref<1x128x128xbf16, #tpu.memory_space<hbm>>
    %dma_wait3A_185 = tpu.memref_squeeze %dma_wait3A_184 : memref<1x128x128xbf16, #tpu.memory_space<hbm>> -> memref<128x128xbf16, #tpu.memory_space<hbm>>
    %dma_wait3A_186 = arith.constant 0 : i32
    %dma_wait3A_187 = tpu.memref_slice %arg4[%arg0, %add3A_179, %dma_wait3A_186] : memref<2x10240x128xbf16, #tpu.memory_space<hbm>> -> memref<1x128x128xbf16, #tpu.memory_space<hbm>>
    %dma_wait3A_188 = tpu.memref_squeeze %dma_wait3A_187 : memref<1x128x128xbf16, #tpu.memory_space<hbm>> -> memref<128x128xbf16, #tpu.memory_space<hbm>>
    %dma_wait3A_189 = arith.constant 0 : i32
    %dma_wait3A_190 = arith.constant 0 : i32
    %dma_wait3A_191 = tpu.memref_slice %arg7[%dma_wait3A_189, %dma_wait3A_190] : memref<128x128xbf16, #tpu.memory_space<vmem>> -> memref<128x128xbf16, #tpu.memory_space<vmem>>
    tpu.wait_dma2 semaphore(%arg16 : memref<!tpu.dma_semaphore, #tpu.memory_space<semaphore_mem>>) src(%dma_wait3A_191 : memref<128x128xbf16, #tpu.memory_space<vmem>>) dst(%dma_wait3A_188 : memref<128x128xbf16, #tpu.memory_space<hbm>>)
    %mul3A_192 = arith.constant 632 : i32
    %mul3A_193 = arith.muli %arg1, %mul3A_192 : i32
    %add3A_194 = arith.constant 512 : i32
    %add3A_195 = arith.addi %mul3A_193, %add3A_194 : i32
    "tpu.region"() ({
      %run_scoped3A = tpu.sem_alloc : memref<!tpu.dma_semaphore, #tpu.memory_space<semaphore_mem>>
      %dma_start3A_244 = arith.constant 0 : i32
      %dma_start3A_245 = arith.constant 0 : i32
      %dma_start3A_246 = tpu.memref_slice %arg7[%dma_start3A_244, %dma_start3A_245] : memref<128x128xbf16, #tpu.memory_space<vmem>> -> memref<120x128xbf16, #tpu.memory_space<vmem>>
      %dma_start3A_247 = arith.constant 0 : i32
      %dma_start3A_248 = tpu.memref_slice %arg9[%add3A_195, %dma_start3A_247] : memref<10112x128xbf16, #tpu.memory_space<vmem_shared>> -> memref<120x128xbf16, #tpu.memory_space<vmem_shared>>
      %dma_start3A_249 = arith.constant 0 : i32
      %dma_start3A_250 = arith.constant 0 : i32
      %dma_start3A_251 = tpu.memref_slice %arg7[%dma_start3A_249, %dma_start3A_250] : memref<128x128xbf16, #tpu.memory_space<vmem>> -> memref<120x128xbf16, #tpu.memory_space<vmem>>
      %dma_start3A_252 = arith.constant 0 : i32
      %dma_start3A_253 = tpu.memref_slice %arg9[%add3A_195, %dma_start3A_252] : memref<10112x128xbf16, #tpu.memory_space<vmem_shared>> -> memref<120x128xbf16, #tpu.memory_space<vmem_shared>>
      tpu.enqueue_dma source(%dma_start3A_253 : memref<120x128xbf16, #tpu.memory_space<vmem_shared>>) target(%dma_start3A_251 : memref<120x128xbf16, #tpu.memory_space<vmem>>) target_semaphore(%run_scoped3A : memref<!tpu.dma_semaphore, #tpu.memory_space<semaphore_mem>>)
      %dma_wait3A_254 = arith.constant 0 : i32
      %dma_wait3A_255 = arith.constant 0 : i32
      %dma_wait3A_256 = tpu.memref_slice %arg7[%dma_wait3A_254, %dma_wait3A_255] : memref<128x128xbf16, #tpu.memory_space<vmem>> -> memref<120x128xbf16, #tpu.memory_space<vmem>>
      %dma_wait3A_257 = arith.constant 0 : i32
      %dma_wait3A_258 = tpu.memref_slice %arg9[%add3A_195, %dma_wait3A_257] : memref<10112x128xbf16, #tpu.memory_space<vmem_shared>> -> memref<120x128xbf16, #tpu.memory_space<vmem_shared>>
      %dma_wait3A_259 = arith.constant 0 : i32
      %dma_wait3A_260 = arith.constant 0 : i32
      %dma_wait3A_261 = tpu.memref_slice %arg7[%dma_wait3A_259, %dma_wait3A_260] : memref<128x128xbf16, #tpu.memory_space<vmem>> -> memref<120x128xbf16, #tpu.memory_space<vmem>>
      %dma_wait3A_262 = arith.constant 0 : i32
      %dma_wait3A_263 = tpu.memref_slice %arg9[%add3A_195, %dma_wait3A_262] : memref<10112x128xbf16, #tpu.memory_space<vmem_shared>> -> memref<120x128xbf16, #tpu.memory_space<vmem_shared>>
      tpu.wait_dma2 semaphore(%run_scoped3A : memref<!tpu.dma_semaphore, #tpu.memory_space<semaphore_mem>>) src(%dma_wait3A_263 : memref<120x128xbf16, #tpu.memory_space<vmem_shared>>) dst(%dma_wait3A_261 : memref<120x128xbf16, #tpu.memory_space<vmem>>)
      tpu.yield
    }) : () -> ()
    %mul3A_196 = arith.constant 632 : i32
    %mul3A_197 = arith.muli %arg1, %mul3A_196 : i32
    %add3A_198 = arith.constant 512 : i32
    %add3A_199 = arith.addi %mul3A_197, %add3A_198 : i32
    %dma_start3A_200 = arith.constant 0 : i32
    %dma_start3A_201 = arith.constant 0 : i32
    %dma_start3A_202 = tpu.memref_slice %arg7[%dma_start3A_200, %dma_start3A_201] : memref<128x128xbf16, #tpu.memory_space<vmem>> -> memref<120x128xbf16, #tpu.memory_space<vmem>>
    %dma_start3A_203 = arith.constant 0 : i32
    %dma_start3A_204 = tpu.memref_slice %arg4[%arg0, %add3A_199, %dma_start3A_203] : memref<2x10240x128xbf16, #tpu.memory_space<hbm>> -> memref<1x120x128xbf16, #tpu.memory_space<hbm>>
    %dma_start3A_205 = tpu.memref_squeeze %dma_start3A_204 : memref<1x120x128xbf16, #tpu.memory_space<hbm>> -> memref<120x128xbf16, #tpu.memory_space<hbm>>
    %dma_start3A_206 = arith.constant 0 : i32
    %dma_start3A_207 = tpu.memref_slice %arg4[%arg0, %add3A_199, %dma_start3A_206] : memref<2x10240x128xbf16, #tpu.memory_space<hbm>> -> memref<1x120x128xbf16, #tpu.memory_space<hbm>>
    %dma_start3A_208 = tpu.memref_squeeze %dma_start3A_207 : memref<1x120x128xbf16, #tpu.memory_space<hbm>> -> memref<120x128xbf16, #tpu.memory_space<hbm>>
    %dma_start3A_209 = arith.constant 0 : i32
    %dma_start3A_210 = arith.constant 0 : i32
    %dma_start3A_211 = tpu.memref_slice %arg7[%dma_start3A_209, %dma_start3A_210] : memref<128x128xbf16, #tpu.memory_space<vmem>> -> memref<120x128xbf16, #tpu.memory_space<vmem>>
    tpu.enqueue_dma source(%dma_start3A_211 : memref<120x128xbf16, #tpu.memory_space<vmem>>) target(%dma_start3A_208 : memref<120x128xbf16, #tpu.memory_space<hbm>>) target_semaphore(%arg16 : memref<!tpu.dma_semaphore, #tpu.memory_space<semaphore_mem>>)
    %mul3A_212 = arith.constant 632 : i32
    %mul3A_213 = arith.muli %arg1, %mul3A_212 : i32
    %add3A_214 = arith.constant 384 : i32
    %add3A_215 = arith.addi %mul3A_213, %add3A_214 : i32
    %dma_wait3A_216 = arith.constant 0 : i32
    %dma_wait3A_217 = arith.constant 0 : i32
    %dma_wait3A_218 = tpu.memref_slice %arg8[%dma_wait3A_216, %dma_wait3A_217] : memref<128x128xbf16, #tpu.memory_space<vmem>> -> memref<128x128xbf16, #tpu.memory_space<vmem>>
    %dma_wait3A_219 = arith.constant 0 : i32
    %dma_wait3A_220 = tpu.memref_slice %arg4[%arg0, %add3A_215, %dma_wait3A_219] : memref<2x10240x128xbf16, #tpu.memory_space<hbm>> -> memref<1x128x128xbf16, #tpu.memory_space<hbm>>
    %dma_wait3A_221 = tpu.memref_squeeze %dma_wait3A_220 : memref<1x128x128xbf16, #tpu.memory_space<hbm>> -> memref<128x128xbf16, #tpu.memory_space<hbm>>
    %dma_wait3A_222 = arith.constant 0 : i32
    %dma_wait3A_223 = tpu.memref_slice %arg4[%arg0, %add3A_215, %dma_wait3A_222] : memref<2x10240x128xbf16, #tpu.memory_space<hbm>> -> memref<1x128x128xbf16, #tpu.memory_space<hbm>>
    %dma_wait3A_224 = tpu.memref_squeeze %dma_wait3A_223 : memref<1x128x128xbf16, #tpu.memory_space<hbm>> -> memref<128x128xbf16, #tpu.memory_space<hbm>>
    %dma_wait3A_225 = arith.constant 0 : i32
    %dma_wait3A_226 = arith.constant 0 : i32
    %dma_wait3A_227 = tpu.memref_slice %arg8[%dma_wait3A_225, %dma_wait3A_226] : memref<128x128xbf16, #tpu.memory_space<vmem>> -> memref<128x128xbf16, #tpu.memory_space<vmem>>
    tpu.wait_dma2 semaphore(%arg17 : memref<!tpu.dma_semaphore, #tpu.memory_space<semaphore_mem>>) src(%dma_wait3A_227 : memref<128x128xbf16, #tpu.memory_space<vmem>>) dst(%dma_wait3A_224 : memref<128x128xbf16, #tpu.memory_space<hbm>>)
    %mul3A_228 = arith.constant 632 : i32
    %mul3A_229 = arith.muli %arg1, %mul3A_228 : i32
    %add3A_230 = arith.constant 512 : i32
    %add3A_231 = arith.addi %mul3A_229, %add3A_230 : i32
    %dma_wait3A_232 = arith.constant 0 : i32
    %dma_wait3A_233 = arith.constant 0 : i32
    %dma_wait3A_234 = tpu.memref_slice %arg7[%dma_wait3A_232, %dma_wait3A_233] : memref<128x128xbf16, #tpu.memory_space<vmem>> -> memref<120x128xbf16, #tpu.memory_space<vmem>>
    %dma_wait3A_235 = arith.constant 0 : i32
    %dma_wait3A_236 = tpu.memref_slice %arg4[%arg0, %add3A_231, %dma_wait3A_235] : memref<2x10240x128xbf16, #tpu.memory_space<hbm>> -> memref<1x120x128xbf16, #tpu.memory_space<hbm>>
    %dma_wait3A_237 = tpu.memref_squeeze %dma_wait3A_236 : memref<1x120x128xbf16, #tpu.memory_space<hbm>> -> memref<120x128xbf16, #tpu.memory_space<hbm>>
    %dma_wait3A_238 = arith.constant 0 : i32
    %dma_wait3A_239 = tpu.memref_slice %arg4[%arg0, %add3A_231, %dma_wait3A_238] : memref<2x10240x128xbf16, #tpu.memory_space<hbm>> -> memref<1x120x128xbf16, #tpu.memory_space<hbm>>
    %dma_wait3A_240 = tpu.memref_squeeze %dma_wait3A_239 : memref<1x120x128xbf16, #tpu.memory_space<hbm>> -> memref<120x128xbf16, #tpu.memory_space<hbm>>
    %dma_wait3A_241 = arith.constant 0 : i32
    %dma_wait3A_242 = arith.constant 0 : i32
    %dma_wait3A_243 = tpu.memref_slice %arg7[%dma_wait3A_241, %dma_wait3A_242] : memref<128x128xbf16, #tpu.memory_space<vmem>> -> memref<120x128xbf16, #tpu.memory_space<vmem>>
    tpu.wait_dma2 semaphore(%arg16 : memref<!tpu.dma_semaphore, #tpu.memory_space<semaphore_mem>>) src(%dma_wait3A_243 : memref<120x128xbf16, #tpu.memory_space<vmem>>) dst(%dma_wait3A_240 : memref<120x128xbf16, #tpu.memory_space<hbm>>)
    return
  }
}

module attributes {stable_mosaic.version = 14 : i64} {
  func.func @body(%arg0: i32, %arg1: memref<512x2xf32, #tpu.memory_space<vmem>>, %arg2: memref<512x128xf32, #tpu.memory_space<vmem>>, %arg3: memref<512x128xbf16, #tpu.memory_space<vmem>>, %arg4: memref<512x1xf32, #tpu.memory_space<vmem>>, %arg5: memref<512x1xf32, #tpu.memory_space<vmem>>) attributes {dimension_semantics = [#tpu.dimension_semantics<arbitrary>], iteration_bounds = array<i64: 20>, scalar_prefetch = 0 : i64, scratch_operands = 0 : i64, tpu.core_type = #tpu.core_type<tc>, window_params = [{transform_indices = @transform_0, window_bounds = array<i64: 512, 2>}, {transform_indices = @transform_1, window_bounds = array<i64: 512, 128>}, {transform_indices = @transform_2, window_bounds = array<i64: 512, 128>}, {transform_indices = @transform_3, window_bounds = array<i64: 512, 1>}, {transform_indices = @transform_4, window_bounds = array<i64: 512, 1>}]} {
    %get3A = arith.constant 0 : index
    %get3A_0 = arith.constant 0 : index
    %get3A_1 = vector.load %arg1[%get3A, %get3A_0] : memref<512x2xf32, #tpu.memory_space<vmem>>, vector<512x1xf32>
    %get3A_2 = arith.constant 0 : index
    %get3A_3 = arith.constant 1 : index
    %get3A_4 = vector.load %arg1[%get3A_2, %get3A_3] : memref<512x2xf32, #tpu.memory_space<vmem>>, vector<512x1xf32>
    %add3A = arith.addf %get3A_1, %get3A_4 : vector<512x1xf32>
    %gt3A = arith.constant 0.000000e+00 : f32
    %gt3A_5 = vector.broadcast %gt3A : f32 to vector<512x1xf32>
    %gt3A_6 = arith.cmpf ogt, %add3A, %gt3A_5 : vector<512x1xf32>
    %rsqrt3A = math.rsqrt %add3A : vector<512x1xf32>
    %jit3A = arith.constant 0.000000e+00 : f32
    %broadcast_in_dim3A = vector.broadcast %jit3A : f32 to vector<512x1xf32>
    %select_n3A = arith.select %gt3A_6, %rsqrt3A, %broadcast_in_dim3A : vector<512x1xi1>, vector<512x1xf32>
    %add3A_7 = arith.constant 1.000000e+00 : f32
    %add3A_8 = vector.broadcast %add3A_7 : f32 to vector<512x1xf32>
    %add3A_9 = arith.addf %add3A, %add3A_8 : vector<512x1xf32>
    %rsqrt3A_10 = math.rsqrt %add3A_9 : vector<512x1xf32>
    %get3A_11 = arith.constant 0 : index
    %get3A_12 = arith.constant 0 : index
    %get3A_13 = vector.load %arg2[%get3A_11, %get3A_12] : memref<512x128xf32, #tpu.memory_space<vmem>>, vector<512x128xf32>
    %mul3A = vector.broadcast %select_n3A : vector<512x1xf32> to vector<512x128xf32>
    %mul3A_14 = arith.mulf %mul3A, %get3A_13 : vector<512x128xf32>
    %convert_element_type3A = arith.truncf %mul3A_14 : vector<512x128xf32> to vector<512x128xbf16>
    %swap3A = arith.constant 0 : index
    %swap3A_15 = arith.constant 0 : index
    %swap3A_16 = vector.load %arg3[%swap3A, %swap3A_15] : memref<512x128xbf16, #tpu.memory_space<vmem>>, vector<512x128xbf16>
    tpu.vector_store %arg3[%swap3A, %swap3A_15], %convert_element_type3A {strides = array<i32>} : memref<512x128xbf16, #tpu.memory_space<vmem>>, vector<512x128xbf16>,
    %swap3A_17 = arith.constant 0 : index
    %swap3A_18 = arith.constant 0 : index
    %swap3A_19 = vector.load %arg4[%swap3A_17, %swap3A_18] : memref<512x1xf32, #tpu.memory_space<vmem>>, vector<512x1xf32>
    tpu.vector_store %arg4[%swap3A_17, %swap3A_18], %select_n3A {strides = array<i32>} : memref<512x1xf32, #tpu.memory_space<vmem>>, vector<512x1xf32>,
    %swap3A_20 = arith.constant 0 : index
    %swap3A_21 = arith.constant 0 : index
    %swap3A_22 = vector.load %arg5[%swap3A_20, %swap3A_21] : memref<512x1xf32, #tpu.memory_space<vmem>>, vector<512x1xf32>
    tpu.vector_store %arg5[%swap3A_20, %swap3A_21], %rsqrt3A_10 {strides = array<i32>} : memref<512x1xf32, #tpu.memory_space<vmem>>, vector<512x1xf32>,
    return
  }
  func.func @transform_0(%arg0: i32) -> (i32, i32) {
    %c0_i32 = arith.constant 0 : i32
    %c0_i32_0 = arith.constant 0 : i32
    return %arg0, %c0_i32 : i32, i32
  }
  func.func @transform_1(%arg0: i32) -> (i32, i32) {
    %c0_i32 = arith.constant 0 : i32
    %c0_i32_0 = arith.constant 0 : i32
    return %arg0, %c0_i32 : i32, i32
  }
  func.func @transform_2(%arg0: i32) -> (i32, i32) {
    %c0_i32 = arith.constant 0 : i32
    %c0_i32_0 = arith.constant 0 : i32
    return %arg0, %c0_i32 : i32, i32
  }
  func.func @transform_3(%arg0: i32) -> (i32, i32) {
    %c0_i32 = arith.constant 0 : i32
    %c0_i32_0 = arith.constant 0 : i32
    return %arg0, %c0_i32 : i32, i32
  }
  func.func @transform_4(%arg0: i32) -> (i32, i32) {
    %c0_i32 = arith.constant 0 : i32
    %c0_i32_0 = arith.constant 0 : i32
    return %arg0, %c0_i32 : i32, i32
  }
}

module attributes {stable_mosaic.version = 14 : i64} {
  func.func @body(%arg0: i32, %arg1: memref<2x512x128xbf16, #tpu.memory_space<vmem>>, %arg2: memref<512x1xf32, #tpu.memory_space<vmem>>, %arg3: memref<512x1xf32, #tpu.memory_space<vmem>>, %arg4: memref<256x128xf32, #tpu.memory_space<vmem>>, %arg5: memref<1x256xf32, #tpu.memory_space<vmem>>, %arg6: memref<128x256xf32, #tpu.memory_space<vmem>>, %arg7: memref<512x128xf32, #tpu.memory_space<vmem>>, %arg8: memref<512x128xbf16, #tpu.memory_space<vmem>>) attributes {dimension_semantics = [#tpu.dimension_semantics<arbitrary>], iteration_bounds = array<i64: 20>, scalar_prefetch = 0 : i64, scratch_operands = 0 : i64, tpu.core_type = #tpu.core_type<tc>, window_params = [{transform_indices = @transform_0, window_bounds = array<i64: 2, 512, 128>}, {transform_indices = @transform_1, window_bounds = array<i64: 512, 1>}, {transform_indices = @transform_2, window_bounds = array<i64: 512, 1>}, {pipeline_mode = #tpu.pipeline_mode<synchronous>, transform_indices = @transform_3, window_bounds = array<i64: 256, 128>}, {pipeline_mode = #tpu.pipeline_mode<synchronous>, transform_indices = @transform_4, window_bounds = array<i64: 1, 256>}, {pipeline_mode = #tpu.pipeline_mode<synchronous>, transform_indices = @transform_5, window_bounds = array<i64: 128, 256>}, {transform_indices = @transform_6, window_bounds = array<i64: 512, 128>}, {transform_indices = @transform_7, window_bounds = array<i64: 512, 128>}]} {
    %get3A = arith.constant 0 : index
    %get3A_0 = arith.constant 0 : index
    %get3A_1 = arith.constant 0 : index
    %get3A_2 = vector.load %arg1[%get3A, %get3A_0, %get3A_1] : memref<2x512x128xbf16, #tpu.memory_space<vmem>>, vector<1x512x128xbf16>
    %get3A_3 = vector.shape_cast %get3A_2 : vector<1x512x128xbf16> to vector<512x128xbf16>
    %convert_element_type3A = arith.extf %get3A_3 : vector<512x128xbf16> to vector<512x128xf32>
    %get3A_4 = arith.constant 1 : index
    %get3A_5 = arith.constant 0 : index
    %get3A_6 = arith.constant 0 : index
    %get3A_7 = vector.load %arg1[%get3A_4, %get3A_5, %get3A_6] : memref<2x512x128xbf16, #tpu.memory_space<vmem>>, vector<1x512x128xbf16>
    %get3A_8 = vector.shape_cast %get3A_7 : vector<1x512x128xbf16> to vector<512x128xbf16>
    %convert_element_type3A_9 = arith.extf %get3A_8 : vector<512x128xbf16> to vector<512x128xf32>
    %add3A = arith.addf %convert_element_type3A, %convert_element_type3A_9 : vector<512x128xf32>
    %get3A_10 = arith.constant 0 : index
    %get3A_11 = arith.constant 0 : index
    %get3A_12 = vector.load %arg2[%get3A_10, %get3A_11] : memref<512x1xf32, #tpu.memory_space<vmem>>, vector<512x1xf32>
    %mul3A = vector.broadcast %get3A_12 : vector<512x1xf32> to vector<512x128xf32>
    %mul3A_13 = arith.mulf %mul3A, %add3A : vector<512x128xf32>
    %get3A_14 = arith.constant 0 : index
    %get3A_15 = arith.constant 0 : index
    %get3A_16 = vector.load %arg4[%get3A_14, %get3A_15] : memref<256x128xf32, #tpu.memory_space<vmem>>, vector<256x128xf32>
    %dot_general3A = arith.constant dense<0.000000e+00> : vector<512x256xf32>
    %dot_general3A_17 = tpu.matmul %mul3A_13, %get3A_16, %dot_general3A {dimension_numbers = #tpu.dot_dimension_numbers<[1], [1], [0], [0], [0, 0, 1, 0], [], []>, transpose_lhs_hint = false} : vector<512x128xf32>, vector<256x128xf32>, vector<512x256xf32> -> vector<512x256xf32>
    %get3A_18 = arith.constant 0 : index
    %get3A_19 = arith.constant 0 : index
    %get3A_20 = vector.load %arg5[%get3A_18, %get3A_19] : memref<1x256xf32, #tpu.memory_space<vmem>>, vector<1x256xf32>
    %add3A_21 = vector.broadcast %get3A_20 : vector<1x256xf32> to vector<512x256xf32>
    %add3A_22 = arith.addf %dot_general3A_17, %add3A_21 : vector<512x256xf32>
    %get3A_23 = arith.constant 0 : index
    %get3A_24 = arith.constant 0 : index
    %get3A_25 = vector.load %arg6[%get3A_23, %get3A_24] : memref<128x256xf32, #tpu.memory_space<vmem>>, vector<128x256xf32>
    %dot_general3A_26 = arith.constant dense<0.000000e+00> : vector<512x128xf32>
    %dot_general3A_27 = tpu.matmul %add3A_22, %get3A_25, %dot_general3A_26 {dimension_numbers = #tpu.dot_dimension_numbers<[1], [1], [0], [0], [0, 0, 1, 0], [], []>, transpose_lhs_hint = false} : vector<512x256xf32>, vector<128x256xf32>, vector<512x128xf32> -> vector<512x128xf32>
    %get3A_28 = arith.constant 0 : index
    %get3A_29 = arith.constant 0 : index
    %get3A_30 = vector.load %arg3[%get3A_28, %get3A_29] : memref<512x1xf32, #tpu.memory_space<vmem>>, vector<512x1xf32>
    %mul3A_31 = vector.broadcast %get3A_30 : vector<512x1xf32> to vector<512x128xf32>
    %mul3A_32 = arith.mulf %mul3A_31, %dot_general3A_27 : vector<512x128xf32>
    %swap3A = arith.constant 0 : index
    %swap3A_33 = arith.constant 0 : index
    %swap3A_34 = vector.load %arg7[%swap3A, %swap3A_33] : memref<512x128xf32, #tpu.memory_space<vmem>>, vector<512x128xf32>
    tpu.vector_store %arg7[%swap3A, %swap3A_33], %mul3A_32 {strides = array<i32>} : memref<512x128xf32, #tpu.memory_space<vmem>>, vector<512x128xf32>,
    %convert_element_type3A_35 = arith.truncf %mul3A_32 : vector<512x128xf32> to vector<512x128xbf16>
    %swap3A_36 = arith.constant 0 : index
    %swap3A_37 = arith.constant 0 : index
    %swap3A_38 = vector.load %arg8[%swap3A_36, %swap3A_37] : memref<512x128xbf16, #tpu.memory_space<vmem>>, vector<512x128xbf16>
    tpu.vector_store %arg8[%swap3A_36, %swap3A_37], %convert_element_type3A_35 {strides = array<i32>} : memref<512x128xbf16, #tpu.memory_space<vmem>>, vector<512x128xbf16>,
    return
  }
  func.func @transform_0(%arg0: i32) -> (i32, i32, i32) {
    %c0_i32 = arith.constant 0 : i32
    %c0_i32_0 = arith.constant 0 : i32
    %c0_i32_1 = arith.constant 0 : i32
    return %c0_i32, %arg0, %c0_i32_0 : i32, i32, i32
  }
  func.func @transform_1(%arg0: i32) -> (i32, i32) {
    %c0_i32 = arith.constant 0 : i32
    %c0_i32_0 = arith.constant 0 : i32
    return %arg0, %c0_i32 : i32, i32
  }
  func.func @transform_2(%arg0: i32) -> (i32, i32) {
    %c0_i32 = arith.constant 0 : i32
    %c0_i32_0 = arith.constant 0 : i32
    return %arg0, %c0_i32 : i32, i32
  }
  func.func @transform_3(%arg0: i32) -> (i32, i32) {
    %c0_i32 = arith.constant 0 : i32
    %c0_i32_0 = arith.constant 0 : i32
    %c0_i32_1 = arith.constant 0 : i32
    return %c0_i32, %c0_i32_0 : i32, i32
  }
  func.func @transform_4(%arg0: i32) -> (i32, i32) {
    %c0_i32 = arith.constant 0 : i32
    %c0_i32_0 = arith.constant 0 : i32
    %c0_i32_1 = arith.constant 0 : i32
    return %c0_i32, %c0_i32_0 : i32, i32
  }
  func.func @transform_5(%arg0: i32) -> (i32, i32) {
    %c0_i32 = arith.constant 0 : i32
    %c0_i32_0 = arith.constant 0 : i32
    %c0_i32_1 = arith.constant 0 : i32
    return %c0_i32, %c0_i32_0 : i32, i32
  }
  func.func @transform_6(%arg0: i32) -> (i32, i32) {
    %c0_i32 = arith.constant 0 : i32
    %c0_i32_0 = arith.constant 0 : i32
    return %arg0, %c0_i32 : i32, i32
  }
  func.func @transform_7(%arg0: i32) -> (i32, i32) {
    %c0_i32 = arith.constant 0 : i32
    %c0_i32_0 = arith.constant 0 : i32
    return %arg0, %c0_i32 : i32, i32
  }
}

module attributes {stable_mosaic.version = 14 : i64} {
  func.func @body(%arg0: i32, %arg1: memref<2x512x128xbf16, #tpu.memory_space<vmem>>, %arg2: memref<512x128xf32, #tpu.memory_space<vmem>>, %arg3: memref<512x1xf32, #tpu.memory_space<vmem>>, %arg4: memref<1x128xf32, #tpu.memory_space<vmem>>, %arg5: memref<512x128xf32, #tpu.memory_space<vmem>>) attributes {dimension_semantics = [#tpu.dimension_semantics<arbitrary>], iteration_bounds = array<i64: 20>, scalar_prefetch = 0 : i64, scratch_operands = 0 : i64, tpu.core_type = #tpu.core_type<tc>, window_params = [{transform_indices = @transform_0, window_bounds = array<i64: 2, 512, 128>}, {transform_indices = @transform_1, window_bounds = array<i64: 512, 128>}, {transform_indices = @transform_2, window_bounds = array<i64: 512, 1>}, {pipeline_mode = #tpu.pipeline_mode<synchronous>, transform_indices = @transform_3, window_bounds = array<i64: 1, 128>}, {transform_indices = @transform_4, window_bounds = array<i64: 512, 128>}]} {
    %get3A = arith.constant 0 : index
    %get3A_0 = arith.constant 0 : index
    %get3A_1 = arith.constant 0 : index
    %get3A_2 = vector.load %arg1[%get3A, %get3A_0, %get3A_1] : memref<2x512x128xbf16, #tpu.memory_space<vmem>>, vector<1x512x128xbf16>
    %get3A_3 = vector.shape_cast %get3A_2 : vector<1x512x128xbf16> to vector<512x128xbf16>
    %convert_element_type3A = arith.extf %get3A_3 : vector<512x128xbf16> to vector<512x128xf32>
    %get3A_4 = arith.constant 1 : index
    %get3A_5 = arith.constant 0 : index
    %get3A_6 = arith.constant 0 : index
    %get3A_7 = vector.load %arg1[%get3A_4, %get3A_5, %get3A_6] : memref<2x512x128xbf16, #tpu.memory_space<vmem>>, vector<1x512x128xbf16>
    %get3A_8 = vector.shape_cast %get3A_7 : vector<1x512x128xbf16> to vector<512x128xbf16>
    %convert_element_type3A_9 = arith.extf %get3A_8 : vector<512x128xbf16> to vector<512x128xf32>
    %add3A = arith.addf %convert_element_type3A, %convert_element_type3A_9 : vector<512x128xf32>
    %get3A_10 = arith.constant 0 : index
    %get3A_11 = arith.constant 0 : index
    %get3A_12 = vector.load %arg2[%get3A_10, %get3A_11] : memref<512x128xf32, #tpu.memory_space<vmem>>, vector<512x128xf32>
    %add3A_13 = arith.addf %add3A, %get3A_12 : vector<512x128xf32>
    %get3A_14 = arith.constant 0 : index
    %get3A_15 = arith.constant 0 : index
    %get3A_16 = vector.load %arg3[%get3A_14, %get3A_15] : memref<512x1xf32, #tpu.memory_space<vmem>>, vector<512x1xf32>
    %mul3A = vector.broadcast %get3A_16 : vector<512x1xf32> to vector<512x128xf32>
    %mul3A_17 = arith.mulf %mul3A, %add3A_13 : vector<512x128xf32>
    %get3A_18 = arith.constant 0 : index
    %get3A_19 = arith.constant 0 : index
    %get3A_20 = vector.load %arg4[%get3A_18, %get3A_19] : memref<1x128xf32, #tpu.memory_space<vmem>>, vector<1x128xf32>
    %add3A_21 = vector.broadcast %get3A_20 : vector<1x128xf32> to vector<512x128xf32>
    %add3A_22 = arith.addf %mul3A_17, %add3A_21 : vector<512x128xf32>
    %swap3A = arith.constant 0 : index
    %swap3A_23 = arith.constant 0 : index
    %swap3A_24 = vector.load %arg5[%swap3A, %swap3A_23] : memref<512x128xf32, #tpu.memory_space<vmem>>, vector<512x128xf32>
    tpu.vector_store %arg5[%swap3A, %swap3A_23], %add3A_22 {strides = array<i32>} : memref<512x128xf32, #tpu.memory_space<vmem>>, vector<512x128xf32>,
    return
  }
  func.func @transform_0(%arg0: i32) -> (i32, i32, i32) {
    %c0_i32 = arith.constant 0 : i32
    %c0_i32_0 = arith.constant 0 : i32
    %c0_i32_1 = arith.constant 0 : i32
    return %c0_i32, %arg0, %c0_i32_0 : i32, i32, i32
  }
  func.func @transform_1(%arg0: i32) -> (i32, i32) {
    %c0_i32 = arith.constant 0 : i32
    %c0_i32_0 = arith.constant 0 : i32
    return %arg0, %c0_i32 : i32, i32
  }
  func.func @transform_2(%arg0: i32) -> (i32, i32) {
    %c0_i32 = arith.constant 0 : i32
    %c0_i32_0 = arith.constant 0 : i32
    return %arg0, %c0_i32 : i32, i32
  }
  func.func @transform_3(%arg0: i32) -> (i32, i32) {
    %c0_i32 = arith.constant 0 : i32
    %c0_i32_0 = arith.constant 0 : i32
    %c0_i32_1 = arith.constant 0 : i32
    return %c0_i32, %c0_i32_0 : i32, i32
  }
  func.func @transform_4(%arg0: i32) -> (i32, i32) {
    %c0_i32 = arith.constant 0 : i32
    %c0_i32_0 = arith.constant 0 : i32
    return %arg0, %c0_i32 : i32, i32
  }
}

</mosaic_0001>

<sc_bundles>
// kernel: kernel.11.cloned.1.call-start
scs
__scs_entry_jumppad:
0x0: {  	(pc) =	sbr.rel $0x88, $3  }
0x1: {  	(tag) =	ssettag $0x0;
	lr =	simm.s32 $0x1  }
0x2: {  	[smem:$0x3F9B] =	sst lr;
	_ =	strace $0xD0000000  }
0x3: {  	_ = 	snop  }
0x4: {  	_ = 	snop  }
0x5: {  	_ = 	snop  }
0x6: {  	_ = 	snop  }
0x7: {  	_ = 	snop  }
__scs_overlays_trampoline_lowered:
0x8: {  	[smem:$0x3FAA] =	sst s0  }
0x9: {  	[smem:$0x3FAB] =	sst s1  }
0xa: {  	[smem:$0x3FAC] =	sst s2  }
0xb: {  	[smem:$0x3FAD] =	sst s3  }
0xc: {  	[smem:$0x3FAE] =	sst s4  }
0xd: {  	[smem:$0x3FAF] =	sst s5  }
0xe: {  	[smem:$0x3FB0] =	sst s6  }
0xf: {  	[smem:$0x3FB1] =	sst s7  }
0x10: {  	[smem:$0x3FB2] =	sst s8  }
0x11: {  	[smem:$0x3FB3] =	sst s9;
	s0 =	simm.s32 @!p0 $0x0  }
0x12: {  	s1 =	sld [smem:$0x3F99];
	s0 =	simm.s32 @p0 $0x1  }
0x13: {  	[smem:$0x3FB4] =	sst s0;
	s0 =	simm.s32 @!p1 $0x0  }
0x14: {  	s2 =	sld [smem:$0x3F98];
	s0 =	simm.s32 @p1 $0x1  }
0x15: {  	[smem:$0x3FB5] =	sst s0;
	s0 =	simm.s32 @!p2 $0x0  }
0x16: {  	s3 =	sld [smem:$0x3FDB];
	s0 =	simm.s32 @p2 $0x1  }
0x17: {  	s4 =	simm.s32 $0x1BF5;
	[smem:$0x3FB7] =	sst s0  }
0x18: {  	s0 =	sld [smem:$0x3F9A];
	_ =	swait.ge [sflag:s4], $0x0  }
0x19: {  	s7 =	sld [smem:$0x3F9B]  }
0x1a: {  	s8 =	sadd.s32 $0xFFFFE003, lr  }
0x1b: {  	s9 =	sadd.s32 $0xFFFFFEF7, lr;
	s5 =	simm.s32 $0xFFFFFFFF;
	p2 =	slt.u32 s8, $0xFFFFF086  }
0x1c: {  	p1 =	slt.u32 s9, $0xF7A;
	s5 =	simm.s32 @!p2 $0x0  }
0x1d: {  	s5 =	simm.s32 @p1 $0x1;
	p0 =	seq.s32 s7, s2  }
0x1e: {  	s7 =	smul.u32 @!p0 $0xF7A, s2;
	p2 =	seq.s32 @!p0 s5, $0x0  }
0x1f: {  	s9 =	smul.u32 $0xF7A, s1;
	s8 =	simm.s32 @!p0 $0x1BF5;
	p2 =	por !p2, p0  }
0x20: {  	[sflag:s8] =	ssyncset.s32 @!p0 $0xFFFFF086;
	s6 =	sadd.s32 @!p0 s3, s7;
	s7 =	simm.s32 @!p0 $0x108  }
0x21: {  	s3 =	sadd.s32 s3, s9;
	s6 =	sadd.s32 @!p0 $0x88, s6;
	s7 =	simm.s32 @p2 $0x1082  }
0x22: {  	[simem:s7], [sflag:s8] =	dma.local @!p0 [hbm:s6], $0xF7A  }
0x23: {  	s9 =	sor.u32 $0xD0000000, s2;
	s6 =	simm.s32 $0x108;
	_ =	swait.ge @!p0 [sflag:s8], $0x0  }
0x24: {  	s3 =	sadd.s32 $0x88, s3;
	s6 =	simm.s32 @!p1 $0x1082;
	[sflag:s4] =	ssyncset.s32 $0xFFFFF086  }
0x25: {  	[simem:s6], [sflag:s4] =	dma.local [hbm:s3], $0xF7A  }
0x26: {  	[smem:$0x3F9B] =	sst s1;
	(tag) =	ssettag s2;
	_ =	strace s9  }
0x27: {  	s1 =	sld [smem:$0x3FAB]  }
0x28: {  	s2 =	sld [smem:$0x3FAC]  }
0x29: {  	s4 =	sld [smem:$0x3FAE]  }
0x2a: {  	p0 =	seq.s32 s5, $0x0;
	s5 =	sld [smem:$0x3FAF]  }
0x2b: {  	s6 =	sld [smem:$0x3FB0]  }
0x2c: {  	s7 =	sld [smem:$0x3FB1]  }
0x2d: {  	s3 =	simm.s32 $0x108;
	s8 =	sld [smem:$0x3FB2]  }
0x2e: {  	s3 =	simm.s32 @!p0 $0x1082;
	s9 =	sld [smem:$0x3FB3]  }
0x2f: {  	lr =	sadd.s32 s0, s3;
	s0 =	sld [smem:$0x3FAA]  }
0x30: {  	s3 =	sld [smem:$0x3FAD]  }
0x31: {  	[smem:$0x3FB6] =	sst s10  }
0x32: {  	s10 =	sld [smem:$0x3FB4];
	_ =	sdelay $0x3  }
0x33: {  	p0 =	seq.s32 s10, $0x1;
	s10 =	sld [smem:$0x3FB6];
	_ =	sdelay $0x3  }
0x34: {  	[smem:$0x3FB6] =	sst s10  }
0x35: {  	s10 =	sld [smem:$0x3FB5];
	_ =	sdelay $0x3  }
0x36: {  	p1 =	seq.s32 s10, $0x1;
	s10 =	sld [smem:$0x3FB6];
	_ =	sdelay $0x3  }
0x37: {  	[smem:$0x3FB6] =	sst s10  }
0x38: {  	s10 =	sld [smem:$0x3FB7]  }
0x39: {  	_ = 	snop;
	(pc) =	sbr.ind lr, $3  }
0x3a: {  	_ = 	snop  }
0x3b: {  	_ = 	snop  }
0x3c: {  	p2 =	seq.s32 s10, $0x1;
	s10 =	sld [smem:$0x3FB6]  }
0x3d: {  	_ =	shalt  }
0x3e: {  	_ =	shalt  }
0x3f: {  	_ =	shalt  }
0x40: {  	_ =	shalt  }
0x41: {  	_ =	shalt  }
0x42: {  	_ =	shalt  }
0x43: {  	_ =	shalt  }
0x44: {  	_ =	shalt  }
0x45: {  	_ =	shalt  }
0x46: {  	_ =	shalt  }
0x47: {  	_ =	shalt  }
0x48: {  	_ =	shalt  }
0x49: {  	_ =	shalt  }
0x4a: {  	_ =	shalt  }
0x4b: {  	_ =	shalt  }
0x4c: {  	_ =	shalt  }
0x4d: {  	_ =	shalt  }
0x4e: {  	_ =	shalt  }
0x4f: {  	_ =	shalt  }
0x50: {  	_ =	shalt  }
0x51: {  	_ =	shalt  }
0x52: {  	_ =	shalt  }
0x53: {  	_ =	shalt  }
0x54: {  	_ =	shalt  }
0x55: {  	_ =	shalt  }
0x56: {  	_ =	shalt  }
0x57: {  	_ =	shalt  }
0x58: {  	_ =	shalt  }
0x59: {  	_ =	shalt  }
0x5a: {  	_ =	shalt  }
0x5b: {  	_ =	shalt  }
0x5c: {  	_ =	shalt  }
0x5d: {  	_ =	shalt  }
0x5e: {  	_ =	shalt  }
0x5f: {  	_ =	shalt  }
0x60: {  	_ =	shalt  }
0x61: {  	_ =	shalt  }
0x62: {  	_ =	shalt  }
0x63: {  	_ =	shalt  }
0x64: {  	_ =	shalt  }
0x65: {  	_ =	shalt  }
0x66: {  	_ =	shalt  }
0x67: {  	_ =	shalt  }
0x68: {  	_ =	shalt  }
0x69: {  	_ =	shalt  }
0x6a: {  	_ =	shalt  }
0x6b: {  	_ =	shalt  }
0x6c: {  	_ =	shalt  }
0x6d: {  	_ =	shalt  }
0x6e: {  	_ =	shalt  }
0x6f: {  	_ =	shalt  }
0x70: {  	_ =	shalt  }
0x71: {  	_ =	shalt  }
0x72: {  	_ =	shalt  }
0x73: {  	_ =	shalt  }
0x74: {  	_ =	shalt  }
0x75: {  	_ =	shalt  }
0x76: {  	_ =	shalt  }
0x77: {  	_ =	shalt  }
0x78: {  	_ =	shalt  }
0x79: {  	_ =	shalt  }
0x7a: {  	_ =	shalt  }
0x7b: {  	_ =	shalt  }
0x7c: {  	_ =	shalt  }
0x7d: {  	_ =	shalt  }
0x7e: {  	_ =	shalt  }
0x7f: {  	_ =	shalt  }
0x80: {  	_ =	shalt  }
0x81: {  	_ =	shalt  }
0x82: {  	_ =	shalt  }
0x83: {  	_ =	shalt  }
0x84: {  	_ =	shalt  }
0x85: {  	_ =	shalt  }
0x86: {  	_ =	shalt  }
0x87: {  	_ =	shalt  }
.Lfunc_end0:
.L_simem_size_0:
called_computation.1_lowered:
.L_overlay_start_0:
0x88: {  	s2 =	sld [smem:$0x3FD9]  }
0x89: {  	s3 =	sld [smem:$0x3FFE];
	_ =	sdelay $0x1  }
0x8a: {  	s1 =	srdreg.scid  }
0x8b: {  	s0 =	sand.u32 $0x1, s1  }
0x8c: {  	s16 =	sshll.u32 s0, $0xA;
	s2 =	sadd.s32 s3, s2  }
0x8d: {  	s2 =	sadd.s32 s2, s16  }
0x8e: {  	[smem:$0x3FC2] =	sst s2  }
0x8f: {  	_ = 	snop  }
0x90: {  	(tm) =	ssettm $0x1  }
0x91: {  	s17 =	sld [smem:$0x3FFB];
	_ =	sdelay $0x3  }
0x92: {  	_ =	strace s17  }
0x93: {  	s2 =	sld [smem:$0x3FFC];
	_ =	sdelay $0x3  }
0x94: {  	_ =	strace s2  }
0x95: {  	s2 =	sld [smem:$0x3FFD];
	_ =	sdelay $0x3  }
0x96: {  	_ =	strace s2  }
0x97: {  	_ =	strace $0x8FFFFFFF  }
0x98: {  	s18 =	sld [smem:$0x3FDB];
	_ =	sdelay $0x1  }
0x99: {  	s19 =	simm.s32 $_scs_section_size  }
0x9a: {  	s4 =	simm.s32 $_size__tile_overlayer_lowered;
	s5 =	simm.s32 $_tile_overlayer_lowered  }
0x9b: {  	s22 =	simm.s32 $0x1BFF;
	s21 =	sshll.u32 s5, $0x1;
	s2 =	sadd.s32 s19, s18  }
0x9c: {  	s6 =	simm.s32 $0x0;
	s20 =	sshll.u32 s4, $0x1;
	s4 =	sadd.s32 s21, s2  }
0x9d: {  	[timem:s6], [sflag:s22] =	dma.local [hbm:s4], s20  }
0x9e: {  	_ =	swait.ge [sflag:s22], s20  }
0x9f: {  	s3 =	ssub.s32 $0x0, s20;
	[sflag:s22] =	ssyncset.done $0x0  }
0xa0: {  	[sflag:s22] =	ssyncadd.s32 s3;
	_ =	sdelay $0x1  }
0xa1: {  	s23 =	simm.s32 $0x1B8B  }
0xa2: {  	_ =	swait.ge [sflag:s23], $0x1  }
0xa3: {  	[sflag:s23] =	ssyncset.done $0x0  }
0xa4: {  	s25 =	simm.s32 $0x1B8E;
	s24 =	sld [smem:$0x3FFE];
	[sflag:s23] =	ssyncadd.s32 $0xFFFFFFFF  }
0xa5: {  	s26 =	simm.s32 $execute0_lowered;
	[smem:$0x3FD2] =	sst s25  }
0xa6: {  	s4 =	sshll.u32 s26, $0x1;
	_ =	strace $0x80000049;
	[dreg:$0x1] =	wrdreg $0xFFFFFFFF  }
0xa7: {  	s28 =	simm.s32 $_size_execute0_lowered;
	s2 =	sadd.s32 s2, s4;
	[dreg:$0x0] =	wrdreg $0x0  }
0xa8: {  	s4 =	sshll.u32 s28, $0x1;
	[dreg:$0x2] =	wrdreg s2  }
0xa9: {  	[dreg:$0x3] =	wrdreg s4  }
0xaa: {  	[dreg:$0x4] =	wrdreg $0xC0  }
0xab: {  	_ =	task [dreg:s6], $0x5FFFF  }
0xac: {  	[dreg:$0x1] =	wrdreg $0xFFFFFFFF  }
0xad: {  	[dreg:$0x0] =	wrdreg $0x60  }
0xae: {  	[dreg:$0x2] =	wrdreg s24  }
0xaf: {  	[dreg:$0x3] =	wrdreg $0x42000  }
0xb0: {  	[dreg:$0x4] =	wrdreg $0x9  }
0xb1: {  	_ =	task.clear_ibuf [dreg:s6], $0x5FFFF;
	_ =	strace $0x90000049  }
0xb2: {  	s29 =	simm.s32 $0x9;
	_ =	strace $0x8000004B  }
0xb3: {  	_ =	swait.ge [sflag:s29], $0x1  }
0xb4: {  	[sflag:s29] =	ssyncadd.s32 $0xFFFFFFFF  }
0xb5: {  	_ =	strace $0x9000004B  }
0xb6: {  	_ =	sfence  }
0xb7: {  	s30 =	sld [smem:$0x0];
	_ =	sdelay $0x2  }
0xb8: {  	s31 =	sshll.u32 s1, $0xD;
	s1 =	sshrl.u32 s1, $0x2  }
0xb9: {  	s3 =	sand.u32 $0x4000, s31;
	s1 =	sadd.s32 s1, s30  }
0xba: {  	s0 =	sor.u32 s3, s0;
	s1 =	sshll.u32 s1, $0x11  }
0xbb: {  	s0 =	sor.u32 s1, s0  }
0xbc: {  	s0 =	sadd.s32 $0x8F2B, s0  }
0xbd: {  	[sflag:s0] =	ssyncadd.remote.s32 $0x1  }
0xbe: {  	_ =	sfence.sel $0xFFFF  }
0xbf: {  	[dreg:$0x0] =	wrdreg $0xFFFFFFFF;
	(pc) =	sbr.abs _section_cstart, $3  }
0xc0: {  	[dreg:$0x1] =	wrdreg $0xFFFFFFFF  }
0xc1: {  	_ =	task.clear_ibuf [dreg:s6], $0x2FFFF;
	_ =	strace $0x9FFFFFFF  }
0xc2: {  	(tm) =	ssettm $0x7FFFFFFF  }
0xc3: {  	_ =	shalt  }
tec
execute0_lowered:
.L_overlay_start_1:
0x0: {  	(tag) =	ssettag $0x1  }
0x1: {  	s0 =	rddreg [dreg:$0x0]  }
0x2: {  	s1 =	rddreg [dreg:$0x1]  }
0x3: {  	s2 =	simm.s32 $0x0;
	s3 =	srdreg.scid;
	s19 =	stileid.u32  }
0x4: {  	s28 =	simm.s32 $0x5;
	s29 =	simm.s32 $0x4;
	s30 =	simm.s32 $0x180  }
0x5: {  	s31 =	simm.s32 $0x6;
	[smem:$0x7FF] =	sst s2;
	s3 =	sand.u32 $0x1, s3  }
0x6: {  	s10 =	sadd.s32 $0x2B000, s0;
	s4 =	sadd.s32 $0x3F000, s0;
	s11 =	smul.u32 $0x13C00, s19  }
0x7: {  	s0 =	sadd.s32 $0x53000, s0;
	s25 =	smul.u32 $0xA00, s19;
	s5 =	ssub.s32 $0x2, s3  }
0x8: {  	_ =	strace $0x8000004A;
	s17 =	sshll.u32 s3, $0x4;
	s6 =	sshrl.u32 s5, $0x1  }
0x9: {  	s8 =	sor.u32 s19, s17;
	s13 =	sadd.s32 $0x4000, s11;
	s14 =	sadd.s32 $0x8000, s11  }
0xa: {  	s18 =	sshrl.u32 s11, $0x1;
	s15 =	sadd.s32 $0xC000, s11;
	s16 =	sadd.s32 $0x10000, s11  }
0xb: {  	s19 =	simm.s32 $0x200;
	s12 =	ssub.s32 s5, s6;
	s20 =	sshrl.u32 s13, $0x1  }
0xc: {  	s7 =	sshrl.u32 s14, $0x1;
	s5 =	sadd.s32 s18, s1;
	s17 =	smul.u32 $0xA00, s8  }
0xd: {  	s21 =	sshrl.u32 s15, $0x1;
	s9 =	sshrl.u32 s16, $0x1;
	s18 =	smul.u32 $0x140000, s3  }
0xe: {  	s3 =	smul.u32 $0xA000, s3;
	s6 =	sadd.s32 s20, s1;
	s7 =	sadd.s32 s7, s1  }
0xf: {  	s8 =	sadd.s32 s21, s1;
	s9 =	sadd.s32 s9, s1;
	s20 =	simm.s32 $0x9  }
0x10: {  	s21 =	simm.s32 $0x1;
	s17 =	sadd.s32 s10, s17;
	s11 =	sadd.s32 s11, s18  }
0x11: {  	s13 =	sadd.s32 s18, s13;
	s14 =	sadd.s32 s18, s14;
	s24 =	sadd.s32 s18, s15  }
0x12: {  	s16 =	sadd.s32 s18, s16;
	s3 =	sadd.s32 s3, s10;
	[dreg:$0x3] =	wrdreg s17  }
0x13: {  	s17 =	sadd.s32 $0x20, s17;
	s11 =	sshrl.u32 s11, $0x4;
	s13 =	sshrl.u32 s13, $0x4  }
0x14: {  	s23 =	sshrl.u32 s14, $0x4;
	s26 =	sshrl.u32 s16, $0x4;
	s18 =	sadd.s32 s25, s3  }
0x15: {  	s25 =	simm.s32 $0x3;
	s3 =	simm.s32 $0x8;
	[dreg:$0x4] =	wrdreg s17  }
0x16: {  	s11 =	sadd.s32 s0, s11;
	s22 =	sadd.s32 s0, s13;
	s14 =	sadd.s32 s0, s23  }
0x17: {  	s16 =	sadd.s32 s0, s26;
	s17 =	smax.u32 s12, $0x1;
	[dreg:$0x5] =	wrdreg s11  }
0x18: {  	s23 =	simm.s32 $0x100;
	s26 =	simm.s32 $0x2200;
	[dreg:$0x6] =	wrdreg s22  }
0x19: {  	s11 =	sshrl.u32 s24, $0x4;
	s22 =	simm.s32 $0x80;
	s24 =	simm.s32 $0x2  }
0x1a: {  	v0 =	vimm.bf16 $0.0e+00;
	s15 =	sadd.s32 s0, s11;
	s0 =	simm.s32 $0x7;
	s11 =	simm.s32 $0x0  }
.LBB2_1:
0x1b: {  	s10 =	simm.s32 $0x100;
	s12 =	simm.s32 $0x0  }
.LBB2_2:
0x1c: {  	p0 =	sne.s32 s10, $0x7F00;
	[tilespmem:s12+$0x230] =	vst v0;
	s13 =	smov.u32 s10;
	s10 =	sadd.s32 $0x100, s10  }
.Ltmp0:
0x1d: {  	[tilespmem:s12+$0x220] =	vst v0;
	(pc) =	sbr.rel @p0 .LBB2_2-.Ltmp0, $3  }
0x1e: {  	[tilespmem:s12+$0x200] =	vst v0  }
0x1f: {  	[tilespmem:s12+$0x210] =	vst v0;
	_ =	sdelay $0x1  }
0x20: {  	s12 =	sshra.s32 s13, $0x2  }
0x21: {  	[tilespmem:s12+$0x230] =	vst v0  }
0x22: {  	[tilespmem:s12+$0x220] =	vst v0  }
0x23: {  	[tilespmem:s12+$0x200] =	vst v0  }
0x24: {  	[tilespmem:s12+$0x210] =	vst v0  }
0x25: {  	[spmem:s5] =	stream.linear.scatter [tilespmem:s19], [sflag:$0x9], $0x2000, $0x38;
	[tilespmem:$0xE000] =	vst v63  }
0x26: {  	_ =	swait.ge [sflag:s20], $0x2000  }
0x27: {  	[sflag:s20] =	ssyncset.done $0x0  }
0x28: {  	[sflag:s20] =	ssyncadd.s32 $0xFFFFE000  }
0x29: {  	[spmem:s6] =	stream.linear.scatter [tilespmem:s19], [sflag:$0x9], $0x2000, $0x38;
	[tilespmem:$0xE000] =	vst v63  }
0x2a: {  	_ =	swait.ge [sflag:s20], $0x2000  }
0x2b: {  	[sflag:s20] =	ssyncset.done $0x0  }
0x2c: {  	[sflag:s20] =	ssyncadd.s32 $0xFFFFE000  }
0x2d: {  	[spmem:s7] =	stream.linear.scatter [tilespmem:s19], [sflag:$0x9], $0x2000, $0x38;
	[tilespmem:$0xE000] =	vst v63  }
0x2e: {  	_ =	swait.ge [sflag:s20], $0x2000  }
0x2f: {  	[sflag:s20] =	ssyncset.done $0x0  }
0x30: {  	[sflag:s20] =	ssyncadd.s32 $0xFFFFE000  }
0x31: {  	[spmem:s8] =	stream.linear.scatter [tilespmem:s19], [sflag:$0x9], $0x2000, $0x38;
	[tilespmem:$0xE000] =	vst v63  }
0x32: {  	_ =	swait.ge [sflag:s20], $0x2000  }
0x33: {  	[sflag:s20] =	ssyncset.done $0x0  }
0x34: {  	[sflag:s20] =	ssyncadd.s32 $0xFFFFE000  }
0x35: {  	[spmem:s9] =	stream.linear.scatter [tilespmem:s19], [sflag:$0x9], $0x1E00, $0x38;
	[tilespmem:$0xE000] =	vst v63  }
0x36: {  	_ =	swait.ge [sflag:s20], $0x1E00  }
0x37: {  	[sflag:s20] =	ssyncset.done $0x0  }
0x38: {  	[sflag:s20] =	ssyncadd.s32 $0xFFFFE200  }
0x39: {  	[bflag:$0x0] =	sbarrier.arrive $0xFFFF  }
0x3a: {  	s10 =	rddreg [dreg:$0x3]  }
0x3b: {  	[tilespmem:s2], [sflag:$0x1] =	stream.linear.gather [hbm4b:s10+s2], $0x100, $0x38;
	[tilespmem:$0xE000] =	vst v63  }
0x3c: {  	_ =	swait.ge [sflag:s21], $0x100  }
0x3d: {  	[sflag:s21] =	ssyncset.done $0x0  }
0x3e: {  	[sflag:s21] =	ssyncadd.s32 $0xFFFFFF00  }
0x3f: {  	[tilespmem:s19], [sflag:$0x3] =	stream.indirect.gather [hbm4b:s4+s22], $0x40, s2, s22, $0xb8;
	[tilespmem:$0xE000] =	vst v63  }
0x40: {  	s12 =	rddreg [dreg:$0x4]  }
0x41: {  	[tilespmem:s23], [sflag:$0x2] =	stream.linear.gather [hbm4b:s12+s2], $0x100, $0x38;
	[tilespmem:$0xE000] =	vst v63  }
0x42: {  	_ =	swait.ge [sflag:s24], $0x100  }
0x43: {  	[sflag:s24] =	ssyncset.done $0x0  }
0x44: {  	[sflag:s24] =	ssyncadd.s32 $0xFFFFFF00  }
0x45: {  	_ =	swait.ge [sflag:s25], $0x2000  }
0x46: {  	[sflag:s25] =	ssyncset.done $0x0  }
0x47: {  	[sflag:s25] =	ssyncadd.s32 $0xFFFFE000  }
0x48: {  	[tilespmem:s26], [sflag:$0x4] =	stream.indirect.gather [hbm4b:s4+s22], $0x40, s23, s22, $0xb8;
	[tilespmem:$0xE000] =	vst v63  }
0x49: {  	_ = 	snop  }
0x4a: {  	[spmem:s1] =	stream.indirect.scatter.add.bf16 [tilespmem:s19], [sflag:$0x5], $0x40, s22, s22, $0xb8;
	[tilespmem:$0xE000] =	vst v63  }
0x4b: {  	_ =	swait.ge [sflag:s28], $0x2000  }
0x4c: {  	s10 =	sadd.s32 $0xFFFFF640, s18;
	[sflag:s28] =	ssyncset.done $0x0  }
0x4d: {  	s13 =	sadd.s32 $0xA00, s10;
	[sflag:s28] =	ssyncadd.s32 $0xFFFFE000  }
0x4e: {  	[tilespmem:s2], [sflag:$0x1] =	stream.linear.gather [hbm4b:s13+s2], $0x100, $0x38;
	[tilespmem:$0xE000] =	vst v63  }
0x4f: {  	_ =	swait.ge [sflag:s29], $0x2000  }
0x50: {  	[sflag:s29] =	ssyncset.done $0x0  }
0x51: {  	[sflag:s29] =	ssyncadd.s32 $0xFFFFE000  }
0x52: {  	[spmem:s1] =	stream.indirect.scatter.add.bf16 [tilespmem:s26], [sflag:$0x6], $0x40, s30, s22, $0xb8;
	[tilespmem:$0xE000] =	vst v63  }
0x53: {  	_ =	swait.ge [sflag:s21], $0x100  }
0x54: {  	[sflag:s21] =	ssyncset.done $0x0  }
0x55: {  	[sflag:s21] =	ssyncadd.s32 $0xFFFFFF00  }
0x56: {  	[tilespmem:s19], [sflag:$0x3] =	stream.indirect.gather [hbm4b:s4+s22], $0x40, s2, s22, $0xb8;
	[tilespmem:$0xE000] =	vst v63  }
0x57: {  	_ =	swait.ge [sflag:s31], $0x2000  }
0x58: {  	[sflag:s31] =	ssyncset.done $0x0  }
0x59: {  	s10 =	sadd.s32 $0xA20, s10;
	s12 =	simm.s32 $0xFFFFF680;
	[sflag:s31] =	ssyncadd.s32 $0xFFFFE000  }
.LBB2_4:
0x5a: {  	[tilespmem:s23], [sflag:$0x2] =	stream.linear.gather [hbm4b:s10+s2], $0x100, $0x38;
	[tilespmem:$0xE000] =	vst v63  }
0x5b: {  	s10 =	smov.u32 s12  }
0x5c: {  	p0 =	sne.s32 s12, $0xFFFFFFC0;
	s12 =	sadd.s32 $0x40, s12;
	_ =	swait.ge [sflag:s24], $0x100  }
0x5d: {  	[sflag:s24] =	ssyncset.done $0x0  }
0x5e: {  	[sflag:s24] =	ssyncadd.s32 $0xFFFFFF00  }
0x5f: {  	_ =	swait.ge [sflag:s25], $0x2000  }
0x60: {  	[sflag:s25] =	ssyncset.done $0x0  }
0x61: {  	[sflag:s25] =	ssyncadd.s32 $0xFFFFE000  }
0x62: {  	[tilespmem:s26], [sflag:$0x4] =	stream.indirect.gather [hbm4b:s4+s22], $0x40, s23, s22, $0xb8;
	[tilespmem:$0xE000] =	vst v63  }
0x63: {  	_ = 	snop  }
0x64: {  	[spmem:s1] =	stream.indirect.scatter.add.bf16 [tilespmem:s19], [sflag:$0x5], $0x40, s22, s22, $0xb8;
	[tilespmem:$0xE000] =	vst v63  }
0x65: {  	_ =	swait.ge [sflag:s28], $0x2000  }
0x66: {  	s10 =	sadd.s32 s10, s18;
	[sflag:s28] =	ssyncset.done $0x0  }
0x67: {  	s13 =	sadd.s32 $0xA00, s10;
	[sflag:s28] =	ssyncadd.s32 $0xFFFFE000  }
0x68: {  	[tilespmem:s2], [sflag:$0x1] =	stream.linear.gather [hbm4b:s13+s2], $0x100, $0x38;
	[tilespmem:$0xE000] =	vst v63  }
0x69: {  	_ =	swait.ge [sflag:s29], $0x2000  }
0x6a: {  	[sflag:s29] =	ssyncset.done $0x0  }
0x6b: {  	[sflag:s29] =	ssyncadd.s32 $0xFFFFE000  }
0x6c: {  	[spmem:s1] =	stream.indirect.scatter.add.bf16 [tilespmem:s26], [sflag:$0x6], $0x40, s30, s22, $0xb8;
	[tilespmem:$0xE000] =	vst v63  }
0x6d: {  	_ =	swait.ge [sflag:s21], $0x100  }
0x6e: {  	[sflag:s21] =	ssyncset.done $0x0  }
.Ltmp1:
0x6f: {  	[sflag:s21] =	ssyncadd.s32 $0xFFFFFF00;
	(pc) =	sbr.rel @p0 .LBB2_4-.Ltmp1, $4  }
0x70: {  	[tilespmem:s19], [sflag:$0x3] =	stream.indirect.gather [hbm4b:s4+s22], $0x40, s2, s22, $0xb8;
	[tilespmem:$0xE000] =	vst v63  }
0x71: {  	_ =	swait.ge [sflag:s31], $0x2000  }
0x72: {  	[sflag:s31] =	ssyncset.done $0x0  }
0x73: {  	s10 =	sadd.s32 $0xA20, s10;
	[sflag:s31] =	ssyncadd.s32 $0xFFFFE000  }
0x74: {  	[tilespmem:s23], [sflag:$0x2] =	stream.linear.gather [hbm4b:s10+s2], $0x100, $0x38;
	[tilespmem:$0xE000] =	vst v63  }
0x75: {  	_ =	swait.ge [sflag:s24], $0x100  }
0x76: {  	[sflag:s24] =	ssyncset.done $0x0  }
0x77: {  	[sflag:s24] =	ssyncadd.s32 $0xFFFFFF00  }
0x78: {  	_ =	swait.ge [sflag:s25], $0x2000  }
0x79: {  	[sflag:s25] =	ssyncset.done $0x0  }
0x7a: {  	[sflag:s25] =	ssyncadd.s32 $0xFFFFE000  }
0x7b: {  	[tilespmem:s26], [sflag:$0x4] =	stream.indirect.gather [hbm4b:s4+s22], $0x40, s23, s22, $0xb8;
	[tilespmem:$0xE000] =	vst v63  }
0x7c: {  	_ = 	snop  }
0x7d: {  	[spmem:s1] =	stream.indirect.scatter.add.bf16 [tilespmem:s19], [sflag:$0x5], $0x40, s22, s22, $0xb8;
	[tilespmem:$0xE000] =	vst v63  }
0x7e: {  	_ =	swait.ge [sflag:s28], $0x2000  }
0x7f: {  	[sflag:s28] =	ssyncset.done $0x0  }
0x80: {  	[sflag:s28] =	ssyncadd.s32 $0xFFFFE000  }
0x81: {  	_ =	swait.ge [sflag:s29], $0x2000  }
0x82: {  	[sflag:s29] =	ssyncset.done $0x0  }
0x83: {  	[sflag:s29] =	ssyncadd.s32 $0xFFFFE000  }
0x84: {  	[spmem:s1] =	stream.indirect.scatter.add.bf16 [tilespmem:s26], [sflag:$0x6], $0x40, s30, s22, $0xb8;
	[tilespmem:$0xE000] =	vst v63  }
0x85: {  	_ =	swait.ge [sflag:s31], $0x2000  }
0x86: {  	[sflag:s31] =	ssyncset.done $0x0  }
0x87: {  	[sflag:s31] =	ssyncadd.s32 $0xFFFFE000  }
0x88: {  	[bflag:$0x0] =	sbarrier.arrive $0xFFFF  }
0x89: {  	[tilespmem:s19], [sflag:$0x9] =	stream.linear.gather [spmem:s5], $0x2000, $0x38;
	[tilespmem:$0xE000] =	vst v63  }
0x8a: {  	_ =	swait.ge [sflag:s20], $0x2000  }
0x8b: {  	[sflag:s20] =	ssyncset.done $0x0  }
0x8c: {  	s12 =	rddreg [dreg:$0x5];
	[sflag:s20] =	ssyncadd.s32 $0xFFFFE000  }
0x8d: {  	[hbm4b:s12+s2] =	stream.linear.scatter [tilespmem:s19], [sflag:$0x7], $0x2000, $0x38;
	[tilespmem:$0xE000] =	vst v63  }
0x8e: {  	_ = 	snop  }
0x8f: {  	[tilespmem:s26], [sflag:$0x9] =	stream.linear.gather [spmem:s6], $0x2000, $0x38;
	[tilespmem:$0xE000] =	vst v63  }
0x90: {  	_ =	swait.ge [sflag:s20], $0x2000  }
0x91: {  	[sflag:s20] =	ssyncset.done $0x0  }
0x92: {  	s13 =	rddreg [dreg:$0x6];
	[sflag:s20] =	ssyncadd.s32 $0xFFFFE000  }
0x93: {  	[hbm4b:s13+s2] =	stream.linear.scatter [tilespmem:s26], [sflag:$0x8], $0x2000, $0x38;
	[tilespmem:$0xE000] =	vst v63  }
0x94: {  	_ =	swait.ge [sflag:s0], $0x2000  }
0x95: {  	[sflag:s0] =	ssyncset.done $0x0  }
0x96: {  	[sflag:s0] =	ssyncadd.s32 $0xFFFFE000  }
0x97: {  	[tilespmem:s19], [sflag:$0x9] =	stream.linear.gather [spmem:s7], $0x2000, $0x38;
	[tilespmem:$0xE000] =	vst v63  }
0x98: {  	_ =	swait.ge [sflag:s20], $0x2000  }
0x99: {  	[sflag:s20] =	ssyncset.done $0x0  }
0x9a: {  	[sflag:s20] =	ssyncadd.s32 $0xFFFFE000  }
0x9b: {  	[hbm4b:s14+s2] =	stream.linear.scatter [tilespmem:s19], [sflag:$0x7], $0x2000, $0x38;
	[tilespmem:$0xE000] =	vst v63  }
0x9c: {  	_ =	swait.ge [sflag:s3], $0x2000  }
0x9d: {  	[sflag:s3] =	ssyncset.done $0x0  }
0x9e: {  	[sflag:s3] =	ssyncadd.s32 $0xFFFFE000  }
0x9f: {  	[tilespmem:s26], [sflag:$0x9] =	stream.linear.gather [spmem:s8], $0x2000, $0x38;
	[tilespmem:$0xE000] =	vst v63  }
0xa0: {  	_ =	swait.ge [sflag:s20], $0x2000  }
0xa1: {  	[sflag:s20] =	ssyncset.done $0x0  }
0xa2: {  	[sflag:s20] =	ssyncadd.s32 $0xFFFFE000  }
0xa3: {  	[hbm4b:s15+s2] =	stream.linear.scatter [tilespmem:s26], [sflag:$0x8], $0x2000, $0x38;
	[tilespmem:$0xE000] =	vst v63  }
0xa4: {  	_ =	swait.ge [sflag:s0], $0x2000  }
0xa5: {  	[sflag:s0] =	ssyncset.done $0x0  }
0xa6: {  	[sflag:s0] =	ssyncadd.s32 $0xFFFFE000  }
0xa7: {  	[tilespmem:s19], [sflag:$0x9] =	stream.linear.gather [spmem:s9], $0x1E00, $0x38;
	[tilespmem:$0xE000] =	vst v63  }
0xa8: {  	_ =	swait.ge [sflag:s20], $0x1E00  }
0xa9: {  	[sflag:s20] =	ssyncset.done $0x0  }
0xaa: {  	s11 =	sadd.s32 $0x1, s11;
	[sflag:s20] =	ssyncadd.s32 $0xFFFFE200  }
0xab: {  	[hbm4b:s16+s2] =	stream.linear.scatter [tilespmem:s19], [sflag:$0x7], $0x1E00, $0x38;
	[tilespmem:$0xE000] =	vst v63  }
0xac: {  	p0 =	sne.s32 s11, s17;
	_ =	swait.ge [sflag:s3], $0x2000  }
.Ltmp2:
0xad: {  	[sflag:s3] =	ssyncset.done $0x0;
	(pc) =	sbr.rel @p0 .LBB2_1-.Ltmp2, $4  }
0xae: {  	[sflag:s3] =	ssyncadd.s32 $0xFFFFE000  }
0xaf: {  	_ =	swait.ge [sflag:s0], $0x1E00  }
0xb0: {  	[sflag:s0] =	ssyncset.done $0x0  }
0xb1: {  	[sflag:s0] =	ssyncadd.s32 $0xFFFFE200  }
0xb2: {  	_ =	sfence.sel $0x180000  }
0xb3: {  	[bflag:$0x0] =	sbarrier.arrive $0xFFFF  }
0xb4: {  	_ =	strace $0x9000004A  }
0xb5: {  	s0 =	stileid.u32;
	[bflag:$0x2] =	sbarrier.arrive $0xFFFF  }
0xb6: {  	p0 =	sne.s32 s0, $0x0;
	s0 =	rddreg [dreg:$0x2]  }
0xb7: {  	s0 =	sadd.s32 @!p0 $0x100000, s0  }
0xb8: {  	[sflag:s0] =	ssyncadd.tile.s32 @!p0 $0x1;
	_ =	shalt  }
.Lfunc_end2:
_tile_overlayer_lowered:
.L_overlay_start_2:
0xb9: {  	(tag) =	ssettag $0x2  }
0xba: {  	s0 =	rddreg [dreg:$0x0];
	s2 =	stileid.u32  }
0xbb: {  	s1 =	rddreg [dreg:$0x1];
	p0 =	sne.s32 s2, $0x0  }
0xbc: {  	s3 =	rddreg [dreg:$0x2];
	[bflag:$0x3] =	sbarrier.arrive $0xFFFF;
	s2 =	simm.s32 @!p0 $0x1C09  }
0xbd: {  	[timem:s3], [sflag:s2] =	dma.local @!p0 [hbm:s0], s1  }
0xbe: {  	s0 =	simm.s32 @!p0 $0x9  }
0xbf: {  	_ =	swait.ge @!p0 [sflag:s0], s1  }
0xc0: {  	s1 =	ssub.s32 @!p0 $0x0, s1;
	[sflag:s0] =	ssyncset.done @!p0 $0x0  }
0xc1: {  	[sflag:s0] =	ssyncadd.s32 @!p0 s1  }
0xc2: {  	[bflag:$0x3] =	sbarrier.arrive $0xFFFF  }
0xc3: {  	_ =	shalt  }

// kernel: kernel.14.cloned.1.call-start
scs
__scs_entry_jumppad:
0x0: {  	(pc) =	sbr.rel $0x88, $3  }
0x1: {  	(tag) =	ssettag $0x0;
	lr =	simm.s32 $0x1  }
0x2: {  	[smem:$0x3F9B] =	sst lr;
	_ =	strace $0xD0000000  }
0x3: {  	_ = 	snop  }
0x4: {  	_ = 	snop  }
0x5: {  	_ = 	snop  }
0x6: {  	_ = 	snop  }
0x7: {  	_ = 	snop  }
__scs_overlays_trampoline_lowered:
0x8: {  	[smem:$0x3FAA] =	sst s0  }
0x9: {  	[smem:$0x3FAB] =	sst s1  }
0xa: {  	[smem:$0x3FAC] =	sst s2  }
0xb: {  	[smem:$0x3FAD] =	sst s3  }
0xc: {  	[smem:$0x3FAE] =	sst s4  }
0xd: {  	[smem:$0x3FAF] =	sst s5  }
0xe: {  	[smem:$0x3FB0] =	sst s6  }
0xf: {  	[smem:$0x3FB1] =	sst s7  }
0x10: {  	[smem:$0x3FB2] =	sst s8  }
0x11: {  	[smem:$0x3FB3] =	sst s9;
	s0 =	simm.s32 @!p0 $0x0  }
0x12: {  	s1 =	sld [smem:$0x3F99];
	s0 =	simm.s32 @p0 $0x1  }
0x13: {  	[smem:$0x3FB4] =	sst s0;
	s0 =	simm.s32 @!p1 $0x0  }
0x14: {  	s2 =	sld [smem:$0x3F98];
	s0 =	simm.s32 @p1 $0x1  }
0x15: {  	[smem:$0x3FB5] =	sst s0;
	s0 =	simm.s32 @!p2 $0x0  }
0x16: {  	s3 =	sld [smem:$0x3FDB];
	s0 =	simm.s32 @p2 $0x1  }
0x17: {  	s4 =	simm.s32 $0x1BF5;
	[smem:$0x3FB7] =	sst s0  }
0x18: {  	s0 =	sld [smem:$0x3F9A];
	_ =	swait.ge [sflag:s4], $0x0  }
0x19: {  	s7 =	sld [smem:$0x3F9B]  }
0x1a: {  	s8 =	sadd.s32 $0xFFFFE003, lr  }
0x1b: {  	s9 =	sadd.s32 $0xFFFFFEF7, lr;
	s5 =	simm.s32 $0xFFFFFFFF;
	p2 =	slt.u32 s8, $0xFFFFF086  }
0x1c: {  	p1 =	slt.u32 s9, $0xF7A;
	s5 =	simm.s32 @!p2 $0x0  }
0x1d: {  	s5 =	simm.s32 @p1 $0x1;
	p0 =	seq.s32 s7, s2  }
0x1e: {  	s7 =	smul.u32 @!p0 $0xF7A, s2;
	p2 =	seq.s32 @!p0 s5, $0x0  }
0x1f: {  	s9 =	smul.u32 $0xF7A, s1;
	s8 =	simm.s32 @!p0 $0x1BF5;
	p2 =	por !p2, p0  }
0x20: {  	[sflag:s8] =	ssyncset.s32 @!p0 $0xFFFFF086;
	s6 =	sadd.s32 @!p0 s3, s7;
	s7 =	simm.s32 @!p0 $0x108  }
0x21: {  	s3 =	sadd.s32 s3, s9;
	s6 =	sadd.s32 @!p0 $0x88, s6;
	s7 =	simm.s32 @p2 $0x1082  }
0x22: {  	[simem:s7], [sflag:s8] =	dma.local @!p0 [hbm:s6], $0xF7A  }
0x23: {  	s9 =	sor.u32 $0xD0000000, s2;
	s6 =	simm.s32 $0x108;
	_ =	swait.ge @!p0 [sflag:s8], $0x0  }
0x24: {  	s3 =	sadd.s32 $0x88, s3;
	s6 =	simm.s32 @!p1 $0x1082;
	[sflag:s4] =	ssyncset.s32 $0xFFFFF086  }
0x25: {  	[simem:s6], [sflag:s4] =	dma.local [hbm:s3], $0xF7A  }
0x26: {  	[smem:$0x3F9B] =	sst s1;
	(tag) =	ssettag s2;
	_ =	strace s9  }
0x27: {  	s1 =	sld [smem:$0x3FAB]  }
0x28: {  	s2 =	sld [smem:$0x3FAC]  }
0x29: {  	s4 =	sld [smem:$0x3FAE]  }
0x2a: {  	p0 =	seq.s32 s5, $0x0;
	s5 =	sld [smem:$0x3FAF]  }
0x2b: {  	s6 =	sld [smem:$0x3FB0]  }
0x2c: {  	s7 =	sld [smem:$0x3FB1]  }
0x2d: {  	s3 =	simm.s32 $0x108;
	s8 =	sld [smem:$0x3FB2]  }
0x2e: {  	s3 =	simm.s32 @!p0 $0x1082;
	s9 =	sld [smem:$0x3FB3]  }
0x2f: {  	lr =	sadd.s32 s0, s3;
	s0 =	sld [smem:$0x3FAA]  }
0x30: {  	s3 =	sld [smem:$0x3FAD]  }
0x31: {  	[smem:$0x3FB6] =	sst s10  }
0x32: {  	s10 =	sld [smem:$0x3FB4];
	_ =	sdelay $0x3  }
0x33: {  	p0 =	seq.s32 s10, $0x1;
	s10 =	sld [smem:$0x3FB6];
	_ =	sdelay $0x3  }
0x34: {  	[smem:$0x3FB6] =	sst s10  }
0x35: {  	s10 =	sld [smem:$0x3FB5];
	_ =	sdelay $0x3  }
0x36: {  	p1 =	seq.s32 s10, $0x1;
	s10 =	sld [smem:$0x3FB6];
	_ =	sdelay $0x3  }
0x37: {  	[smem:$0x3FB6] =	sst s10  }
0x38: {  	s10 =	sld [smem:$0x3FB7]  }
0x39: {  	_ = 	snop;
	(pc) =	sbr.ind lr, $3  }
0x3a: {  	_ = 	snop  }
0x3b: {  	_ = 	snop  }
0x3c: {  	p2 =	seq.s32 s10, $0x1;
	s10 =	sld [smem:$0x3FB6]  }
0x3d: {  	_ =	shalt  }
0x3e: {  	_ =	shalt  }
0x3f: {  	_ =	shalt  }
0x40: {  	_ =	shalt  }
0x41: {  	_ =	shalt  }
0x42: {  	_ =	shalt  }
0x43: {  	_ =	shalt  }
0x44: {  	_ =	shalt  }
0x45: {  	_ =	shalt  }
0x46: {  	_ =	shalt  }
0x47: {  	_ =	shalt  }
0x48: {  	_ =	shalt  }
0x49: {  	_ =	shalt  }
0x4a: {  	_ =	shalt  }
0x4b: {  	_ =	shalt  }
0x4c: {  	_ =	shalt  }
0x4d: {  	_ =	shalt  }
0x4e: {  	_ =	shalt  }
0x4f: {  	_ =	shalt  }
0x50: {  	_ =	shalt  }
0x51: {  	_ =	shalt  }
0x52: {  	_ =	shalt  }
0x53: {  	_ =	shalt  }
0x54: {  	_ =	shalt  }
0x55: {  	_ =	shalt  }
0x56: {  	_ =	shalt  }
0x57: {  	_ =	shalt  }
0x58: {  	_ =	shalt  }
0x59: {  	_ =	shalt  }
0x5a: {  	_ =	shalt  }
0x5b: {  	_ =	shalt  }
0x5c: {  	_ =	shalt  }
0x5d: {  	_ =	shalt  }
0x5e: {  	_ =	shalt  }
0x5f: {  	_ =	shalt  }
0x60: {  	_ =	shalt  }
0x61: {  	_ =	shalt  }
0x62: {  	_ =	shalt  }
0x63: {  	_ =	shalt  }
0x64: {  	_ =	shalt  }
0x65: {  	_ =	shalt  }
0x66: {  	_ =	shalt  }
0x67: {  	_ =	shalt  }
0x68: {  	_ =	shalt  }
0x69: {  	_ =	shalt  }
0x6a: {  	_ =	shalt  }
0x6b: {  	_ =	shalt  }
0x6c: {  	_ =	shalt  }
0x6d: {  	_ =	shalt  }
0x6e: {  	_ =	shalt  }
0x6f: {  	_ =	shalt  }
0x70: {  	_ =	shalt  }
0x71: {  	_ =	shalt  }
0x72: {  	_ =	shalt  }
0x73: {  	_ =	shalt  }
0x74: {  	_ =	shalt  }
0x75: {  	_ =	shalt  }
0x76: {  	_ =	shalt  }
0x77: {  	_ =	shalt  }
0x78: {  	_ =	shalt  }
0x79: {  	_ =	shalt  }
0x7a: {  	_ =	shalt  }
0x7b: {  	_ =	shalt  }
0x7c: {  	_ =	shalt  }
0x7d: {  	_ =	shalt  }
0x7e: {  	_ =	shalt  }
0x7f: {  	_ =	shalt  }
0x80: {  	_ =	shalt  }
0x81: {  	_ =	shalt  }
0x82: {  	_ =	shalt  }
0x83: {  	_ =	shalt  }
0x84: {  	_ =	shalt  }
0x85: {  	_ =	shalt  }
0x86: {  	_ =	shalt  }
0x87: {  	_ =	shalt  }
.Lfunc_end0:
.L_simem_size_0:
called_computation.2_lowered:
.L_overlay_start_0:
0x88: {  	s2 =	sld [smem:$0x3FD9]  }
0x89: {  	s3 =	sld [smem:$0x3FFE];
	_ =	sdelay $0x1  }
0x8a: {  	s1 =	srdreg.scid  }
0x8b: {  	s0 =	sand.u32 $0x1, s1  }
0x8c: {  	s17 =	sshll.u32 s0, $0xA;
	s2 =	sadd.s32 s3, s2  }
0x8d: {  	s2 =	sadd.s32 s2, s17  }
0x8e: {  	[smem:$0x3FC2] =	sst s2  }
0x8f: {  	_ = 	snop  }
0x90: {  	s2 =	sld [smem:$0x3FD0];
	(tm) =	ssettm $0x1  }
0x91: {  	s18 =	sld [smem:$0x3FFB];
	_ =	sdelay $0x3  }
0x92: {  	_ =	strace s18  }
0x93: {  	s3 =	sld [smem:$0x3FFC];
	_ =	sdelay $0x3  }
0x94: {  	_ =	strace s3  }
0x95: {  	s3 =	sld [smem:$0x3FFD];
	_ =	sdelay $0x3  }
0x96: {  	_ =	strace s3  }
0x97: {  	_ =	strace $0x8FFFFFFF  }
0x98: {  	s19 =	sld [smem:$0x3FDB];
	_ =	sdelay $0x1  }
0x99: {  	s4 =	simm.s32 $_scs_section_size  }
0x9a: {  	s5 =	simm.s32 $_size__tile_overlayer_lowered;
	s6 =	simm.s32 $_tile_overlayer_lowered  }
0x9b: {  	s22 =	simm.s32 $0x1BFF;
	s21 =	sshll.u32 s6, $0x1;
	s3 =	sadd.s32 s4, s19  }
0x9c: {  	s7 =	simm.s32 $0x0;
	s20 =	sshll.u32 s5, $0x1;
	s5 =	sadd.s32 s21, s3  }
0x9d: {  	[timem:s7], [sflag:s22] =	dma.local [hbm:s5], s20  }
0x9e: {  	_ =	swait.ge [sflag:s22], s20  }
0x9f: {  	s4 =	ssub.s32 $0x0, s20;
	[sflag:s22] =	ssyncset.done $0x0  }
0xa0: {  	[sflag:s22] =	ssyncadd.s32 s4;
	_ =	sdelay $0x1  }
0xa1: {  	s23 =	simm.s32 $0x1B8B  }
0xa2: {  	_ =	swait.ge [sflag:s23], $0x1  }
0xa3: {  	[sflag:s23] =	ssyncset.done $0x0  }
0xa4: {  	s25 =	simm.s32 $0x1B8E;
	s24 =	sld [smem:$0x3FFE];
	[sflag:s23] =	ssyncadd.s32 $0xFFFFFFFF  }
0xa5: {  	s26 =	simm.s32 $execute0_lowered;
	[smem:$0x3FD2] =	sst s25  }
0xa6: {  	s5 =	sshll.u32 s26, $0x1;
	_ =	strace $0x8000004C;
	[dreg:$0x1] =	wrdreg $0xFFFFFFFF  }
0xa7: {  	s28 =	simm.s32 $_size_execute0_lowered;
	s3 =	sadd.s32 s3, s5;
	[dreg:$0x0] =	wrdreg $0x0  }
0xa8: {  	s5 =	sshll.u32 s28, $0x1;
	[dreg:$0x2] =	wrdreg s3  }
0xa9: {  	[dreg:$0x3] =	wrdreg s5  }
0xaa: {  	[dreg:$0x4] =	wrdreg $0xC0  }
0xab: {  	_ =	task [dreg:s7], $0x5FFFF  }
0xac: {  	[dreg:$0x1] =	wrdreg $0xFFFFFFFF  }
0xad: {  	[dreg:$0x0] =	wrdreg $0x60  }
0xae: {  	[dreg:$0x2] =	wrdreg s2  }
0xaf: {  	[dreg:$0x3] =	wrdreg s24  }
0xb0: {  	[dreg:$0x4] =	wrdreg $0x42000  }
0xb1: {  	[dreg:$0x5] =	wrdreg $0x9  }
0xb2: {  	_ =	task.clear_ibuf [dreg:s7], $0x6FFFF;
	_ =	strace $0x9000004C  }
0xb3: {  	s29 =	simm.s32 $0x9;
	_ =	strace $0x8000004E  }
0xb4: {  	_ =	swait.ge [sflag:s29], $0x1  }
0xb5: {  	[sflag:s29] =	ssyncadd.s32 $0xFFFFFFFF  }
0xb6: {  	_ =	strace $0x9000004E  }
0xb7: {  	_ =	sfence  }
0xb8: {  	s30 =	sld [smem:$0x0];
	_ =	sdelay $0x2  }
0xb9: {  	s31 =	sshll.u32 s1, $0xD;
	s1 =	sshrl.u32 s1, $0x2  }
0xba: {  	s3 =	sand.u32 $0x4000, s31;
	s1 =	sadd.s32 s1, s30  }
0xbb: {  	s0 =	sor.u32 s3, s0;
	s1 =	sshll.u32 s1, $0x11  }
0xbc: {  	s0 =	sor.u32 s1, s0  }
0xbd: {  	s0 =	sadd.s32 $0x8F2B, s0  }
0xbe: {  	[sflag:s0] =	ssyncadd.remote.s32 $0x1  }
0xbf: {  	_ =	sfence.sel $0xFFFF  }
0xc0: {  	[dreg:$0x0] =	wrdreg $0xFFFFFFFF;
	(pc) =	sbr.abs _section_cstart, $3  }
0xc1: {  	[dreg:$0x1] =	wrdreg $0xFFFFFFFF  }
0xc2: {  	_ =	task.clear_ibuf [dreg:s7], $0x2FFFF;
	_ =	strace $0x9FFFFFFF  }
0xc3: {  	(tm) =	ssettm $0x7FFFFFFF  }
tec
execute0_lowered:
.L_overlay_start_1:
0x0: {  	(tag) =	ssettag $0x1  }
0x1: {  	s0 =	rddreg [dreg:$0x0]  }
0x2: {  	s3 =	rddreg [dreg:$0x1]  }
0x3: {  	s1 =	rddreg [dreg:$0x2];
	s2 =	simm.s32 $0x0;
	s4 =	srdreg.scid  }
0x4: {  	s19 =	stileid.u32;
	s28 =	simm.s32 $0x5;
	s29 =	simm.s32 $0x4  }
0x5: {  	s30 =	simm.s32 $0x180;
	s31 =	simm.s32 $0x6;
	[smem:$0x7FF] =	sst s2  }
0x6: {  	s10 =	sand.u32 $0x1, s4;
	s4 =	sadd.s32 $0x2A600, s3;
	s11 =	smul.u32 $0x13C00, s19  }
0x7: {  	s3 =	sadd.s32 $0x3E600, s3;
	s25 =	smul.u32 $0xA00, s19;
	s5 =	ssub.s32 $0x2, s10  }
0x8: {  	_ =	strace $0x8000004D;
	s17 =	sshll.u32 s10, $0x4;
	s6 =	sshrl.u32 s5, $0x1  }
0x9: {  	s8 =	sor.u32 s19, s17;
	s13 =	sadd.s32 $0x4000, s11;
	s14 =	sadd.s32 $0x8000, s11  }
0xa: {  	s18 =	sshrl.u32 s11, $0x1;
	s15 =	sadd.s32 $0xC000, s11;
	s16 =	sadd.s32 $0x10000, s11  }
0xb: {  	s19 =	simm.s32 $0x200;
	s12 =	ssub.s32 s5, s6;
	s20 =	sshrl.u32 s13, $0x1  }
0xc: {  	s7 =	sshrl.u32 s14, $0x1;
	s5 =	sadd.s32 s18, s1;
	s17 =	smul.u32 $0xA00, s8  }
0xd: {  	s21 =	sshrl.u32 s15, $0x1;
	s9 =	sshrl.u32 s16, $0x1;
	s18 =	smul.u32 $0x140000, s10  }
0xe: {  	s10 =	smul.u32 $0xA000, s10;
	s6 =	sadd.s32 s20, s1;
	s7 =	sadd.s32 s7, s1  }
0xf: {  	s8 =	sadd.s32 s21, s1;
	s9 =	sadd.s32 s9, s1;
	s20 =	simm.s32 $0x9  }
0x10: {  	s21 =	simm.s32 $0x1;
	s17 =	sadd.s32 s0, s17;
	s11 =	sadd.s32 s11, s18  }
0x11: {  	s13 =	sadd.s32 s18, s13;
	s14 =	sadd.s32 s18, s14;
	s24 =	sadd.s32 s18, s15  }
0x12: {  	s16 =	sadd.s32 s18, s16;
	s0 =	sadd.s32 s10, s0;
	[dreg:$0x4] =	wrdreg s17  }
0x13: {  	s17 =	sadd.s32 $0x20, s17;
	s11 =	sshrl.u32 s11, $0x4;
	s13 =	sshrl.u32 s13, $0x4  }
0x14: {  	s23 =	sshrl.u32 s14, $0x4;
	s26 =	sshrl.u32 s16, $0x4;
	s18 =	sadd.s32 s25, s0  }
0x15: {  	s25 =	simm.s32 $0x3;
	s0 =	simm.s32 $0x7;
	[dreg:$0x5] =	wrdreg s17  }
0x16: {  	s11 =	sadd.s32 s3, s11;
	s22 =	sadd.s32 s3, s13;
	s14 =	sadd.s32 s3, s23  }
0x17: {  	s16 =	sadd.s32 s3, s26;
	s17 =	smax.u32 s12, $0x1;
	[dreg:$0x6] =	wrdreg s11  }
0x18: {  	s23 =	simm.s32 $0x100;
	s26 =	simm.s32 $0x2200;
	[dreg:$0x7] =	wrdreg s22  }
0x19: {  	s11 =	sshrl.u32 s24, $0x4;
	s22 =	simm.s32 $0x80;
	s24 =	simm.s32 $0x2  }
0x1a: {  	v0 =	vimm.bf16 $0.0e+00;
	s15 =	sadd.s32 s3, s11;
	s3 =	simm.s32 $0x8;
	s11 =	simm.s32 $0x0  }
.LBB2_1:
0x1b: {  	s10 =	simm.s32 $0x100;
	s12 =	simm.s32 $0x0  }
.LBB2_2:
0x1c: {  	p0 =	sne.s32 s10, $0x7F00;
	[tilespmem:s12+$0x230] =	vst v0;
	s13 =	smov.u32 s10;
	s10 =	sadd.s32 $0x100, s10  }
.Ltmp0:
0x1d: {  	[tilespmem:s12+$0x220] =	vst v0;
	(pc) =	sbr.rel @p0 .LBB2_2-.Ltmp0, $3  }
0x1e: {  	[tilespmem:s12+$0x200] =	vst v0  }
0x1f: {  	[tilespmem:s12+$0x210] =	vst v0;
	_ =	sdelay $0x1  }
0x20: {  	s12 =	sshra.s32 s13, $0x2  }
0x21: {  	[tilespmem:s12+$0x230] =	vst v0  }
0x22: {  	[tilespmem:s12+$0x220] =	vst v0  }
0x23: {  	[tilespmem:s12+$0x200] =	vst v0  }
0x24: {  	[tilespmem:s12+$0x210] =	vst v0  }
0x25: {  	[spmem:s5] =	stream.linear.scatter [tilespmem:s19], [sflag:$0x9], $0x2000, $0x38;
	[tilespmem:$0xE000] =	vst v63  }
0x26: {  	_ =	swait.ge [sflag:s20], $0x2000  }
0x27: {  	[sflag:s20] =	ssyncset.done $0x0  }
0x28: {  	[sflag:s20] =	ssyncadd.s32 $0xFFFFE000  }
0x29: {  	[spmem:s6] =	stream.linear.scatter [tilespmem:s19], [sflag:$0x9], $0x2000, $0x38;
	[tilespmem:$0xE000] =	vst v63  }
0x2a: {  	_ =	swait.ge [sflag:s20], $0x2000  }
0x2b: {  	[sflag:s20] =	ssyncset.done $0x0  }
0x2c: {  	[sflag:s20] =	ssyncadd.s32 $0xFFFFE000  }
0x2d: {  	[spmem:s7] =	stream.linear.scatter [tilespmem:s19], [sflag:$0x9], $0x2000, $0x38;
	[tilespmem:$0xE000] =	vst v63  }
0x2e: {  	_ =	swait.ge [sflag:s20], $0x2000  }
0x2f: {  	[sflag:s20] =	ssyncset.done $0x0  }
0x30: {  	[sflag:s20] =	ssyncadd.s32 $0xFFFFE000  }
0x31: {  	[spmem:s8] =	stream.linear.scatter [tilespmem:s19], [sflag:$0x9], $0x2000, $0x38;
	[tilespmem:$0xE000] =	vst v63  }
0x32: {  	_ =	swait.ge [sflag:s20], $0x2000  }
0x33: {  	[sflag:s20] =	ssyncset.done $0x0  }
0x34: {  	[sflag:s20] =	ssyncadd.s32 $0xFFFFE000  }
0x35: {  	[spmem:s9] =	stream.linear.scatter [tilespmem:s19], [sflag:$0x9], $0x1E00, $0x38;
	[tilespmem:$0xE000] =	vst v63  }
0x36: {  	_ =	swait.ge [sflag:s20], $0x1E00  }
0x37: {  	[sflag:s20] =	ssyncset.done $0x0  }
0x38: {  	[sflag:s20] =	ssyncadd.s32 $0xFFFFE200  }
0x39: {  	[bflag:$0x0] =	sbarrier.arrive $0xFFFF  }
0x3a: {  	s10 =	rddreg [dreg:$0x4]  }
0x3b: {  	[tilespmem:s2], [sflag:$0x1] =	stream.linear.gather [hbm4b:s10+s2], $0x100, $0x38;
	[tilespmem:$0xE000] =	vst v63  }
0x3c: {  	_ =	swait.ge [sflag:s21], $0x100  }
0x3d: {  	[sflag:s21] =	ssyncset.done $0x0  }
0x3e: {  	[sflag:s21] =	ssyncadd.s32 $0xFFFFFF00  }
0x3f: {  	[tilespmem:s19], [sflag:$0x3] =	stream.indirect.gather [hbm4b:s4+s22], $0x40, s2, s22, $0xb8;
	[tilespmem:$0xE000] =	vst v63  }
0x40: {  	s12 =	rddreg [dreg:$0x5]  }
0x41: {  	[tilespmem:s23], [sflag:$0x2] =	stream.linear.gather [hbm4b:s12+s2], $0x100, $0x38;
	[tilespmem:$0xE000] =	vst v63  }
0x42: {  	_ =	swait.ge [sflag:s24], $0x100  }
0x43: {  	[sflag:s24] =	ssyncset.done $0x0  }
0x44: {  	[sflag:s24] =	ssyncadd.s32 $0xFFFFFF00  }
0x45: {  	_ =	swait.ge [sflag:s25], $0x2000  }
0x46: {  	[sflag:s25] =	ssyncset.done $0x0  }
0x47: {  	[sflag:s25] =	ssyncadd.s32 $0xFFFFE000  }
0x48: {  	[tilespmem:s26], [sflag:$0x4] =	stream.indirect.gather [hbm4b:s4+s22], $0x40, s23, s22, $0xb8;
	[tilespmem:$0xE000] =	vst v63  }
0x49: {  	_ = 	snop  }
0x4a: {  	[spmem:s1] =	stream.indirect.scatter.add.bf16 [tilespmem:s19], [sflag:$0x5], $0x40, s22, s22, $0xb8;
	[tilespmem:$0xE000] =	vst v63  }
0x4b: {  	_ =	swait.ge [sflag:s28], $0x2000  }
0x4c: {  	s10 =	sadd.s32 $0xFFFFF640, s18;
	[sflag:s28] =	ssyncset.done $0x0  }
0x4d: {  	s13 =	sadd.s32 $0xA00, s10;
	[sflag:s28] =	ssyncadd.s32 $0xFFFFE000  }
0x4e: {  	[tilespmem:s2], [sflag:$0x1] =	stream.linear.gather [hbm4b:s13+s2], $0x100, $0x38;
	[tilespmem:$0xE000] =	vst v63  }
0x4f: {  	_ =	swait.ge [sflag:s29], $0x2000  }
0x50: {  	[sflag:s29] =	ssyncset.done $0x0  }
0x51: {  	[sflag:s29] =	ssyncadd.s32 $0xFFFFE000  }
0x52: {  	[spmem:s1] =	stream.indirect.scatter.add.bf16 [tilespmem:s26], [sflag:$0x6], $0x40, s30, s22, $0xb8;
	[tilespmem:$0xE000] =	vst v63  }
0x53: {  	_ =	swait.ge [sflag:s21], $0x100  }
0x54: {  	[sflag:s21] =	ssyncset.done $0x0  }
0x55: {  	[sflag:s21] =	ssyncadd.s32 $0xFFFFFF00  }
0x56: {  	[tilespmem:s19], [sflag:$0x3] =	stream.indirect.gather [hbm4b:s4+s22], $0x40, s2, s22, $0xb8;
	[tilespmem:$0xE000] =	vst v63  }
0x57: {  	_ =	swait.ge [sflag:s31], $0x2000  }
0x58: {  	[sflag:s31] =	ssyncset.done $0x0  }
0x59: {  	s10 =	sadd.s32 $0xA20, s10;
	s12 =	simm.s32 $0xFFFFF680;
	[sflag:s31] =	ssyncadd.s32 $0xFFFFE000  }
.LBB2_4:
0x5a: {  	[tilespmem:s23], [sflag:$0x2] =	stream.linear.gather [hbm4b:s10+s2], $0x100, $0x38;
	[tilespmem:$0xE000] =	vst v63  }
0x5b: {  	s10 =	smov.u32 s12  }
0x5c: {  	p0 =	sne.s32 s12, $0xFFFFFFC0;
	s12 =	sadd.s32 $0x40, s12;
	_ =	swait.ge [sflag:s24], $0x100  }
0x5d: {  	[sflag:s24] =	ssyncset.done $0x0  }
0x5e: {  	[sflag:s24] =	ssyncadd.s32 $0xFFFFFF00  }
0x5f: {  	_ =	swait.ge [sflag:s25], $0x2000  }
0x60: {  	[sflag:s25] =	ssyncset.done $0x0  }
0x61: {  	[sflag:s25] =	ssyncadd.s32 $0xFFFFE000  }
0x62: {  	[tilespmem:s26], [sflag:$0x4] =	stream.indirect.gather [hbm4b:s4+s22], $0x40, s23, s22, $0xb8;
	[tilespmem:$0xE000] =	vst v63  }
0x63: {  	_ = 	snop  }
0x64: {  	[spmem:s1] =	stream.indirect.scatter.add.bf16 [tilespmem:s19], [sflag:$0x5], $0x40, s22, s22, $0xb8;
	[tilespmem:$0xE000] =	vst v63  }
0x65: {  	_ =	swait.ge [sflag:s28], $0x2000  }
0x66: {  	s10 =	sadd.s32 s10, s18;
	[sflag:s28] =	ssyncset.done $0x0  }
0x67: {  	s13 =	sadd.s32 $0xA00, s10;
	[sflag:s28] =	ssyncadd.s32 $0xFFFFE000  }
0x68: {  	[tilespmem:s2], [sflag:$0x1] =	stream.linear.gather [hbm4b:s13+s2], $0x100, $0x38;
	[tilespmem:$0xE000] =	vst v63  }
0x69: {  	_ =	swait.ge [sflag:s29], $0x2000  }
0x6a: {  	[sflag:s29] =	ssyncset.done $0x0  }
0x6b: {  	[sflag:s29] =	ssyncadd.s32 $0xFFFFE000  }
0x6c: {  	[spmem:s1] =	stream.indirect.scatter.add.bf16 [tilespmem:s26], [sflag:$0x6], $0x40, s30, s22, $0xb8;
	[tilespmem:$0xE000] =	vst v63  }
0x6d: {  	_ =	swait.ge [sflag:s21], $0x100  }
0x6e: {  	[sflag:s21] =	ssyncset.done $0x0  }
.Ltmp1:
0x6f: {  	[sflag:s21] =	ssyncadd.s32 $0xFFFFFF00;
	(pc) =	sbr.rel @p0 .LBB2_4-.Ltmp1, $4  }
0x70: {  	[tilespmem:s19], [sflag:$0x3] =	stream.indirect.gather [hbm4b:s4+s22], $0x40, s2, s22, $0xb8;
	[tilespmem:$0xE000] =	vst v63  }
0x71: {  	_ =	swait.ge [sflag:s31], $0x2000  }
0x72: {  	[sflag:s31] =	ssyncset.done $0x0  }
0x73: {  	s10 =	sadd.s32 $0xA20, s10;
	[sflag:s31] =	ssyncadd.s32 $0xFFFFE000  }
0x74: {  	[tilespmem:s23], [sflag:$0x2] =	stream.linear.gather [hbm4b:s10+s2], $0x100, $0x38;
	[tilespmem:$0xE000] =	vst v63  }
0x75: {  	_ =	swait.ge [sflag:s24], $0x100  }
0x76: {  	[sflag:s24] =	ssyncset.done $0x0  }
0x77: {  	[sflag:s24] =	ssyncadd.s32 $0xFFFFFF00  }
0x78: {  	_ =	swait.ge [sflag:s25], $0x2000  }
0x79: {  	[sflag:s25] =	ssyncset.done $0x0  }
0x7a: {  	[sflag:s25] =	ssyncadd.s32 $0xFFFFE000  }
0x7b: {  	[tilespmem:s26], [sflag:$0x4] =	stream.indirect.gather [hbm4b:s4+s22], $0x40, s23, s22, $0xb8;
	[tilespmem:$0xE000] =	vst v63  }
0x7c: {  	_ = 	snop  }
0x7d: {  	[spmem:s1] =	stream.indirect.scatter.add.bf16 [tilespmem:s19], [sflag:$0x5], $0x40, s22, s22, $0xb8;
	[tilespmem:$0xE000] =	vst v63  }
0x7e: {  	_ =	swait.ge [sflag:s28], $0x2000  }
0x7f: {  	[sflag:s28] =	ssyncset.done $0x0  }
0x80: {  	[sflag:s28] =	ssyncadd.s32 $0xFFFFE000  }
0x81: {  	_ =	swait.ge [sflag:s29], $0x2000  }
0x82: {  	[sflag:s29] =	ssyncset.done $0x0  }
0x83: {  	[sflag:s29] =	ssyncadd.s32 $0xFFFFE000  }
0x84: {  	[spmem:s1] =	stream.indirect.scatter.add.bf16 [tilespmem:s26], [sflag:$0x6], $0x40, s30, s22, $0xb8;
	[tilespmem:$0xE000] =	vst v63  }
0x85: {  	_ =	swait.ge [sflag:s31], $0x2000  }
0x86: {  	[sflag:s31] =	ssyncset.done $0x0  }
0x87: {  	[sflag:s31] =	ssyncadd.s32 $0xFFFFE000  }
0x88: {  	[bflag:$0x0] =	sbarrier.arrive $0xFFFF  }
0x89: {  	[tilespmem:s19], [sflag:$0x9] =	stream.linear.gather [spmem:s5], $0x2000, $0x38;
	[tilespmem:$0xE000] =	vst v63  }
0x8a: {  	_ =	swait.ge [sflag:s20], $0x2000  }
0x8b: {  	[sflag:s20] =	ssyncset.done $0x0  }
0x8c: {  	s12 =	rddreg [dreg:$0x6];
	[sflag:s20] =	ssyncadd.s32 $0xFFFFE000  }
0x8d: {  	[hbm4b:s12+s2] =	stream.linear.scatter [tilespmem:s19], [sflag:$0x7], $0x2000, $0x38;
	[tilespmem:$0xE000] =	vst v63  }
0x8e: {  	_ = 	snop  }
0x8f: {  	[tilespmem:s26], [sflag:$0x9] =	stream.linear.gather [spmem:s6], $0x2000, $0x38;
	[tilespmem:$0xE000] =	vst v63  }
0x90: {  	_ =	swait.ge [sflag:s20], $0x2000  }
0x91: {  	[sflag:s20] =	ssyncset.done $0x0  }
0x92: {  	s13 =	rddreg [dreg:$0x7];
	[sflag:s20] =	ssyncadd.s32 $0xFFFFE000  }
0x93: {  	[hbm4b:s13+s2] =	stream.linear.scatter [tilespmem:s26], [sflag:$0x8], $0x2000, $0x38;
	[tilespmem:$0xE000] =	vst v63  }
0x94: {  	_ =	swait.ge [sflag:s0], $0x2000  }
0x95: {  	[sflag:s0] =	ssyncset.done $0x0  }
0x96: {  	[sflag:s0] =	ssyncadd.s32 $0xFFFFE000  }
0x97: {  	[tilespmem:s19], [sflag:$0x9] =	stream.linear.gather [spmem:s7], $0x2000, $0x38;
	[tilespmem:$0xE000] =	vst v63  }
0x98: {  	_ =	swait.ge [sflag:s20], $0x2000  }
0x99: {  	[sflag:s20] =	ssyncset.done $0x0  }
0x9a: {  	[sflag:s20] =	ssyncadd.s32 $0xFFFFE000  }
0x9b: {  	[hbm4b:s14+s2] =	stream.linear.scatter [tilespmem:s19], [sflag:$0x7], $0x2000, $0x38;
	[tilespmem:$0xE000] =	vst v63  }
0x9c: {  	_ =	swait.ge [sflag:s3], $0x2000  }
0x9d: {  	[sflag:s3] =	ssyncset.done $0x0  }
0x9e: {  	[sflag:s3] =	ssyncadd.s32 $0xFFFFE000  }
0x9f: {  	[tilespmem:s26], [sflag:$0x9] =	stream.linear.gather [spmem:s8], $0x2000, $0x38;
	[tilespmem:$0xE000] =	vst v63  }
0xa0: {  	_ =	swait.ge [sflag:s20], $0x2000  }
0xa1: {  	[sflag:s20] =	ssyncset.done $0x0  }
0xa2: {  	[sflag:s20] =	ssyncadd.s32 $0xFFFFE000  }
0xa3: {  	[hbm4b:s15+s2] =	stream.linear.scatter [tilespmem:s26], [sflag:$0x8], $0x2000, $0x38;
	[tilespmem:$0xE000] =	vst v63  }
0xa4: {  	_ =	swait.ge [sflag:s0], $0x2000  }
0xa5: {  	[sflag:s0] =	ssyncset.done $0x0  }
0xa6: {  	[sflag:s0] =	ssyncadd.s32 $0xFFFFE000  }
0xa7: {  	[tilespmem:s19], [sflag:$0x9] =	stream.linear.gather [spmem:s9], $0x1E00, $0x38;
	[tilespmem:$0xE000] =	vst v63  }
0xa8: {  	_ =	swait.ge [sflag:s20], $0x1E00  }
0xa9: {  	[sflag:s20] =	ssyncset.done $0x0  }
0xaa: {  	s11 =	sadd.s32 $0x1, s11;
	[sflag:s20] =	ssyncadd.s32 $0xFFFFE200  }
0xab: {  	[hbm4b:s16+s2] =	stream.linear.scatter [tilespmem:s19], [sflag:$0x7], $0x1E00, $0x38;
	[tilespmem:$0xE000] =	vst v63  }
0xac: {  	p0 =	sne.s32 s11, s17;
	_ =	swait.ge [sflag:s3], $0x2000  }
.Ltmp2:
0xad: {  	[sflag:s3] =	ssyncset.done $0x0;
	(pc) =	sbr.rel @p0 .LBB2_1-.Ltmp2, $4  }
0xae: {  	[sflag:s3] =	ssyncadd.s32 $0xFFFFE000  }
0xaf: {  	_ =	swait.ge [sflag:s0], $0x1E00  }
0xb0: {  	[sflag:s0] =	ssyncset.done $0x0  }
0xb1: {  	[sflag:s0] =	ssyncadd.s32 $0xFFFFE200  }
0xb2: {  	_ =	sfence.sel $0x180000  }
0xb3: {  	[bflag:$0x0] =	sbarrier.arrive $0xFFFF  }
0xb4: {  	_ =	strace $0x9000004D  }
0xb5: {  	s0 =	stileid.u32;
	[bflag:$0x2] =	sbarrier.arrive $0xFFFF  }
0xb6: {  	p0 =	sne.s32 s0, $0x0;
	s0 =	rddreg [dreg:$0x3]  }
0xb7: {  	s0 =	sadd.s32 @!p0 $0x100000, s0  }
0xb8: {  	[sflag:s0] =	ssyncadd.tile.s32 @!p0 $0x1;
	_ =	shalt  }
.Lfunc_end2:
_tile_overlayer_lowered:
.L_overlay_start_2:
0xb9: {  	(tag) =	ssettag $0x2  }
0xba: {  	s0 =	rddreg [dreg:$0x0];
	s2 =	stileid.u32  }
0xbb: {  	s1 =	rddreg [dreg:$0x1];
	p0 =	sne.s32 s2, $0x0  }
0xbc: {  	s3 =	rddreg [dreg:$0x2];
	[bflag:$0x3] =	sbarrier.arrive $0xFFFF;
	s2 =	simm.s32 @!p0 $0x1C09  }
0xbd: {  	[timem:s3], [sflag:s2] =	dma.local @!p0 [hbm:s0], s1  }
0xbe: {  	s0 =	simm.s32 @!p0 $0x9  }
0xbf: {  	_ =	swait.ge @!p0 [sflag:s0], s1  }
0xc0: {  	s1 =	ssub.s32 @!p0 $0x0, s1;
	[sflag:s0] =	ssyncset.done @!p0 $0x0  }
0xc1: {  	[sflag:s0] =	ssyncadd.s32 @!p0 s1  }
0xc2: {  	[bflag:$0x3] =	sbarrier.arrive $0xFFFF  }
0xc3: {  	_ =	shalt  }

// kernel: kernel.8.cloned.1.call-start
scs
__scs_entry_jumppad:
0x0: {  	(pc) =	sbr.rel $0x88, $3  }
0x1: {  	(tag) =	ssettag $0x0;
	lr =	simm.s32 $0x1  }
0x2: {  	[smem:$0x3F9B] =	sst lr;
	_ =	strace $0xD0000000  }
0x3: {  	_ = 	snop  }
0x4: {  	_ = 	snop  }
0x5: {  	_ = 	snop  }
0x6: {  	_ = 	snop  }
0x7: {  	_ = 	snop  }
__scs_overlays_trampoline_lowered:
0x8: {  	[smem:$0x3FAA] =	sst s0  }
0x9: {  	[smem:$0x3FAB] =	sst s1  }
0xa: {  	[smem:$0x3FAC] =	sst s2  }
0xb: {  	[smem:$0x3FAD] =	sst s3  }
0xc: {  	[smem:$0x3FAE] =	sst s4  }
0xd: {  	[smem:$0x3FAF] =	sst s5  }
0xe: {  	[smem:$0x3FB0] =	sst s6  }
0xf: {  	[smem:$0x3FB1] =	sst s7  }
0x10: {  	[smem:$0x3FB2] =	sst s8  }
0x11: {  	[smem:$0x3FB3] =	sst s9;
	s0 =	simm.s32 @!p0 $0x0  }
0x12: {  	s1 =	sld [smem:$0x3F99];
	s0 =	simm.s32 @p0 $0x1  }
0x13: {  	[smem:$0x3FB4] =	sst s0;
	s0 =	simm.s32 @!p1 $0x0  }
0x14: {  	s2 =	sld [smem:$0x3F98];
	s0 =	simm.s32 @p1 $0x1  }
0x15: {  	[smem:$0x3FB5] =	sst s0;
	s0 =	simm.s32 @!p2 $0x0  }
0x16: {  	s3 =	sld [smem:$0x3FDB];
	s0 =	simm.s32 @p2 $0x1  }
0x17: {  	s4 =	simm.s32 $0x1BF5;
	[smem:$0x3FB7] =	sst s0  }
0x18: {  	s0 =	sld [smem:$0x3F9A];
	_ =	swait.ge [sflag:s4], $0x0  }
0x19: {  	s7 =	sld [smem:$0x3F9B]  }
0x1a: {  	s8 =	sadd.s32 $0xFFFFE003, lr  }
0x1b: {  	s9 =	sadd.s32 $0xFFFFFEF7, lr;
	s5 =	simm.s32 $0xFFFFFFFF;
	p2 =	slt.u32 s8, $0xFFFFF086  }
0x1c: {  	p1 =	slt.u32 s9, $0xF7A;
	s5 =	simm.s32 @!p2 $0x0  }
0x1d: {  	s5 =	simm.s32 @p1 $0x1;
	p0 =	seq.s32 s7, s2  }
0x1e: {  	s7 =	smul.u32 @!p0 $0xF7A, s2;
	p2 =	seq.s32 @!p0 s5, $0x0  }
0x1f: {  	s9 =	smul.u32 $0xF7A, s1;
	s8 =	simm.s32 @!p0 $0x1BF5;
	p2 =	por !p2, p0  }
0x20: {  	[sflag:s8] =	ssyncset.s32 @!p0 $0xFFFFF086;
	s6 =	sadd.s32 @!p0 s3, s7;
	s7 =	simm.s32 @!p0 $0x108  }
0x21: {  	s3 =	sadd.s32 s3, s9;
	s6 =	sadd.s32 @!p0 $0x88, s6;
	s7 =	simm.s32 @p2 $0x1082  }
0x22: {  	[simem:s7], [sflag:s8] =	dma.local @!p0 [hbm:s6], $0xF7A  }
0x23: {  	s9 =	sor.u32 $0xD0000000, s2;
	s6 =	simm.s32 $0x108;
	_ =	swait.ge @!p0 [sflag:s8], $0x0  }
0x24: {  	s3 =	sadd.s32 $0x88, s3;
	s6 =	simm.s32 @!p1 $0x1082;
	[sflag:s4] =	ssyncset.s32 $0xFFFFF086  }
0x25: {  	[simem:s6], [sflag:s4] =	dma.local [hbm:s3], $0xF7A  }
0x26: {  	[smem:$0x3F9B] =	sst s1;
	(tag) =	ssettag s2;
	_ =	strace s9  }
0x27: {  	s1 =	sld [smem:$0x3FAB]  }
0x28: {  	s2 =	sld [smem:$0x3FAC]  }
0x29: {  	s4 =	sld [smem:$0x3FAE]  }
0x2a: {  	p0 =	seq.s32 s5, $0x0;
	s5 =	sld [smem:$0x3FAF]  }
0x2b: {  	s6 =	sld [smem:$0x3FB0]  }
0x2c: {  	s7 =	sld [smem:$0x3FB1]  }
0x2d: {  	s3 =	simm.s32 $0x108;
	s8 =	sld [smem:$0x3FB2]  }
0x2e: {  	s3 =	simm.s32 @!p0 $0x1082;
	s9 =	sld [smem:$0x3FB3]  }
0x2f: {  	lr =	sadd.s32 s0, s3;
	s0 =	sld [smem:$0x3FAA]  }
0x30: {  	s3 =	sld [smem:$0x3FAD]  }
0x31: {  	[smem:$0x3FB6] =	sst s10  }
0x32: {  	s10 =	sld [smem:$0x3FB4];
	_ =	sdelay $0x3  }
0x33: {  	p0 =	seq.s32 s10, $0x1;
	s10 =	sld [smem:$0x3FB6];
	_ =	sdelay $0x3  }
0x34: {  	[smem:$0x3FB6] =	sst s10  }
0x35: {  	s10 =	sld [smem:$0x3FB5];
	_ =	sdelay $0x3  }
0x36: {  	p1 =	seq.s32 s10, $0x1;
	s10 =	sld [smem:$0x3FB6];
	_ =	sdelay $0x3  }
0x37: {  	[smem:$0x3FB6] =	sst s10  }
0x38: {  	s10 =	sld [smem:$0x3FB7]  }
0x39: {  	_ = 	snop;
	(pc) =	sbr.ind lr, $3  }
0x3a: {  	_ = 	snop  }
0x3b: {  	_ = 	snop  }
0x3c: {  	p2 =	seq.s32 s10, $0x1;
	s10 =	sld [smem:$0x3FB6]  }
0x3d: {  	_ =	shalt  }
0x3e: {  	_ =	shalt  }
0x3f: {  	_ =	shalt  }
0x40: {  	_ =	shalt  }
0x41: {  	_ =	shalt  }
0x42: {  	_ =	shalt  }
0x43: {  	_ =	shalt  }
0x44: {  	_ =	shalt  }
0x45: {  	_ =	shalt  }
0x46: {  	_ =	shalt  }
0x47: {  	_ =	shalt  }
0x48: {  	_ =	shalt  }
0x49: {  	_ =	shalt  }
0x4a: {  	_ =	shalt  }
0x4b: {  	_ =	shalt  }
0x4c: {  	_ =	shalt  }
0x4d: {  	_ =	shalt  }
0x4e: {  	_ =	shalt  }
0x4f: {  	_ =	shalt  }
0x50: {  	_ =	shalt  }
0x51: {  	_ =	shalt  }
0x52: {  	_ =	shalt  }
0x53: {  	_ =	shalt  }
0x54: {  	_ =	shalt  }
0x55: {  	_ =	shalt  }
0x56: {  	_ =	shalt  }
0x57: {  	_ =	shalt  }
0x58: {  	_ =	shalt  }
0x59: {  	_ =	shalt  }
0x5a: {  	_ =	shalt  }
0x5b: {  	_ =	shalt  }
0x5c: {  	_ =	shalt  }
0x5d: {  	_ =	shalt  }
0x5e: {  	_ =	shalt  }
0x5f: {  	_ =	shalt  }
0x60: {  	_ =	shalt  }
0x61: {  	_ =	shalt  }
0x62: {  	_ =	shalt  }
0x63: {  	_ =	shalt  }
0x64: {  	_ =	shalt  }
0x65: {  	_ =	shalt  }
0x66: {  	_ =	shalt  }
0x67: {  	_ =	shalt  }
0x68: {  	_ =	shalt  }
0x69: {  	_ =	shalt  }
0x6a: {  	_ =	shalt  }
0x6b: {  	_ =	shalt  }
0x6c: {  	_ =	shalt  }
0x6d: {  	_ =	shalt  }
0x6e: {  	_ =	shalt  }
0x6f: {  	_ =	shalt  }
0x70: {  	_ =	shalt  }
0x71: {  	_ =	shalt  }
0x72: {  	_ =	shalt  }
0x73: {  	_ =	shalt  }
0x74: {  	_ =	shalt  }
0x75: {  	_ =	shalt  }
0x76: {  	_ =	shalt  }
0x77: {  	_ =	shalt  }
0x78: {  	_ =	shalt  }
0x79: {  	_ =	shalt  }
0x7a: {  	_ =	shalt  }
0x7b: {  	_ =	shalt  }
0x7c: {  	_ =	shalt  }
0x7d: {  	_ =	shalt  }
0x7e: {  	_ =	shalt  }
0x7f: {  	_ =	shalt  }
0x80: {  	_ =	shalt  }
0x81: {  	_ =	shalt  }
0x82: {  	_ =	shalt  }
0x83: {  	_ =	shalt  }
0x84: {  	_ =	shalt  }
0x85: {  	_ =	shalt  }
0x86: {  	_ =	shalt  }
0x87: {  	_ =	shalt  }
.Lfunc_end0:
.L_simem_size_0:
called_computation_lowered:
.L_overlay_start_0:
0x88: {  	s2 =	sld [smem:$0x3FD9]  }
0x89: {  	s3 =	sld [smem:$0x3FFE];
	_ =	sdelay $0x1  }
0x8a: {  	s1 =	srdreg.scid  }
0x8b: {  	s0 =	sand.u32 $0x1, s1  }
0x8c: {  	s17 =	sshll.u32 s0, $0xA;
	s2 =	sadd.s32 s3, s2  }
0x8d: {  	s2 =	sadd.s32 s2, s17  }
0x8e: {  	[smem:$0x3FC2] =	sst s2  }
0x8f: {  	_ = 	snop  }
0x90: {  	s2 =	sld [smem:$0x3FD0];
	(tm) =	ssettm $0x1  }
0x91: {  	s18 =	sld [smem:$0x3FFB];
	_ =	sdelay $0x3  }
0x92: {  	_ =	strace s18  }
0x93: {  	s3 =	sld [smem:$0x3FFC];
	_ =	sdelay $0x3  }
0x94: {  	_ =	strace s3  }
0x95: {  	s3 =	sld [smem:$0x3FFD];
	_ =	sdelay $0x3  }
0x96: {  	_ =	strace s3  }
0x97: {  	_ =	strace $0x8FFFFFFF  }
0x98: {  	s19 =	sld [smem:$0x3FDB];
	_ =	sdelay $0x1  }
0x99: {  	s4 =	simm.s32 $_scs_section_size  }
0x9a: {  	s5 =	simm.s32 $_size__tile_overlayer_lowered;
	s6 =	simm.s32 $_tile_overlayer_lowered  }
0x9b: {  	s22 =	simm.s32 $0x1BFF;
	s21 =	sshll.u32 s6, $0x1;
	s3 =	sadd.s32 s4, s19  }
0x9c: {  	s7 =	simm.s32 $0x0;
	s20 =	sshll.u32 s5, $0x1;
	s5 =	sadd.s32 s21, s3  }
0x9d: {  	[timem:s7], [sflag:s22] =	dma.local [hbm:s5], s20  }
0x9e: {  	_ =	swait.ge [sflag:s22], s20  }
0x9f: {  	s4 =	ssub.s32 $0x0, s20;
	[sflag:s22] =	ssyncset.done $0x0  }
0xa0: {  	[sflag:s22] =	ssyncadd.s32 s4;
	_ =	sdelay $0x1  }
0xa1: {  	s23 =	simm.s32 $0x1B8B  }
0xa2: {  	_ =	swait.ge [sflag:s23], $0x1  }
0xa3: {  	[sflag:s23] =	ssyncset.done $0x0  }
0xa4: {  	s25 =	simm.s32 $0x1B8E;
	s24 =	sld [smem:$0x3FFE];
	[sflag:s23] =	ssyncadd.s32 $0xFFFFFFFF  }
0xa5: {  	s26 =	simm.s32 $execute0_lowered;
	[smem:$0x3FD2] =	sst s25  }
0xa6: {  	s5 =	sshll.u32 s26, $0x1;
	_ =	strace $0x80000046;
	[dreg:$0x1] =	wrdreg $0xFFFFFFFF  }
0xa7: {  	s28 =	simm.s32 $_size_execute0_lowered;
	s3 =	sadd.s32 s3, s5;
	[dreg:$0x0] =	wrdreg $0x0  }
0xa8: {  	s5 =	sshll.u32 s28, $0x1;
	[dreg:$0x2] =	wrdreg s3  }
0xa9: {  	[dreg:$0x3] =	wrdreg s5  }
0xaa: {  	[dreg:$0x4] =	wrdreg $0xC0  }
0xab: {  	_ =	task [dreg:s7], $0x5FFFF  }
0xac: {  	[dreg:$0x1] =	wrdreg $0xFFFFFFFF  }
0xad: {  	[dreg:$0x0] =	wrdreg $0x60  }
0xae: {  	[dreg:$0x2] =	wrdreg s2  }
0xaf: {  	[dreg:$0x3] =	wrdreg s24  }
0xb0: {  	[dreg:$0x4] =	wrdreg $0x4000  }
0xb1: {  	[dreg:$0x5] =	wrdreg $0x9  }
0xb2: {  	_ =	task.clear_ibuf [dreg:s7], $0x6FFFF;
	_ =	strace $0x90000046  }
0xb3: {  	s29 =	simm.s32 $0x9;
	_ =	strace $0x80000048  }
0xb4: {  	_ =	swait.ge [sflag:s29], $0x1  }
0xb5: {  	[sflag:s29] =	ssyncadd.s32 $0xFFFFFFFF  }
0xb6: {  	_ =	strace $0x90000048  }
0xb7: {  	_ =	sfence  }
0xb8: {  	s30 =	sld [smem:$0x0];
	_ =	sdelay $0x2  }
0xb9: {  	s31 =	sshll.u32 s1, $0xD;
	s1 =	sshrl.u32 s1, $0x2  }
0xba: {  	s3 =	sand.u32 $0x4000, s31;
	s1 =	sadd.s32 s1, s30  }
0xbb: {  	s0 =	sor.u32 s3, s0;
	s1 =	sshll.u32 s1, $0x11  }
0xbc: {  	s0 =	sor.u32 s1, s0  }
0xbd: {  	s0 =	sadd.s32 $0x8F2B, s0  }
0xbe: {  	[sflag:s0] =	ssyncadd.remote.s32 $0x1  }
0xbf: {  	_ =	sfence.sel $0xFFFF  }
0xc0: {  	[dreg:$0x0] =	wrdreg $0xFFFFFFFF;
	(pc) =	sbr.abs _section_cstart, $3  }
0xc1: {  	[dreg:$0x1] =	wrdreg $0xFFFFFFFF  }
0xc2: {  	_ =	task.clear_ibuf [dreg:s7], $0x2FFFF;
	_ =	strace $0x9FFFFFFF  }
0xc3: {  	(tm) =	ssettm $0x7FFFFFFF  }
tec
execute0_lowered:
.L_overlay_start_1:
0x0: {  	(tag) =	ssettag $0x1  }
0x1: {  	s8 =	rddreg [dreg:$0x0]  }
0x2: {  	s4 =	rddreg [dreg:$0x1]  }
0x3: {  	s2 =	rddreg [dreg:$0x2]  }
0x4: {  	s0 =	rddreg [dreg:$0x3]  }
0x5: {  	s5 =	srdreg.scid;
	s1 =	stileid.u32  }
0x6: {  	s3 =	simm.s32 $0x0;
	s14 =	simm.s32 $0x100;
	s15 =	simm.s32 $0x2  }
0x7: {  	s16 =	simm.s32 $0x0;
	s5 =	sand.u32 $0x1, s5;
	s6 =	smul.u32 $0x500, s1  }
0x8: {  	[smem:$0x7FF] =	sst s3;
	s28 =	smul.u32 $0xA00, s1;
	s7 =	sshll.u32 s5, $0x7  }
0x9: {  	s9 =	sshll.u32 s5, $0x4;
	s10 =	ssub.s32 $0x2, s5;
	_ =	strace $0x80000047  }
0xa: {  	s13 =	smul.u32 $0xA000, s5;
	s6 =	sor.u32 s7, s6;
	s26 =	sor.u32 s1, s9  }
0xb: {  	s29 =	sshrl.u32 s10, $0x1;
	s11 =	sshrl.u32 s28, $0x2;
	s6 =	sshrl.u32 s6, $0x3  }
0xc: {  	s7 =	smul.u32 $0xA00, s26;
	s30 =	ssub.s32 s10, s29;
	s31 =	sadd.s32 s13, s8  }
0xd: {  	s10 =	simm.s32 $0x180;
	s13 =	simm.s32 $0x80;
	s6 =	sadd.s32 s6, s4  }
0xe: {  	s4 =	sadd.s32 s11, s2;
	s9 =	sadd.s32 s28, s31;
	s11 =	simm.s32 $0x3  }
0xf: {  	s12 =	sadd.s32 s8, s7;
	s6 =	sadd.s32 $0x2600, s6;
	s7 =	smax.u32 s30, $0x1  }
0x10: {  	v0 =	vimm.f32 $1.000000000e+00;
	v1 =	vimm.f32 $0.0e+00;
	s5 =	sadd.s32 $0x10, s12;
	s8 =	sadd.s32 $0x9F0, s12;
	s12 =	simm.s32 $0x1  }
.LBB2_1:
0x11: {  	[tilespmem:$0x100] =	vst v0  }
0x12: {  	[tilespmem:$0x110] =	vst v0  }
0x13: {  	[tilespmem:$0x120] =	vst v0  }
0x14: {  	[tilespmem:$0x130] =	vst v0  }
0x15: {  	[tilespmem:$0x140] =	vst v0  }
0x16: {  	[tilespmem:$0x150] =	vst v0  }
0x17: {  	[tilespmem:$0x160] =	vst v0  }
0x18: {  	[tilespmem:$0x170] =	vst v0  }
0x19: {  	[tilespmem:$0x180] =	vst v1  }
0x1a: {  	[tilespmem:$0x190] =	vst v1  }
0x1b: {  	[tilespmem:$0x1A0] =	vst v1  }
0x1c: {  	[tilespmem:$0x1B0] =	vst v1  }
0x1d: {  	[tilespmem:$0x1C0] =	vst v1  }
0x1e: {  	[tilespmem:$0x1D0] =	vst v1  }
0x1f: {  	[tilespmem:$0x1E0] =	vst v1  }
0x20: {  	[tilespmem:$0x1F0] =	vst v1  }
0x21: {  	[tilespmem:$0x200] =	vst v1  }
0x22: {  	[tilespmem:$0x210] =	vst v1  }
0x23: {  	[tilespmem:$0x220] =	vst v1  }
0x24: {  	[tilespmem:$0x230] =	vst v1  }
0x25: {  	[tilespmem:$0x240] =	vst v1  }
0x26: {  	[tilespmem:$0x250] =	vst v1  }
0x27: {  	[tilespmem:$0x260] =	vst v1  }
0x28: {  	[tilespmem:$0x270] =	vst v1  }
0x29: {  	[tilespmem:$0x280] =	vst v1  }
0x2a: {  	[tilespmem:$0x290] =	vst v1  }
0x2b: {  	[tilespmem:$0x2A0] =	vst v1  }
0x2c: {  	[tilespmem:$0x2B0] =	vst v1  }
0x2d: {  	[tilespmem:$0x2C0] =	vst v1  }
0x2e: {  	[tilespmem:$0x2D0] =	vst v1  }
0x2f: {  	[tilespmem:$0x2E0] =	vst v1  }
0x30: {  	[tilespmem:$0x2F0] =	vst v1  }
0x31: {  	[tilespmem:$0x300] =	vst v1  }
0x32: {  	[tilespmem:$0x310] =	vst v1  }
0x33: {  	[tilespmem:$0x320] =	vst v1  }
0x34: {  	[tilespmem:$0x330] =	vst v1  }
0x35: {  	[tilespmem:$0x340] =	vst v1  }
0x36: {  	[tilespmem:$0x350] =	vst v1  }
0x37: {  	[tilespmem:$0x360] =	vst v1  }
0x38: {  	[tilespmem:$0x370] =	vst v1  }
0x39: {  	[tilespmem:$0x380] =	vst v1  }
0x3a: {  	[tilespmem:$0x390] =	vst v1  }
0x3b: {  	[tilespmem:$0x3A0] =	vst v1  }
0x3c: {  	[tilespmem:$0x3B0] =	vst v1  }
0x3d: {  	[tilespmem:$0x3C0] =	vst v1  }
0x3e: {  	[tilespmem:$0x3D0] =	vst v1  }
0x3f: {  	[tilespmem:$0x3E0] =	vst v1  }
0x40: {  	[tilespmem:$0x3F0] =	vst v1  }
0x41: {  	[spmem:s4] =	stream.linear.scatter [tilespmem:s10], [sflag:$0x3], $0x280, $0x38;
	[tilespmem:$0x680] =	vst v63  }
0x42: {  	_ =	swait.ge [sflag:s11], $0x280  }
0x43: {  	[sflag:s11] =	ssyncset.done $0x0  }
0x44: {  	[sflag:s11] =	ssyncadd.s32 $0xFFFFFD80  }
0x45: {  	[bflag:$0x0] =	sbarrier.arrive $0xFFFF  }
0x46: {  	[tilespmem:s3], [sflag:$0x1] =	stream.linear.gather [hbm4b:s5+s3], $0x80, $0x38;
	[tilespmem:$0x680] =	vst v63  }
0x47: {  	_ =	swait.ge [sflag:s12], $0x80  }
0x48: {  	s17 =	sadd.s32 $0xFFFFF640, s9;
	[sflag:s12] =	ssyncset.done $0x0  }
0x49: {  	s18 =	sadd.s32 $0x9F0, s17;
	[sflag:s12] =	ssyncadd.s32 $0xFFFFFF80  }
0x4a: {  	[tilespmem:s13], [sflag:$0x2] =	stream.linear.gather [hbm4b:s18+s3], $0x80, $0x38;
	[tilespmem:$0x680] =	vst v63  }
0x4b: {  	_ = 	snop  }
0x4c: {  	[spmem:s2] =	stream.indirect.scatter.add.f32 [tilespmem:s14], [sflag:$0x3], $0x1, s3, s13, $0xb8;
	[tilespmem:$0x680] =	vst v63  }
0x4d: {  	_ =	swait.ge [sflag:s11], $0x80  }
0x4e: {  	[sflag:s11] =	ssyncset.done $0x0  }
0x4f: {  	[sflag:s11] =	ssyncadd.s32 $0xFFFFFF80  }
0x50: {  	_ =	swait.ge [sflag:s15], $0x80  }
0x51: {  	[sflag:s15] =	ssyncset.done $0x0  }
0x52: {  	s17 =	sadd.s32 $0xA10, s17;
	[sflag:s15] =	ssyncadd.s32 $0xFFFFFF80  }
0x53: {  	[tilespmem:s3], [sflag:$0x1] =	stream.linear.gather [hbm4b:s17+s3], $0x80, $0x38;
	[tilespmem:$0x680] =	vst v63  }
0x54: {  	_ = 	snop  }
0x55: {  	[spmem:s2] =	stream.indirect.scatter.add.f32 [tilespmem:s14], [sflag:$0x3], $0x1, s13, s13, $0xb8;
	[tilespmem:$0x680] =	vst v63  }
0x56: {  	_ =	swait.ge [sflag:s11], $0x80  }
0x57: {  	s17 =	simm.s32 $0xFFFFF680;
	[sflag:s11] =	ssyncset.done $0x0  }
.LBB2_2:
0x58: {  	p0 =	sne.s32 s17, $0xFFFFFFC0  }
0x59: {  	[sflag:s11] =	ssyncadd.s32 $0xFFFFFF80;
	s18 =	smov.u32 s17;
	s17 =	sadd.s32 $0x40, s17  }
0x5a: {  	_ = 	snop  }
0x5b: {  	_ =	swait.ge [sflag:s12], $0x80  }
0x5c: {  	s18 =	sadd.s32 s18, s9;
	[sflag:s12] =	ssyncset.done $0x0  }
0x5d: {  	s19 =	sadd.s32 $0x9F0, s18;
	[sflag:s12] =	ssyncadd.s32 $0xFFFFFF80  }
0x5e: {  	[tilespmem:s13], [sflag:$0x2] =	stream.linear.gather [hbm4b:s19+s3], $0x80, $0x38;
	[tilespmem:$0x680] =	vst v63  }
0x5f: {  	_ = 	snop  }
0x60: {  	[spmem:s2] =	stream.indirect.scatter.add.f32 [tilespmem:s14], [sflag:$0x3], $0x1, s3, s13, $0xb8;
	[tilespmem:$0x680] =	vst v63  }
0x61: {  	_ =	swait.ge [sflag:s11], $0x80  }
0x62: {  	[sflag:s11] =	ssyncset.done $0x0  }
0x63: {  	[sflag:s11] =	ssyncadd.s32 $0xFFFFFF80  }
0x64: {  	_ =	swait.ge [sflag:s15], $0x80  }
0x65: {  	[sflag:s15] =	ssyncset.done $0x0  }
0x66: {  	s18 =	sadd.s32 $0xA10, s18;
	[sflag:s15] =	ssyncadd.s32 $0xFFFFFF80  }
0x67: {  	[tilespmem:s3], [sflag:$0x1] =	stream.linear.gather [hbm4b:s18+s3], $0x80, $0x38;
	[tilespmem:$0x680] =	vst v63  }
.Ltmp0:
0x68: {  	_ = 	snop;
	(pc) =	sbr.rel @p0 .LBB2_2-.Ltmp0, $4  }
0x69: {  	_ = 	snop  }
0x6a: {  	[spmem:s2] =	stream.indirect.scatter.add.f32 [tilespmem:s14], [sflag:$0x3], $0x1, s13, s13, $0xb8;
	[tilespmem:$0x680] =	vst v63  }
0x6b: {  	_ =	swait.ge [sflag:s11], $0x80  }
0x6c: {  	[sflag:s11] =	ssyncset.done $0x0  }
0x6d: {  	[sflag:s11] =	ssyncadd.s32 $0xFFFFFF80  }
0x6e: {  	_ =	swait.ge [sflag:s12], $0x80  }
0x6f: {  	[sflag:s12] =	ssyncset.done $0x0  }
0x70: {  	[sflag:s12] =	ssyncadd.s32 $0xFFFFFF80  }
0x71: {  	[tilespmem:s13], [sflag:$0x2] =	stream.linear.gather [hbm4b:s8+s3], $0x80, $0x38;
	[tilespmem:$0x680] =	vst v63  }
0x72: {  	_ = 	snop  }
0x73: {  	[spmem:s2] =	stream.indirect.scatter.add.f32 [tilespmem:s14], [sflag:$0x3], $0x1, s3, s13, $0xb8;
	[tilespmem:$0x680] =	vst v63  }
0x74: {  	_ =	swait.ge [sflag:s11], $0x80  }
0x75: {  	[sflag:s11] =	ssyncset.done $0x0  }
0x76: {  	[sflag:s11] =	ssyncadd.s32 $0xFFFFFF80  }
0x77: {  	_ =	swait.ge [sflag:s15], $0x80  }
0x78: {  	[sflag:s15] =	ssyncset.done $0x0  }
0x79: {  	[sflag:s15] =	ssyncadd.s32 $0xFFFFFF80  }
0x7a: {  	[spmem:s2] =	stream.indirect.scatter.add.f32 [tilespmem:s14], [sflag:$0x3], $0x1, s13, s13, $0xb8;
	[tilespmem:$0x680] =	vst v63  }
0x7b: {  	_ =	swait.ge [sflag:s11], $0x80  }
0x7c: {  	[sflag:s11] =	ssyncset.done $0x0  }
0x7d: {  	[sflag:s11] =	ssyncadd.s32 $0xFFFFFF80  }
0x7e: {  	[bflag:$0x0] =	sbarrier.arrive $0xFFFF  }
0x7f: {  	[tilespmem:s10], [sflag:$0x3] =	stream.linear.gather [spmem:s4], $0x280, $0x38;
	[tilespmem:$0x680] =	vst v63  }
0x80: {  	s16 =	sadd.s32 $0x1, s16;
	_ =	swait.ge [sflag:s11], $0x280  }
0x81: {  	p0 =	sne.s32 s16, s7;
	[sflag:s11] =	ssyncset.done $0x0  }
.Ltmp1:
0x82: {  	[sflag:s11] =	ssyncadd.s32 $0xFFFFFD80;
	(pc) =	sbr.rel @p0 .LBB2_1-.Ltmp1, $4  }
0x83: {  	[hbm4b:s6+s13] =	stream.strided.scatter [tilespmem:s10], [sflag:$0x3], $0x280, s14, s13, $0x38;
	[tilespmem:$0x680] =	vst v63  }
0x84: {  	_ =	swait.ge [sflag:s11], $0x280  }
0x85: {  	[sflag:s11] =	ssyncset.done $0x0  }
0x86: {  	[sflag:s11] =	ssyncadd.s32 $0xFFFFFD80  }
0x87: {  	_ =	sfence.sel $0x180000  }
0x88: {  	[bflag:$0x0] =	sbarrier.arrive $0xFFFF  }
0x89: {  	p0 =	sne.s32 s1, $0x0;
	_ =	strace $0x90000047  }
0x8a: {  	s0 =	sadd.s32 @!p0 $0x100000, s0;
	[bflag:$0x2] =	sbarrier.arrive $0xFFFF  }
0x8b: {  	[sflag:s0] =	ssyncadd.tile.s32 @!p0 $0x1;
	_ =	shalt  }
.Lfunc_end2:
_tile_overlayer_lowered:
.L_overlay_start_2:
0x8c: {  	(tag) =	ssettag $0x2  }
0x8d: {  	s0 =	rddreg [dreg:$0x0];
	s2 =	stileid.u32  }
0x8e: {  	s1 =	rddreg [dreg:$0x1];
	p0 =	sne.s32 s2, $0x0  }
0x8f: {  	s3 =	rddreg [dreg:$0x2];
	[bflag:$0x3] =	sbarrier.arrive $0xFFFF;
	s2 =	simm.s32 @!p0 $0x1C03  }
0x90: {  	[timem:s3], [sflag:s2] =	dma.local @!p0 [hbm:s0], s1  }
0x91: {  	s0 =	simm.s32 @!p0 $0x3  }
0x92: {  	_ =	swait.ge @!p0 [sflag:s0], s1  }
0x93: {  	s1 =	ssub.s32 @!p0 $0x0, s1;
	[sflag:s0] =	ssyncset.done @!p0 $0x0  }
0x94: {  	[sflag:s0] =	ssyncadd.s32 @!p0 s1  }
0x95: {  	[bflag:$0x3] =	sbarrier.arrive $0xFFFF  }
0x96: {  	_ =	shalt  }

</sc_bundles>
